<compile_context>
chip_gen: v7x
topology: tpu7x:2x2x1
jax: 0.10.2.dev20260603
libtpu: 0.0.44.dev20260713+nightly
codegen_flags: <defaults>
</compile_context>

<pallas_src>
import functools

import jax
import jax.numpy as jnp
from jax.experimental import pallas as pl
from jax.experimental.pallas import tpu as pltpu

N = 10000
E = 320000
HEADS = 5
N_GRAPHS = 100

NPAD = 10240
BN = 256


def _mm_kernel(x_ref, w_ref, as_ref, ad_ref, h_ref, als_ref, ald_ref):
    h = jnp.dot(x_ref[...], w_ref[...], preferred_element_type=jnp.float32)
    h_ref[...] = h
    als_ref[...] = jnp.dot(h, as_ref[...], preferred_element_type=jnp.float32)
    ald_ref[...] = jnp.dot(h, ad_ref[...], preferred_element_type=jnp.float32)


def _proj(x, W, A_s, A_d):
    K = x.shape[1]
    D = W.shape[1]
    grid = (NPAD // BN,)
    return pl.pallas_call(
        _mm_kernel,
        grid=grid,
        in_specs=[
            pl.BlockSpec((BN, K), lambda i: (i, 0)),
            pl.BlockSpec((K, D), lambda i: (0, 0)),
            pl.BlockSpec((D, HEADS), lambda i: (0, 0)),
            pl.BlockSpec((D, HEADS), lambda i: (0, 0)),
        ],
        out_specs=[
            pl.BlockSpec((BN, D), lambda i: (i, 0)),
            pl.BlockSpec((BN, HEADS), lambda i: (i, 0)),
            pl.BlockSpec((BN, HEADS), lambda i: (i, 0)),
        ],
        out_shape=[
            jax.ShapeDtypeStruct((NPAD, D), jnp.float32),
            jax.ShapeDtypeStruct((NPAD, HEADS), jnp.float32),
            jax.ShapeDtypeStruct((NPAD, HEADS), jnp.float32),
        ],
    )(x, W, A_s, A_d)


def _head_kernel(h_ref, batch_ref, wl_ref, bl_ref, wl2_ref, bl2_ref, o_ref):
    b = batch_ref[...]
    gids = jax.lax.broadcasted_iota(jnp.int32, (N_GRAPHS, NPAD), 0)
    oh = jnp.where(b == gids, 1.0, 0.0)
    g = jnp.dot(oh, h_ref[...], preferred_element_type=jnp.float32)
    g = jax.nn.relu(jnp.dot(g, wl_ref[...], preferred_element_type=jnp.float32)
                    + bl_ref[...])
    g = jnp.dot(g, wl2_ref[...], preferred_element_type=jnp.float32) + bl2_ref[...]
    o_ref[...] = jax.nn.sigmoid(g)


def _head(h3, batch_pad, Wl, bl, Wl2, bl2):
    OUT = Wl2.shape[1]
    return pl.pallas_call(
        _head_kernel,
        in_specs=[
            pl.BlockSpec((NPAD, h3.shape[1]), lambda: (0, 0)),
            pl.BlockSpec((1, NPAD), lambda: (0, 0)),
            pl.BlockSpec(Wl.shape, lambda: (0, 0)),
            pl.BlockSpec((1, Wl.shape[1]), lambda: (0, 0)),
            pl.BlockSpec(Wl2.shape, lambda: (0, 0)),
            pl.BlockSpec((1, OUT), lambda: (0, 0)),
        ],
        out_specs=pl.BlockSpec((N_GRAPHS, OUT), lambda: (0, 0)),
        out_shape=jax.ShapeDtypeStruct((N_GRAPHS, OUT), jnp.float32),
    )(h3, batch_pad, Wl, bl.reshape(1, -1), Wl2, bl2.reshape(1, -1))


def _aggregate(h, als, ald, src, dst, heads, dh, b):
    alpha = jax.nn.leaky_relu(als[src] + ald[dst], negative_slope=0.2)
    ex = jnp.exp(alpha)
    den = jax.ops.segment_sum(ex, dst, num_segments=NPAD)
    a = ex / den[dst]
    hsv = h.reshape(NPAD, heads, dh)
    out = jax.ops.segment_sum(hsv[src] * a[:, :, None], dst, num_segments=NPAD)
    return jax.nn.relu(out.reshape(NPAD, heads * dh) + b)


def kernel(x, edge_index, batch, W1, a_src1, a_dst1, b1, W2, a_src2, a_dst2,
           b2, W3, a_src3, a_dst3, b3, Wl, bl, Wl2, bl2):
    xp = jnp.pad(x, ((0, NPAD - N), (0, 0)))
    loop = jnp.arange(N, dtype=edge_index.dtype)
    src = jnp.concatenate([edge_index[0], loop])
    dst = jnp.concatenate([edge_index[1], loop])
    batch_pad = jnp.pad(batch, (0, NPAD - N), constant_values=N_GRAPHS)

    def mk_attn(a_s, a_d, heads, dh):
        A_s = jnp.zeros((heads * dh, heads), jnp.float32)
        A_d = jnp.zeros((heads * dh, heads), jnp.float32)
        rows = jnp.arange(heads * dh)
        cols = rows // dh
        A_s = A_s.at[rows, cols].set(a_s.reshape(-1))
        A_d = A_d.at[rows, cols].set(a_d.reshape(-1))
        return A_s, A_d

    layers = [
        (W1, a_src1, a_dst1, b1, HEADS, 64),
        (W2, a_src2, a_dst2, b2, HEADS, 96),
        (W3, a_src3, a_dst3, b3, 1, 32),
    ]
    h = xp
    for (W, a_s, a_d, b, heads, dh) in layers:
        A_s, A_d = mk_attn(a_s, a_d, heads, dh)
        Wp = jnp.pad(W, ((0, 0), (0, 0)))
        A_sp = jnp.pad(A_s, ((0, 0), (0, HEADS - heads)))
        A_dp = jnp.pad(A_d, ((0, 0), (0, HEADS - heads)))
        hw, als, ald = _proj(h, Wp, A_sp, A_dp)
        h = _aggregate(hw, als[:, :heads], ald[:, :heads], src, dst, heads, dh, b)

    return _head(h, batch_pad.reshape(1, NPAD).astype(jnp.int32),
                 Wl, bl, Wl2, bl2)

# --- scband reference (transcript-rebuilt; emitter-appended) ---
"""Pipeline reference for scband-predictor6-17274358465190 (READ-ONLY COPY).

The authoritative reference and input builder live on the scoring server;
editing this copy changes nothing except your own understanding.
"""

import jax, jax.numpy as jnp
import numpy as np

N = 10000
E = 320000
F_IN = 128
DIM = 32
HEADS = 5
N_GRAPHS = 100
OUT_CH = 1

def _glorot(key, shape):
    fan_in = shape[0] if len(shape) == 2 else shape[-1]
    return jax.random.normal(key, shape, dtype=jnp.float32) * (1.0 / np.sqrt(fan_in))

def setup_inputs(seed: int = 0):
    key = jax.random.key(seed)
    ks = jax.random.split(key, 20)
    x = jax.random.normal(ks[0], (N, F_IN), dtype=jnp.float32)
    edge_index = jax.random.randint(ks[1], (2, E), 0, N)
    batch = jnp.sort(jax.random.randint(ks[2], (N,), 0, N_GRAPHS))
    d1 = DIM * 2
    d2 = DIM * 3
    W1 = _glorot(ks[3], (F_IN, HEADS * d1))
    a_src1 = _glorot(ks[4], (1, HEADS, d1))
    a_dst1 = _glorot(ks[5], (1, HEADS, d1))
    b1 = jnp.zeros((HEADS * d1,), jnp.float32)
    W2 = _glorot(ks[6], (HEADS * d1, HEADS * d2))
    a_src2 = _glorot(ks[7], (1, HEADS, d2))
    a_dst2 = _glorot(ks[8], (1, HEADS, d2))
    b2 = jnp.zeros((HEADS * d2,), jnp.float32)
    W3 = _glorot(ks[9], (HEADS * d2, DIM))
    a_src3 = _glorot(ks[10], (1, 1, DIM))
    a_dst3 = _glorot(ks[11], (1, 1, DIM))
    b3 = jnp.zeros((DIM,), jnp.float32)
    Wl = _glorot(ks[12], (DIM, 1024))
    bl = jnp.zeros((1024,), jnp.float32)
    Wl2 = _glorot(ks[13], (1024, OUT_CH))
    bl2 = jnp.zeros((OUT_CH,), jnp.float32)
    return {"x": x, "edge_index": edge_index, "batch": batch, "W1": W1, "a_src1": a_src1, "a_dst1": a_dst1, "b1": b1, "W2": W2, "a_src2": a_src2, "a_dst2": a_dst2, "b2": b2, "W3": W3, "a_src3": a_src3, "a_dst3": a_dst3, "b3": b3, "Wl": Wl, "bl": bl, "Wl2": Wl2, "bl2": bl2}

def _gat(x, src, dst, W, a_s, a_d, b, heads, dh, n):
    h = (x @ W).reshape(n, heads, dh)
    al_s = jnp.sum(h * a_s, axis=-1)
    al_d = jnp.sum(h * a_d, axis=-1)
    alpha = jax.nn.leaky_relu(al_s[src] + al_d[dst], negative_slope=0.2)
    m = jax.lax.stop_gradient(jax.ops.segment_max(alpha, dst, num_segments=n))
    m = jnp.where(jnp.isfinite(m), m, 0.0)
    ex = jnp.exp(alpha - m[dst])
    den = jax.ops.segment_sum(ex, dst, num_segments=n)
    a = ex / (den[dst] + 1e-16)
    out = jax.ops.segment_sum(h[src] * a[:, :, None], dst, num_segments=n)
    return out.reshape(n, heads * dh) + b

def reference(x, edge_index, batch, W1, a_src1, a_dst1, b1, W2, a_src2, a_dst2, b2, W3, a_src3, a_dst3, b3, Wl, bl, Wl2, bl2):
    n = x.shape[0]
    loop = jnp.arange(n, dtype=edge_index.dtype)
    src = jnp.concatenate([edge_index[0], loop])
    dst = jnp.concatenate([edge_index[1], loop])
    h = jax.nn.relu(_gat(x, src, dst, W1, a_src1, a_dst1, b1, HEADS, DIM * 2, n))
    h = jax.nn.relu(_gat(h, src, dst, W2, a_src2, a_dst2, b2, HEADS, DIM * 3, n))
    h = jax.nn.relu(_gat(h, src, dst, W3, a_src3, a_dst3, b3, 1, DIM, n))
    g = jax.ops.segment_sum(h, batch, num_segments=N_GRAPHS)
    g = jax.nn.relu(g @ Wl + bl)
    g = g @ Wl2 + bl2
    return jax.nn.sigmoid(g)

if __name__ == "__main__":
    import jax
    _d = setup_inputs()
    print(jax.jit(kernel)(*tuple(_d.values())))

</pallas_src>

<mosaic_0001>
module attributes {stable_mosaic.version = 14 : i64} {
  func.func @_mm_kernel(%arg0: i32, %arg1: memref<256x128xf32, #tpu.memory_space<vmem>>, %arg2: memref<128x320xf32, #tpu.memory_space<vmem>>, %arg3: memref<320x5xf32, #tpu.memory_space<vmem>>, %arg4: memref<320x5xf32, #tpu.memory_space<vmem>>, %arg5: memref<256x320xf32, #tpu.memory_space<vmem>>, %arg6: memref<256x5xf32, #tpu.memory_space<vmem>>, %arg7: memref<256x5xf32, #tpu.memory_space<vmem>>) attributes {dimension_semantics = [#tpu.dimension_semantics<arbitrary>], iteration_bounds = array<i64: 40>, scalar_prefetch = 0 : i64, scratch_operands = 0 : i64, tpu.core_type = #tpu.core_type<tc>, window_params = [{transform_indices = @transform_0, window_bounds = array<i64: 256, 128>}, {pipeline_mode = #tpu.pipeline_mode<synchronous>, transform_indices = @transform_1, window_bounds = array<i64: 128, 320>}, {pipeline_mode = #tpu.pipeline_mode<synchronous>, transform_indices = @transform_2, window_bounds = array<i64: 320, 5>}, {pipeline_mode = #tpu.pipeline_mode<synchronous>, transform_indices = @transform_3, window_bounds = array<i64: 320, 5>}, {transform_indices = @transform_4, window_bounds = array<i64: 256, 320>}, {transform_indices = @transform_5, window_bounds = array<i64: 256, 5>}, {transform_indices = @transform_6, window_bounds = array<i64: 256, 5>}]} {
    %get3A = arith.constant 0 : index
    %get3A_0 = arith.constant 0 : index
    %get3A_1 = vector.load %arg1[%get3A, %get3A_0] : memref<256x128xf32, #tpu.memory_space<vmem>>, vector<256x128xf32>
    %get3A_2 = arith.constant 0 : index
    %get3A_3 = arith.constant 0 : index
    %get3A_4 = vector.load %arg2[%get3A_2, %get3A_3] : memref<128x320xf32, #tpu.memory_space<vmem>>, vector<128x320xf32>
    %dot_general3A = arith.constant dense<0.000000e+00> : vector<256x320xf32>
    %dot_general3A_5 = tpu.matmul %get3A_1, %get3A_4, %dot_general3A {dimension_numbers = #tpu.dot_dimension_numbers<[1], [0], [0], [1], [0, 0, 1, 1], [], []>, transpose_lhs_hint = false} : vector<256x128xf32>, vector<128x320xf32>, vector<256x320xf32> -> vector<256x320xf32>
    %swap3A = arith.constant 0 : index
    %swap3A_6 = arith.constant 0 : index
    %swap3A_7 = vector.load %arg5[%swap3A, %swap3A_6] : memref<256x320xf32, #tpu.memory_space<vmem>>, vector<256x320xf32>
    tpu.vector_store %arg5[%swap3A, %swap3A_6], %dot_general3A_5 {strides = array<i32>} : memref<256x320xf32, #tpu.memory_space<vmem>>, vector<256x320xf32>,
    %get3A_8 = arith.constant 0 : index
    %get3A_9 = arith.constant 0 : index
    %get3A_10 = vector.load %arg3[%get3A_8, %get3A_9] : memref<320x5xf32, #tpu.memory_space<vmem>>, vector<320x5xf32>
    %dot_general3A_11 = arith.constant dense<0.000000e+00> : vector<256x5xf32>
    %dot_general3A_12 = tpu.matmul %dot_general3A_5, %get3A_10, %dot_general3A_11 {dimension_numbers = #tpu.dot_dimension_numbers<[1], [0], [0], [1], [0, 0, 1, 1], [], []>, transpose_lhs_hint = false} : vector<256x320xf32>, vector<320x5xf32>, vector<256x5xf32> -> vector<256x5xf32>
    %swap3A_13 = arith.constant 0 : index
    %swap3A_14 = arith.constant 0 : index
    %swap3A_15 = vector.load %arg6[%swap3A_13, %swap3A_14] : memref<256x5xf32, #tpu.memory_space<vmem>>, vector<256x5xf32>
    tpu.vector_store %arg6[%swap3A_13, %swap3A_14], %dot_general3A_12 {strides = array<i32>} : memref<256x5xf32, #tpu.memory_space<vmem>>, vector<256x5xf32>,
    %get3A_16 = arith.constant 0 : index
    %get3A_17 = arith.constant 0 : index
    %get3A_18 = vector.load %arg4[%get3A_16, %get3A_17] : memref<320x5xf32, #tpu.memory_space<vmem>>, vector<320x5xf32>
    %dot_general3A_19 = arith.constant dense<0.000000e+00> : vector<256x5xf32>
    %dot_general3A_20 = tpu.matmul %dot_general3A_5, %get3A_18, %dot_general3A_19 {dimension_numbers = #tpu.dot_dimension_numbers<[1], [0], [0], [1], [0, 0, 1, 1], [], []>, transpose_lhs_hint = false} : vector<256x320xf32>, vector<320x5xf32>, vector<256x5xf32> -> vector<256x5xf32>
    %swap3A_21 = arith.constant 0 : index
    %swap3A_22 = arith.constant 0 : index
    %swap3A_23 = vector.load %arg7[%swap3A_21, %swap3A_22] : memref<256x5xf32, #tpu.memory_space<vmem>>, vector<256x5xf32>
    tpu.vector_store %arg7[%swap3A_21, %swap3A_22], %dot_general3A_20 {strides = array<i32>} : memref<256x5xf32, #tpu.memory_space<vmem>>, vector<256x5xf32>,
    return
  }
  func.func @transform_0(%arg0: i32) -> (i32, i32) {
    %c0_i32 = arith.constant 0 : i32
    %c0_i32_0 = arith.constant 0 : i32
    return %arg0, %c0_i32 : i32, i32
  }
  func.func @transform_1(%arg0: i32) -> (i32, i32) {
    %c0_i32 = arith.constant 0 : i32
    %c0_i32_0 = arith.constant 0 : i32
    %c0_i32_1 = arith.constant 0 : i32
    return %c0_i32, %c0_i32_0 : i32, i32
  }
  func.func @transform_2(%arg0: i32) -> (i32, i32) {
    %c0_i32 = arith.constant 0 : i32
    %c0_i32_0 = arith.constant 0 : i32
    %c0_i32_1 = arith.constant 0 : i32
    return %c0_i32, %c0_i32_0 : i32, i32
  }
  func.func @transform_3(%arg0: i32) -> (i32, i32) {
    %c0_i32 = arith.constant 0 : i32
    %c0_i32_0 = arith.constant 0 : i32
    %c0_i32_1 = arith.constant 0 : i32
    return %c0_i32, %c0_i32_0 : i32, i32
  }
  func.func @transform_4(%arg0: i32) -> (i32, i32) {
    %c0_i32 = arith.constant 0 : i32
    %c0_i32_0 = arith.constant 0 : i32
    return %arg0, %c0_i32 : i32, i32
  }
  func.func @transform_5(%arg0: i32) -> (i32, i32) {
    %c0_i32 = arith.constant 0 : i32
    %c0_i32_0 = arith.constant 0 : i32
    return %arg0, %c0_i32 : i32, i32
  }
  func.func @transform_6(%arg0: i32) -> (i32, i32) {
    %c0_i32 = arith.constant 0 : i32
    %c0_i32_0 = arith.constant 0 : i32
    return %arg0, %c0_i32 : i32, i32
  }
}

module attributes {stable_mosaic.version = 14 : i64} {
  func.func @_mm_kernel(%arg0: i32, %arg1: memref<256x320xf32, #tpu.memory_space<vmem>>, %arg2: memref<320x480xf32, #tpu.memory_space<vmem>>, %arg3: memref<480x5xf32, #tpu.memory_space<vmem>>, %arg4: memref<480x5xf32, #tpu.memory_space<vmem>>, %arg5: memref<256x480xf32, #tpu.memory_space<vmem>>, %arg6: memref<256x5xf32, #tpu.memory_space<vmem>>, %arg7: memref<256x5xf32, #tpu.memory_space<vmem>>) attributes {dimension_semantics = [#tpu.dimension_semantics<arbitrary>], iteration_bounds = array<i64: 40>, scalar_prefetch = 0 : i64, scratch_operands = 0 : i64, tpu.core_type = #tpu.core_type<tc>, window_params = [{transform_indices = @transform_0, window_bounds = array<i64: 256, 320>}, {pipeline_mode = #tpu.pipeline_mode<synchronous>, transform_indices = @transform_1, window_bounds = array<i64: 320, 480>}, {pipeline_mode = #tpu.pipeline_mode<synchronous>, transform_indices = @transform_2, window_bounds = array<i64: 480, 5>}, {pipeline_mode = #tpu.pipeline_mode<synchronous>, transform_indices = @transform_3, window_bounds = array<i64: 480, 5>}, {transform_indices = @transform_4, window_bounds = array<i64: 256, 480>}, {transform_indices = @transform_5, window_bounds = array<i64: 256, 5>}, {transform_indices = @transform_6, window_bounds = array<i64: 256, 5>}]} {
    %get3A = arith.constant 0 : index
    %get3A_0 = arith.constant 0 : index
    %get3A_1 = vector.load %arg1[%get3A, %get3A_0] : memref<256x320xf32, #tpu.memory_space<vmem>>, vector<256x320xf32>
    %get3A_2 = arith.constant 0 : index
    %get3A_3 = arith.constant 0 : index
    %get3A_4 = vector.load %arg2[%get3A_2, %get3A_3] : memref<320x480xf32, #tpu.memory_space<vmem>>, vector<320x480xf32>
    %dot_general3A = arith.constant dense<0.000000e+00> : vector<256x480xf32>
    %dot_general3A_5 = tpu.matmul %get3A_1, %get3A_4, %dot_general3A {dimension_numbers = #tpu.dot_dimension_numbers<[1], [0], [0], [1], [0, 0, 1, 1], [], []>, transpose_lhs_hint = false} : vector<256x320xf32>, vector<320x480xf32>, vector<256x480xf32> -> vector<256x480xf32>
    %swap3A = arith.constant 0 : index
    %swap3A_6 = arith.constant 0 : index
    %swap3A_7 = vector.load %arg5[%swap3A, %swap3A_6] : memref<256x480xf32, #tpu.memory_space<vmem>>, vector<256x480xf32>
    tpu.vector_store %arg5[%swap3A, %swap3A_6], %dot_general3A_5 {strides = array<i32>} : memref<256x480xf32, #tpu.memory_space<vmem>>, vector<256x480xf32>,
    %get3A_8 = arith.constant 0 : index
    %get3A_9 = arith.constant 0 : index
    %get3A_10 = vector.load %arg3[%get3A_8, %get3A_9] : memref<480x5xf32, #tpu.memory_space<vmem>>, vector<480x5xf32>
    %dot_general3A_11 = arith.constant dense<0.000000e+00> : vector<256x5xf32>
    %dot_general3A_12 = tpu.matmul %dot_general3A_5, %get3A_10, %dot_general3A_11 {dimension_numbers = #tpu.dot_dimension_numbers<[1], [0], [0], [1], [0, 0, 1, 1], [], []>, transpose_lhs_hint = false} : vector<256x480xf32>, vector<480x5xf32>, vector<256x5xf32> -> vector<256x5xf32>
    %swap3A_13 = arith.constant 0 : index
    %swap3A_14 = arith.constant 0 : index
    %swap3A_15 = vector.load %arg6[%swap3A_13, %swap3A_14] : memref<256x5xf32, #tpu.memory_space<vmem>>, vector<256x5xf32>
    tpu.vector_store %arg6[%swap3A_13, %swap3A_14], %dot_general3A_12 {strides = array<i32>} : memref<256x5xf32, #tpu.memory_space<vmem>>, vector<256x5xf32>,
    %get3A_16 = arith.constant 0 : index
    %get3A_17 = arith.constant 0 : index
    %get3A_18 = vector.load %arg4[%get3A_16, %get3A_17] : memref<480x5xf32, #tpu.memory_space<vmem>>, vector<480x5xf32>
    %dot_general3A_19 = arith.constant dense<0.000000e+00> : vector<256x5xf32>
    %dot_general3A_20 = tpu.matmul %dot_general3A_5, %get3A_18, %dot_general3A_19 {dimension_numbers = #tpu.dot_dimension_numbers<[1], [0], [0], [1], [0, 0, 1, 1], [], []>, transpose_lhs_hint = false} : vector<256x480xf32>, vector<480x5xf32>, vector<256x5xf32> -> vector<256x5xf32>
    %swap3A_21 = arith.constant 0 : index
    %swap3A_22 = arith.constant 0 : index
    %swap3A_23 = vector.load %arg7[%swap3A_21, %swap3A_22] : memref<256x5xf32, #tpu.memory_space<vmem>>, vector<256x5xf32>
    tpu.vector_store %arg7[%swap3A_21, %swap3A_22], %dot_general3A_20 {strides = array<i32>} : memref<256x5xf32, #tpu.memory_space<vmem>>, vector<256x5xf32>,
    return
  }
  func.func @transform_0(%arg0: i32) -> (i32, i32) {
    %c0_i32 = arith.constant 0 : i32
    %c0_i32_0 = arith.constant 0 : i32
    return %arg0, %c0_i32 : i32, i32
  }
  func.func @transform_1(%arg0: i32) -> (i32, i32) {
    %c0_i32 = arith.constant 0 : i32
    %c0_i32_0 = arith.constant 0 : i32
    %c0_i32_1 = arith.constant 0 : i32
    return %c0_i32, %c0_i32_0 : i32, i32
  }
  func.func @transform_2(%arg0: i32) -> (i32, i32) {
    %c0_i32 = arith.constant 0 : i32
    %c0_i32_0 = arith.constant 0 : i32
    %c0_i32_1 = arith.constant 0 : i32
    return %c0_i32, %c0_i32_0 : i32, i32
  }
  func.func @transform_3(%arg0: i32) -> (i32, i32) {
    %c0_i32 = arith.constant 0 : i32
    %c0_i32_0 = arith.constant 0 : i32
    %c0_i32_1 = arith.constant 0 : i32
    return %c0_i32, %c0_i32_0 : i32, i32
  }
  func.func @transform_4(%arg0: i32) -> (i32, i32) {
    %c0_i32 = arith.constant 0 : i32
    %c0_i32_0 = arith.constant 0 : i32
    return %arg0, %c0_i32 : i32, i32
  }
  func.func @transform_5(%arg0: i32) -> (i32, i32) {
    %c0_i32 = arith.constant 0 : i32
    %c0_i32_0 = arith.constant 0 : i32
    return %arg0, %c0_i32 : i32, i32
  }
  func.func @transform_6(%arg0: i32) -> (i32, i32) {
    %c0_i32 = arith.constant 0 : i32
    %c0_i32_0 = arith.constant 0 : i32
    return %arg0, %c0_i32 : i32, i32
  }
}

module attributes {stable_mosaic.version = 14 : i64} {
  func.func @_mm_kernel(%arg0: i32, %arg1: memref<256x480xf32, #tpu.memory_space<vmem>>, %arg2: memref<480x32xf32, #tpu.memory_space<vmem>>, %arg3: memref<32x5xf32, #tpu.memory_space<vmem>>, %arg4: memref<32x5xf32, #tpu.memory_space<vmem>>, %arg5: memref<256x32xf32, #tpu.memory_space<vmem>>, %arg6: memref<256x5xf32, #tpu.memory_space<vmem>>, %arg7: memref<256x5xf32, #tpu.memory_space<vmem>>) attributes {dimension_semantics = [#tpu.dimension_semantics<arbitrary>], iteration_bounds = array<i64: 40>, scalar_prefetch = 0 : i64, scratch_operands = 0 : i64, tpu.core_type = #tpu.core_type<tc>, window_params = [{transform_indices = @transform_0, window_bounds = array<i64: 256, 480>}, {pipeline_mode = #tpu.pipeline_mode<synchronous>, transform_indices = @transform_1, window_bounds = array<i64: 480, 32>}, {pipeline_mode = #tpu.pipeline_mode<synchronous>, transform_indices = @transform_2, window_bounds = array<i64: 32, 5>}, {pipeline_mode = #tpu.pipeline_mode<synchronous>, transform_indices = @transform_3, window_bounds = array<i64: 32, 5>}, {transform_indices = @transform_4, window_bounds = array<i64: 256, 32>}, {transform_indices = @transform_5, window_bounds = array<i64: 256, 5>}, {transform_indices = @transform_6, window_bounds = array<i64: 256, 5>}]} {
    %get3A = arith.constant 0 : index
    %get3A_0 = arith.constant 0 : index
    %get3A_1 = vector.load %arg1[%get3A, %get3A_0] : memref<256x480xf32, #tpu.memory_space<vmem>>, vector<256x480xf32>
    %get3A_2 = arith.constant 0 : index
    %get3A_3 = arith.constant 0 : index
    %get3A_4 = vector.load %arg2[%get3A_2, %get3A_3] : memref<480x32xf32, #tpu.memory_space<vmem>>, vector<480x32xf32>
    %dot_general3A = arith.constant dense<0.000000e+00> : vector<256x32xf32>
    %dot_general3A_5 = tpu.matmul %get3A_1, %get3A_4, %dot_general3A {dimension_numbers = #tpu.dot_dimension_numbers<[1], [0], [0], [1], [0, 0, 1, 1], [], []>, transpose_lhs_hint = false} : vector<256x480xf32>, vector<480x32xf32>, vector<256x32xf32> -> vector<256x32xf32>
    %swap3A = arith.constant 0 : index
    %swap3A_6 = arith.constant 0 : index
    %swap3A_7 = vector.load %arg5[%swap3A, %swap3A_6] : memref<256x32xf32, #tpu.memory_space<vmem>>, vector<256x32xf32>
    tpu.vector_store %arg5[%swap3A, %swap3A_6], %dot_general3A_5 {strides = array<i32>} : memref<256x32xf32, #tpu.memory_space<vmem>>, vector<256x32xf32>,
    %get3A_8 = arith.constant 0 : index
    %get3A_9 = arith.constant 0 : index
    %get3A_10 = vector.load %arg3[%get3A_8, %get3A_9] : memref<32x5xf32, #tpu.memory_space<vmem>>, vector<32x5xf32>
    %dot_general3A_11 = arith.constant dense<0.000000e+00> : vector<256x5xf32>
    %dot_general3A_12 = tpu.matmul %dot_general3A_5, %get3A_10, %dot_general3A_11 {dimension_numbers = #tpu.dot_dimension_numbers<[1], [0], [0], [1], [0, 0, 1, 1], [], []>, transpose_lhs_hint = false} : vector<256x32xf32>, vector<32x5xf32>, vector<256x5xf32> -> vector<256x5xf32>
    %swap3A_13 = arith.constant 0 : index
    %swap3A_14 = arith.constant 0 : index
    %swap3A_15 = vector.load %arg6[%swap3A_13, %swap3A_14] : memref<256x5xf32, #tpu.memory_space<vmem>>, vector<256x5xf32>
    tpu.vector_store %arg6[%swap3A_13, %swap3A_14], %dot_general3A_12 {strides = array<i32>} : memref<256x5xf32, #tpu.memory_space<vmem>>, vector<256x5xf32>,
    %get3A_16 = arith.constant 0 : index
    %get3A_17 = arith.constant 0 : index
    %get3A_18 = vector.load %arg4[%get3A_16, %get3A_17] : memref<32x5xf32, #tpu.memory_space<vmem>>, vector<32x5xf32>
    %dot_general3A_19 = arith.constant dense<0.000000e+00> : vector<256x5xf32>
    %dot_general3A_20 = tpu.matmul %dot_general3A_5, %get3A_18, %dot_general3A_19 {dimension_numbers = #tpu.dot_dimension_numbers<[1], [0], [0], [1], [0, 0, 1, 1], [], []>, transpose_lhs_hint = false} : vector<256x32xf32>, vector<32x5xf32>, vector<256x5xf32> -> vector<256x5xf32>
    %swap3A_21 = arith.constant 0 : index
    %swap3A_22 = arith.constant 0 : index
    %swap3A_23 = vector.load %arg7[%swap3A_21, %swap3A_22] : memref<256x5xf32, #tpu.memory_space<vmem>>, vector<256x5xf32>
    tpu.vector_store %arg7[%swap3A_21, %swap3A_22], %dot_general3A_20 {strides = array<i32>} : memref<256x5xf32, #tpu.memory_space<vmem>>, vector<256x5xf32>,
    return
  }
  func.func @transform_0(%arg0: i32) -> (i32, i32) {
    %c0_i32 = arith.constant 0 : i32
    %c0_i32_0 = arith.constant 0 : i32
    return %arg0, %c0_i32 : i32, i32
  }
  func.func @transform_1(%arg0: i32) -> (i32, i32) {
    %c0_i32 = arith.constant 0 : i32
    %c0_i32_0 = arith.constant 0 : i32
    %c0_i32_1 = arith.constant 0 : i32
    return %c0_i32, %c0_i32_0 : i32, i32
  }
  func.func @transform_2(%arg0: i32) -> (i32, i32) {
    %c0_i32 = arith.constant 0 : i32
    %c0_i32_0 = arith.constant 0 : i32
    %c0_i32_1 = arith.constant 0 : i32
    return %c0_i32, %c0_i32_0 : i32, i32
  }
  func.func @transform_3(%arg0: i32) -> (i32, i32) {
    %c0_i32 = arith.constant 0 : i32
    %c0_i32_0 = arith.constant 0 : i32
    %c0_i32_1 = arith.constant 0 : i32
    return %c0_i32, %c0_i32_0 : i32, i32
  }
  func.func @transform_4(%arg0: i32) -> (i32, i32) {
    %c0_i32 = arith.constant 0 : i32
    %c0_i32_0 = arith.constant 0 : i32
    return %arg0, %c0_i32 : i32, i32
  }
  func.func @transform_5(%arg0: i32) -> (i32, i32) {
    %c0_i32 = arith.constant 0 : i32
    %c0_i32_0 = arith.constant 0 : i32
    return %arg0, %c0_i32 : i32, i32
  }
  func.func @transform_6(%arg0: i32) -> (i32, i32) {
    %c0_i32 = arith.constant 0 : i32
    %c0_i32_0 = arith.constant 0 : i32
    return %arg0, %c0_i32 : i32, i32
  }
}

module attributes {stable_mosaic.version = 14 : i64} {
  func.func @_head_kernel(%arg0: memref<10240x32xf32, #tpu.memory_space<vmem>>, %arg1: memref<1x10240xi32, #tpu.memory_space<vmem>>, %arg2: memref<32x1024xf32, #tpu.memory_space<vmem>>, %arg3: memref<1x1024xf32, #tpu.memory_space<vmem>>, %arg4: memref<1024x1xf32, #tpu.memory_space<vmem>>, %arg5: memref<1x1xf32, #tpu.memory_space<vmem>>, %arg6: memref<100x1xf32, #tpu.memory_space<vmem>>) attributes {dimension_semantics = [], scalar_prefetch = 0 : i64, scratch_operands = 0 : i64, tpu.core_type = #tpu.core_type<tc>} {
    %get3A = arith.constant 0 : index
    %get3A_0 = arith.constant 0 : index
    %get3A_1 = vector.load %arg1[%get3A, %get3A_0] : memref<1x10240xi32, #tpu.memory_space<vmem>>, vector<1x10240xi32>
    %iota3A = tpu.iota {dimensions = array<i32: 0>} : vector<100x10240xi32>
    %eq3A = vector.broadcast %get3A_1 : vector<1x10240xi32> to vector<100x10240xi32>
    %eq3A_2 = arith.cmpi eq, %eq3A, %iota3A : vector<100x10240xi32>
    %jit3A = arith.constant 1.000000e+00 : f32
    %jit3A_3 = arith.constant 0.000000e+00 : f32
    %broadcast_in_dim3A = vector.broadcast %jit3A : f32 to vector<100x10240xf32>
    %broadcast_in_dim3A_4 = vector.broadcast %jit3A_3 : f32 to vector<100x10240xf32>
    %select_n3A = arith.select %eq3A_2, %broadcast_in_dim3A, %broadcast_in_dim3A_4 : vector<100x10240xi1>, vector<100x10240xf32>
    %get3A_5 = arith.constant 0 : index
    %get3A_6 = arith.constant 0 : index
    %get3A_7 = vector.load %arg0[%get3A_5, %get3A_6] : memref<10240x32xf32, #tpu.memory_space<vmem>>, vector<10240x32xf32>
    %dot_general3A = arith.constant dense<0.000000e+00> : vector<100x32xf32>
    %dot_general3A_8 = tpu.matmul %select_n3A, %get3A_7, %dot_general3A {dimension_numbers = #tpu.dot_dimension_numbers<[1], [0], [0], [1], [0, 0, 1, 1], [], []>, transpose_lhs_hint = false} : vector<100x10240xf32>, vector<10240x32xf32>, vector<100x32xf32> -> vector<100x32xf32>
    %get3A_9 = arith.constant 0 : index
    %get3A_10 = arith.constant 0 : index
    %get3A_11 = vector.load %arg2[%get3A_9, %get3A_10] : memref<32x1024xf32, #tpu.memory_space<vmem>>, vector<32x1024xf32>
    %dot_general3A_12 = arith.constant dense<0.000000e+00> : vector<100x1024xf32>
    %dot_general3A_13 = tpu.matmul %dot_general3A_8, %get3A_11, %dot_general3A_12 {dimension_numbers = #tpu.dot_dimension_numbers<[1], [0], [0], [1], [0, 0, 1, 1], [], []>, transpose_lhs_hint = false} : vector<100x32xf32>, vector<32x1024xf32>, vector<100x1024xf32> -> vector<100x1024xf32>
    %get3A_14 = arith.constant 0 : index
    %get3A_15 = arith.constant 0 : index
    %get3A_16 = vector.load %arg3[%get3A_14, %get3A_15] : memref<1x1024xf32, #tpu.memory_space<vmem>>, vector<1x1024xf32>
    %add3A = vector.broadcast %get3A_16 : vector<1x1024xf32> to vector<100x1024xf32>
    %add3A_17 = arith.addf %dot_general3A_13, %add3A : vector<100x1024xf32>
    %max3A = arith.constant 0.000000e+00 : f32
    %max3A_18 = vector.broadcast %max3A : f32 to vector<100x1024xf32>
    %max3A_19 = arith.maximumf %add3A_17, %max3A_18 : vector<100x1024xf32>
    %get3A_20 = arith.constant 0 : index
    %get3A_21 = arith.constant 0 : index
    %get3A_22 = vector.load %arg4[%get3A_20, %get3A_21] : memref<1024x1xf32, #tpu.memory_space<vmem>>, vector<1024x1xf32>
    %dot_general3A_23 = arith.constant dense<0.000000e+00> : vector<100x1xf32>
    %dot_general3A_24 = tpu.matmul %max3A_19, %get3A_22, %dot_general3A_23 {dimension_numbers = #tpu.dot_dimension_numbers<[1], [0], [0], [1], [0, 0, 1, 1], [], []>, transpose_lhs_hint = false} : vector<100x1024xf32>, vector<1024x1xf32>, vector<100x1xf32> -> vector<100x1xf32>
    %get3A_25 = arith.constant 0 : index
    %get3A_26 = arith.constant 0 : index
    %get3A_27 = vector.load %arg5[%get3A_25, %get3A_26] : memref<1x1xf32, #tpu.memory_space<vmem>>, vector<1x1xf32>
    %add3A_28 = vector.broadcast %get3A_27 : vector<1x1xf32> to vector<100x1xf32>
    %add3A_29 = arith.addf %dot_general3A_24, %add3A_28 : vector<100x1xf32>
    %logistic3A = arith.negf %add3A_29 : vector<100x1xf32>
    %logistic3A_30 = math.exp %logistic3A : vector<100x1xf32>
    %logistic3A_31 = arith.constant 1.000000e+00 : f32
    %logistic3A_32 = vector.broadcast %logistic3A_31 : f32 to vector<100x1xf32>
    %logistic3A_33 = arith.addf %logistic3A_32, %logistic3A_30 : vector<100x1xf32>
    %logistic3A_34 = arith.divf %logistic3A_32, %logistic3A_33 : vector<100x1xf32>
    %swap3A = arith.constant 0 : index
    %swap3A_35 = arith.constant 0 : index
    %swap3A_36 = vector.load %arg6[%swap3A, %swap3A_35] : memref<100x1xf32, #tpu.memory_space<vmem>>, vector<100x1xf32>
    tpu.vector_store %arg6[%swap3A, %swap3A_35], %logistic3A_34 {strides = array<i32>} : memref<100x1xf32, #tpu.memory_space<vmem>>, vector<100x1xf32>,
    return
  }
}

</mosaic_0001>

<sc_bundles>
// kernel: scatter_offload_async_start.1
scs
__scs_entry_jumppad:
0x0: {  	(pc) =	sbr.rel $0x88, $3  }
0x1: {  	(tag) =	ssettag $0x0;
	lr =	simm.s32 $0x1  }
0x2: {  	[smem:$0x3F8E] =	sst lr;
	_ =	strace $0xD0000000  }
0x3: {  	_ = 	snop  }
0x4: {  	_ = 	snop  }
0x5: {  	_ = 	snop  }
0x6: {  	_ = 	snop  }
0x7: {  	_ = 	snop  }
__scs_overlays_trampoline_lowered:
0x8: {  	[smem:$0x3F9D] =	sst s0  }
0x9: {  	[smem:$0x3F9E] =	sst s1  }
0xa: {  	[smem:$0x3F9F] =	sst s2  }
0xb: {  	[smem:$0x3FA0] =	sst s3  }
0xc: {  	[smem:$0x3FA1] =	sst s4  }
0xd: {  	[smem:$0x3FA2] =	sst s5  }
0xe: {  	[smem:$0x3FA3] =	sst s6  }
0xf: {  	[smem:$0x3FA4] =	sst s7  }
0x10: {  	[smem:$0x3FA5] =	sst s8  }
0x11: {  	[smem:$0x3FA6] =	sst s9;
	s0 =	simm.s32 @!p0 $0x0  }
0x12: {  	s1 =	sld [smem:$0x3F8C];
	s0 =	simm.s32 @p0 $0x1  }
0x13: {  	[smem:$0x3FA7] =	sst s0;
	s0 =	simm.s32 @!p1 $0x0  }
0x14: {  	s2 =	sld [smem:$0x3F8B];
	s0 =	simm.s32 @p1 $0x1  }
0x15: {  	[smem:$0x3FA8] =	sst s0;
	s0 =	simm.s32 @!p2 $0x0  }
0x16: {  	s3 =	sld [smem:$0x3FDB];
	s0 =	simm.s32 @p2 $0x1  }
0x17: {  	s4 =	simm.s32 $0x1BF5;
	[smem:$0x3FAA] =	sst s0  }
0x18: {  	s0 =	sld [smem:$0x3F8D];
	_ =	swait.ge [sflag:s4], $0x0  }
0x19: {  	s7 =	sld [smem:$0x3F8E]  }
0x1a: {  	s8 =	sadd.s32 $0xFFFFE003, lr  }
0x1b: {  	s9 =	sadd.s32 $0xFFFFFEF7, lr;
	s5 =	simm.s32 $0xFFFFFFFF;
	p2 =	slt.u32 s8, $0xFFFFF086  }
0x1c: {  	p1 =	slt.u32 s9, $0xF7A;
	s5 =	simm.s32 @!p2 $0x0  }
0x1d: {  	s5 =	simm.s32 @p1 $0x1;
	p0 =	seq.s32 s7, s2  }
0x1e: {  	s7 =	smul.u32 @!p0 $0xF7A, s2;
	p2 =	seq.s32 @!p0 s5, $0x0  }
0x1f: {  	s9 =	smul.u32 $0xF7A, s1;
	s8 =	simm.s32 @!p0 $0x1BF5;
	p2 =	por !p2, p0  }
0x20: {  	[sflag:s8] =	ssyncset.s32 @!p0 $0xFFFFF086;
	s6 =	sadd.s32 @!p0 s3, s7;
	s7 =	simm.s32 @!p0 $0x108  }
0x21: {  	s3 =	sadd.s32 s3, s9;
	s6 =	sadd.s32 @!p0 $0x88, s6;
	s7 =	simm.s32 @p2 $0x1082  }
0x22: {  	[simem:s7], [sflag:s8] =	dma.local @!p0 [hbm:s6], $0xF7A  }
0x23: {  	s9 =	sor.u32 $0xD0000000, s2;
	s6 =	simm.s32 $0x108;
	_ =	swait.ge @!p0 [sflag:s8], $0x0  }
0x24: {  	s3 =	sadd.s32 $0x88, s3;
	s6 =	simm.s32 @!p1 $0x1082;
	[sflag:s4] =	ssyncset.s32 $0xFFFFF086  }
0x25: {  	[simem:s6], [sflag:s4] =	dma.local [hbm:s3], $0xF7A  }
0x26: {  	[smem:$0x3F8E] =	sst s1;
	(tag) =	ssettag s2;
	_ =	strace s9  }
0x27: {  	s1 =	sld [smem:$0x3F9E]  }
0x28: {  	s2 =	sld [smem:$0x3F9F]  }
0x29: {  	s4 =	sld [smem:$0x3FA1]  }
0x2a: {  	p0 =	seq.s32 s5, $0x0;
	s5 =	sld [smem:$0x3FA2]  }
0x2b: {  	s6 =	sld [smem:$0x3FA3]  }
0x2c: {  	s7 =	sld [smem:$0x3FA4]  }
0x2d: {  	s3 =	simm.s32 $0x108;
	s8 =	sld [smem:$0x3FA5]  }
0x2e: {  	s3 =	simm.s32 @!p0 $0x1082;
	s9 =	sld [smem:$0x3FA6]  }
0x2f: {  	lr =	sadd.s32 s0, s3;
	s0 =	sld [smem:$0x3F9D]  }
0x30: {  	s3 =	sld [smem:$0x3FA0]  }
0x31: {  	[smem:$0x3FA9] =	sst s10  }
0x32: {  	s10 =	sld [smem:$0x3FA7];
	_ =	sdelay $0x3  }
0x33: {  	p0 =	seq.s32 s10, $0x1;
	s10 =	sld [smem:$0x3FA9];
	_ =	sdelay $0x3  }
0x34: {  	[smem:$0x3FA9] =	sst s10  }
0x35: {  	s10 =	sld [smem:$0x3FA8];
	_ =	sdelay $0x3  }
0x36: {  	p1 =	seq.s32 s10, $0x1;
	s10 =	sld [smem:$0x3FA9];
	_ =	sdelay $0x3  }
0x37: {  	[smem:$0x3FA9] =	sst s10  }
0x38: {  	s10 =	sld [smem:$0x3FAA]  }
0x39: {  	_ = 	snop;
	(pc) =	sbr.ind lr, $3  }
0x3a: {  	_ = 	snop  }
0x3b: {  	_ = 	snop  }
0x3c: {  	p2 =	seq.s32 s10, $0x1;
	s10 =	sld [smem:$0x3FA9]  }
0x3d: {  	_ =	shalt  }
0x3e: {  	_ =	shalt  }
0x3f: {  	_ =	shalt  }
0x40: {  	_ =	shalt  }
0x41: {  	_ =	shalt  }
0x42: {  	_ =	shalt  }
0x43: {  	_ =	shalt  }
0x44: {  	_ =	shalt  }
0x45: {  	_ =	shalt  }
0x46: {  	_ =	shalt  }
0x47: {  	_ =	shalt  }
0x48: {  	_ =	shalt  }
0x49: {  	_ =	shalt  }
0x4a: {  	_ =	shalt  }
0x4b: {  	_ =	shalt  }
0x4c: {  	_ =	shalt  }
0x4d: {  	_ =	shalt  }
0x4e: {  	_ =	shalt  }
0x4f: {  	_ =	shalt  }
0x50: {  	_ =	shalt  }
0x51: {  	_ =	shalt  }
0x52: {  	_ =	shalt  }
0x53: {  	_ =	shalt  }
0x54: {  	_ =	shalt  }
0x55: {  	_ =	shalt  }
0x56: {  	_ =	shalt  }
0x57: {  	_ =	shalt  }
0x58: {  	_ =	shalt  }
0x59: {  	_ =	shalt  }
0x5a: {  	_ =	shalt  }
0x5b: {  	_ =	shalt  }
0x5c: {  	_ =	shalt  }
0x5d: {  	_ =	shalt  }
0x5e: {  	_ =	shalt  }
0x5f: {  	_ =	shalt  }
0x60: {  	_ =	shalt  }
0x61: {  	_ =	shalt  }
0x62: {  	_ =	shalt  }
0x63: {  	_ =	shalt  }
0x64: {  	_ =	shalt  }
0x65: {  	_ =	shalt  }
0x66: {  	_ =	shalt  }
0x67: {  	_ =	shalt  }
0x68: {  	_ =	shalt  }
0x69: {  	_ =	shalt  }
0x6a: {  	_ =	shalt  }
0x6b: {  	_ =	shalt  }
0x6c: {  	_ =	shalt  }
0x6d: {  	_ =	shalt  }
0x6e: {  	_ =	shalt  }
0x6f: {  	_ =	shalt  }
0x70: {  	_ =	shalt  }
0x71: {  	_ =	shalt  }
0x72: {  	_ =	shalt  }
0x73: {  	_ =	shalt  }
0x74: {  	_ =	shalt  }
0x75: {  	_ =	shalt  }
0x76: {  	_ =	shalt  }
0x77: {  	_ =	shalt  }
0x78: {  	_ =	shalt  }
0x79: {  	_ =	shalt  }
0x7a: {  	_ =	shalt  }
0x7b: {  	_ =	shalt  }
0x7c: {  	_ =	shalt  }
0x7d: {  	_ =	shalt  }
0x7e: {  	_ =	shalt  }
0x7f: {  	_ =	shalt  }
0x80: {  	_ =	shalt  }
0x81: {  	_ =	shalt  }
0x82: {  	_ =	shalt  }
0x83: {  	_ =	shalt  }
0x84: {  	_ =	shalt  }
0x85: {  	_ =	shalt  }
0x86: {  	_ =	shalt  }
0x87: {  	_ =	shalt  }
.Lfunc_end0:
.L_simem_size_0:
called_computation.1_lowered:
.L_overlay_start_0:
0x88: {  	s0 =	sld [smem:$0x3FD9]  }
0x89: {  	s1 =	sld [smem:$0x3FFE];
	_ =	sdelay $0x3  }
0x8a: {  	s0 =	sadd.s32 s1, s0  }
0x8b: {  	[smem:$0x3FB5] =	sst s0  }
0x8c: {  	_ = 	snop  }
0x8d: {  	(tm) =	ssettm $0x1  }
0x8e: {  	s15 =	sld [smem:$0x3FFB];
	_ =	sdelay $0x3  }
0x8f: {  	_ =	strace s15  }
0x90: {  	s0 =	sld [smem:$0x3FFC];
	_ =	sdelay $0x3  }
0x91: {  	_ =	strace s0  }
0x92: {  	s0 =	sld [smem:$0x3FFD];
	_ =	sdelay $0x3  }
0x93: {  	_ =	strace s0  }
0x94: {  	_ =	strace $0x8FFFFFFF  }
0x95: {  	s16 =	sld [smem:$0x3FDB];
	_ =	sdelay $0x1  }
0x96: {  	s17 =	simm.s32 $_scs_section_size  }
0x97: {  	s2 =	simm.s32 $_size__tile_overlayer_lowered;
	s3 =	simm.s32 $_tile_overlayer_lowered  }
0x98: {  	s20 =	simm.s32 $0x1BFF;
	s19 =	sshll.u32 s3, $0x1;
	s0 =	sadd.s32 s17, s16  }
0x99: {  	s4 =	simm.s32 $0x0;
	s18 =	sshll.u32 s2, $0x1;
	s2 =	sadd.s32 s19, s0  }
0x9a: {  	[timem:s4], [sflag:s20] =	dma.local [hbm:s2], s18  }
0x9b: {  	_ =	swait.ge [sflag:s20], s18  }
0x9c: {  	s1 =	ssub.s32 $0x0, s18;
	[sflag:s20] =	ssyncset.done $0x0  }
0x9d: {  	[sflag:s20] =	ssyncadd.s32 s1;
	_ =	sdelay $0x1  }
0x9e: {  	s21 =	simm.s32 $0x1B8B  }
0x9f: {  	_ =	swait.ge [sflag:s21], $0x1  }
0xa0: {  	[sflag:s21] =	ssyncset.done $0x0  }
0xa1: {  	s23 =	simm.s32 $0x1B8E;
	s22 =	sld [smem:$0x3FFE];
	[sflag:s21] =	ssyncadd.s32 $0xFFFFFFFF  }
0xa2: {  	s24 =	simm.s32 $execute0_lowered;
	[smem:$0x3FD2] =	sst s23  }
0xa3: {  	s2 =	sshll.u32 s24, $0x1;
	_ =	strace $0x8000004C;
	[dreg:$0x1] =	wrdreg $0xFFFFFFFF  }
0xa4: {  	s25 =	simm.s32 $_size_execute0_lowered;
	s0 =	sadd.s32 s0, s2;
	[dreg:$0x0] =	wrdreg $0x0  }
0xa5: {  	s2 =	sshll.u32 s25, $0x1;
	[dreg:$0x2] =	wrdreg s0  }
0xa6: {  	[dreg:$0x3] =	wrdreg s2  }
0xa7: {  	[dreg:$0x4] =	wrdreg $0xC0  }
0xa8: {  	_ =	task [dreg:s4], $0x5FFFF  }
0xa9: {  	[dreg:$0x1] =	wrdreg $0xFFFFFFFF  }
0xaa: {  	[dreg:$0x0] =	wrdreg $0x60  }
0xab: {  	[dreg:$0x2] =	wrdreg s22  }
0xac: {  	[dreg:$0x3] =	wrdreg $0x9  }
0xad: {  	_ =	task.clear_ibuf [dreg:s4], $0x4FFFF;
	_ =	strace $0x9000004C  }
0xae: {  	s26 =	simm.s32 $0x9;
	_ =	strace $0x8000004E  }
0xaf: {  	_ =	swait.ge [sflag:s26], $0x1  }
0xb0: {  	[sflag:s26] =	ssyncadd.s32 $0xFFFFFFFF  }
0xb1: {  	_ =	strace $0x9000004E  }
0xb2: {  	_ =	sfence  }
0xb3: {  	s28 =	sld [smem:$0x0];
	_ =	sdelay $0x1  }
0xb4: {  	s29 =	srdreg.scid  }
0xb5: {  	s30 =	sshll.u32 s29, $0xD;
	s31 =	sshrl.u32 s29, $0x2  }
0xb6: {  	s1 =	sand.u32 $0x1, s29;
	s2 =	sand.u32 $0x4000, s30;
	s0 =	sadd.s32 s31, s28  }
0xb7: {  	s1 =	sor.u32 s2, s1;
	s0 =	sshll.u32 s0, $0x11  }
0xb8: {  	s0 =	sor.u32 s0, s1  }
0xb9: {  	s0 =	sadd.s32 $0x8F2B, s0  }
0xba: {  	[sflag:s0] =	ssyncadd.remote.s32 $0x1  }
0xbb: {  	_ =	sfence.sel $0xFFFF  }
0xbc: {  	[dreg:$0x0] =	wrdreg $0xFFFFFFFF;
	(pc) =	sbr.abs _section_cstart, $3  }
0xbd: {  	[dreg:$0x1] =	wrdreg $0xFFFFFFFF  }
0xbe: {  	_ =	task.clear_ibuf [dreg:s4], $0x2FFFF;
	_ =	strace $0x9FFFFFFF  }
0xbf: {  	(tm) =	ssettm $0x7FFFFFFF  }
tec
execute0_lowered:
.L_overlay_start_1:
0x0: {  	(tag) =	ssettag $0x1  }
0x1: {  	s8 =	rddreg [dreg:$0x0];
	_ =	strace $0x8000004D;
	s11 =	simm.s32 $0x1  }
0x2: {  	v0 =	vimm.s32 $0x0;
	[sflag:s11] =	ssyncpa.u1 $0x0  }
0x3: {  	[tilespmem:$0x28] =	vst v0  }
0x4: {  	[tilespmem:$0x38] =	vst v0  }
0x5: {  	[tilespmem:$0x48] =	vst v0  }
0x6: {  	[tilespmem:$0x58] =	vst v0  }
0x7: {  	[tilespmem:$0x68] =	vst v0  }
0x8: {  	[tilespmem:$0x78] =	vst v0  }
0x9: {  	[tilespmem:$0x88] =	vst v0  }
0xa: {  	[tilespmem:$0x98] =	vst v0  }
0xb: {  	[tilespmem:$0xA8] =	vst v0  }
0xc: {  	[tilespmem:$0xB8] =	vst v0  }
0xd: {  	[tilespmem:$0xC8] =	vst v0  }
0xe: {  	[tilespmem:$0xD8] =	vst v0  }
0xf: {  	[tilespmem:$0xE8] =	vst v0  }
0x10: {  	[tilespmem:$0xF8] =	vst v0  }
0x11: {  	[tilespmem:$0x108] =	vst v0  }
0x12: {  	[tilespmem:$0x118] =	vst v0  }
0x13: {  	[tilespmem:$0x128] =	vst v0  }
0x14: {  	[tilespmem:$0x138] =	vst v0  }
0x15: {  	[tilespmem:$0x148] =	vst v0  }
0x16: {  	[tilespmem:$0x158] =	vst v0  }
0x17: {  	[tilespmem:$0x168] =	vst v0  }
0x18: {  	[tilespmem:$0x178] =	vst v0  }
0x19: {  	[tilespmem:$0x188] =	vst v0  }
0x1a: {  	[tilespmem:$0x198] =	vst v0  }
0x1b: {  	[tilespmem:$0x1A8] =	vst v0  }
0x1c: {  	[tilespmem:$0x1B8] =	vst v0  }
0x1d: {  	[tilespmem:$0x1C8] =	vst v0  }
0x1e: {  	[tilespmem:$0x1D8] =	vst v0  }
0x1f: {  	[tilespmem:$0x1E8] =	vst v0  }
0x20: {  	[tilespmem:$0x1F8] =	vst v0  }
0x21: {  	[tilespmem:$0x208] =	vst v0  }
0x22: {  	[tilespmem:$0x218] =	vst v0  }
0x23: {  	[tilespmem:$0x228] =	vst v0  }
0x24: {  	[tilespmem:$0x238] =	vst v0  }
0x25: {  	[tilespmem:$0x248] =	vst v0  }
0x26: {  	[tilespmem:$0x258] =	vst v0  }
0x27: {  	[tilespmem:$0x268] =	vst v0  }
0x28: {  	[tilespmem:$0x278] =	vst v0  }
0x29: {  	[tilespmem:$0x288] =	vst v0  }
0x2a: {  	[tilespmem:$0x298] =	vst v0  }
0x2b: {  	[tilespmem:$0x2A8] =	vst v0  }
0x2c: {  	[tilespmem:$0x2B8] =	vst v0  }
0x2d: {  	[tilespmem:$0x2C8] =	vst v0  }
0x2e: {  	[tilespmem:$0x2D8] =	vst v0  }
0x2f: {  	[tilespmem:$0x2E8] =	vst v0  }
0x30: {  	[tilespmem:$0x2F8] =	vst v0  }
0x31: {  	[tilespmem:$0x308] =	vst v0  }
0x32: {  	[tilespmem:$0x318] =	vst v0  }
0x33: {  	[tilespmem:$0x328] =	vst v0  }
0x34: {  	[tilespmem:$0x338] =	vst v0  }
0x35: {  	[tilespmem:$0x348] =	vst v0  }
0x36: {  	[tilespmem:$0x358] =	vst v0  }
0x37: {  	[tilespmem:$0x368] =	vst v0  }
0x38: {  	[tilespmem:$0x378] =	vst v0  }
0x39: {  	[tilespmem:$0x388] =	vst v0  }
0x3a: {  	[tilespmem:$0x398] =	vst v0  }
0x3b: {  	[tilespmem:$0x3A8] =	vst v0  }
0x3c: {  	[tilespmem:$0x3B8] =	vst v0  }
0x3d: {  	[tilespmem:$0x3C8] =	vst v0  }
0x3e: {  	[tilespmem:$0x3D8] =	vst v0  }
0x3f: {  	[tilespmem:$0x3E8] =	vst v0  }
0x40: {  	[tilespmem:$0x3F8] =	vst v0  }
0x41: {  	[tilespmem:$0x408] =	vst v0  }
0x42: {  	[tilespmem:$0x418] =	vst v0  }
0x43: {  	[tilespmem:$0x428] =	vst v0  }
0x44: {  	[tilespmem:$0x438] =	vst v0  }
0x45: {  	[tilespmem:$0x448] =	vst v0  }
0x46: {  	[tilespmem:$0x458] =	vst v0  }
0x47: {  	[tilespmem:$0x468] =	vst v0  }
0x48: {  	[tilespmem:$0x478] =	vst v0  }
0x49: {  	[tilespmem:$0x488] =	vst v0  }
0x4a: {  	[tilespmem:$0x498] =	vst v0  }
0x4b: {  	[tilespmem:$0x4A8] =	vst v0  }
0x4c: {  	[tilespmem:$0x4B8] =	vst v0  }
0x4d: {  	[tilespmem:$0x4C8] =	vst v0  }
0x4e: {  	[tilespmem:$0x4D8] =	vst v0  }
0x4f: {  	[tilespmem:$0x4E8] =	vst v0  }
0x50: {  	[tilespmem:$0x4F8] =	vst v0  }
0x51: {  	[tilespmem:$0x508] =	vst v0  }
0x52: {  	[tilespmem:$0x518] =	vst v0  }
0x53: {  	[tilespmem:$0x528] =	vst v0  }
0x54: {  	[tilespmem:$0x538] =	vst v0  }
0x55: {  	[tilespmem:$0x548] =	vst v0  }
0x56: {  	[tilespmem:$0x558] =	vst v0  }
0x57: {  	[tilespmem:$0x568] =	vst v0  }
0x58: {  	[tilespmem:$0x578] =	vst v0  }
0x59: {  	[tilespmem:$0x588] =	vst v0  }
0x5a: {  	[tilespmem:$0x598] =	vst v0  }
0x5b: {  	[tilespmem:$0x5A8] =	vst v0  }
0x5c: {  	[tilespmem:$0x5B8] =	vst v0  }
0x5d: {  	[tilespmem:$0x5C8] =	vst v0  }
0x5e: {  	[tilespmem:$0x5D8] =	vst v0  }
0x5f: {  	[tilespmem:$0x5E8] =	vst v0  }
0x60: {  	[tilespmem:$0x5F8] =	vst v0  }
0x61: {  	[tilespmem:$0x608] =	vst v0  }
0x62: {  	[tilespmem:$0x618] =	vst v0  }
0x63: {  	[tilespmem:$0x628] =	vst v0  }
0x64: {  	[tilespmem:$0x638] =	vst v0  }
0x65: {  	[tilespmem:$0x648] =	vst v0  }
0x66: {  	[tilespmem:$0x658] =	vst v0  }
0x67: {  	[tilespmem:$0x668] =	vst v0  }
0x68: {  	[tilespmem:$0x678] =	vst v0  }
0x69: {  	[tilespmem:$0x688] =	vst v0  }
0x6a: {  	[tilespmem:$0x698] =	vst v0  }
0x6b: {  	[tilespmem:$0x6A8] =	vst v0  }
0x6c: {  	[tilespmem:$0x6B8] =	vst v0  }
0x6d: {  	[tilespmem:$0x6C8] =	vst v0  }
0x6e: {  	[tilespmem:$0x6D8] =	vst v0  }
0x6f: {  	[tilespmem:$0x6E8] =	vst v0  }
0x70: {  	[tilespmem:$0x6F8] =	vst v0  }
0x71: {  	[tilespmem:$0x708] =	vst v0  }
0x72: {  	[tilespmem:$0x718] =	vst v0  }
0x73: {  	[tilespmem:$0x728] =	vst v0  }
0x74: {  	[tilespmem:$0x738] =	vst v0  }
0x75: {  	[tilespmem:$0x748] =	vst v0  }
0x76: {  	[tilespmem:$0x758] =	vst v0  }
0x77: {  	[tilespmem:$0x768] =	vst v0  }
0x78: {  	[tilespmem:$0x778] =	vst v0  }
0x79: {  	[tilespmem:$0x788] =	vst v0  }
0x7a: {  	[tilespmem:$0x798] =	vst v0  }
0x7b: {  	[tilespmem:$0x7A8] =	vst v0  }
0x7c: {  	[tilespmem:$0x7B8] =	vst v0  }
0x7d: {  	[tilespmem:$0x7C8] =	vst v0  }
0x7e: {  	[tilespmem:$0x7D8] =	vst v0  }
0x7f: {  	[tilespmem:$0x7E8] =	vst v0  }
0x80: {  	[tilespmem:$0x7F8] =	vst v0  }
0x81: {  	[tilespmem:$0x808] =	vst v0  }
0x82: {  	[tilespmem:$0x818] =	vst v0  }
0x83: {  	[tilespmem:$0x828] =	vst v0  }
0x84: {  	[tilespmem:$0x838] =	vst v0  }
0x85: {  	[tilespmem:$0x848] =	vst v0  }
0x86: {  	[tilespmem:$0x858] =	vst v0  }
0x87: {  	[tilespmem:$0x868] =	vst v0  }
0x88: {  	[tilespmem:$0x878] =	vst v0  }
0x89: {  	[tilespmem:$0x888] =	vst v0  }
0x8a: {  	[tilespmem:$0x898] =	vst v0  }
0x8b: {  	[tilespmem:$0x8A8] =	vst v0  }
0x8c: {  	[tilespmem:$0x8B8] =	vst v0  }
0x8d: {  	[tilespmem:$0x8C8] =	vst v0  }
0x8e: {  	[tilespmem:$0x8D8] =	vst v0  }
0x8f: {  	[tilespmem:$0x8E8] =	vst v0  }
0x90: {  	[tilespmem:$0x8F8] =	vst v0  }
0x91: {  	[tilespmem:$0x908] =	vst v0  }
0x92: {  	[tilespmem:$0x918] =	vst v0  }
0x93: {  	[tilespmem:$0x928] =	vst v0  }
0x94: {  	[tilespmem:$0x938] =	vst v0  }
0x95: {  	[tilespmem:$0x948] =	vst v0  }
0x96: {  	[tilespmem:$0x958] =	vst v0  }
0x97: {  	[tilespmem:$0x968] =	vst v0  }
0x98: {  	[tilespmem:$0x978] =	vst v0  }
0x99: {  	[tilespmem:$0x988] =	vst v0  }
0x9a: {  	[tilespmem:$0x998] =	vst v0  }
0x9b: {  	[tilespmem:$0x9A8] =	vst v0  }
0x9c: {  	[tilespmem:$0x9B8] =	vst v0  }
0x9d: {  	[tilespmem:$0x9C8] =	vst v0  }
0x9e: {  	[tilespmem:$0x9D8] =	vst v0  }
0x9f: {  	[tilespmem:$0x9E8] =	vst v0  }
0xa0: {  	[tilespmem:$0x9F8] =	vst v0  }
0xa1: {  	[tilespmem:$0xA08] =	vst v0  }
0xa2: {  	[tilespmem:$0xA18] =	vst v0  }
0xa3: {  	[tilespmem:$0xA28] =	vst v0  }
0xa4: {  	[tilespmem:$0xA38] =	vst v0  }
0xa5: {  	[tilespmem:$0xA48] =	vst v0  }
0xa6: {  	[tilespmem:$0xA58] =	vst v0  }
0xa7: {  	[tilespmem:$0xA68] =	vst v0  }
0xa8: {  	[tilespmem:$0xA78] =	vst v0  }
0xa9: {  	[tilespmem:$0xA88] =	vst v0  }
0xaa: {  	[tilespmem:$0xA98] =	vst v0  }
0xab: {  	[tilespmem:$0xAA8] =	vst v0  }
0xac: {  	[tilespmem:$0xAB8] =	vst v0  }
0xad: {  	[tilespmem:$0xAC8] =	vst v0  }
0xae: {  	[tilespmem:$0xAD8] =	vst v0  }
0xaf: {  	[tilespmem:$0xAE8] =	vst v0  }
0xb0: {  	[tilespmem:$0xAF8] =	vst v0  }
0xb1: {  	[tilespmem:$0xB08] =	vst v0  }
0xb2: {  	[tilespmem:$0xB18] =	vst v0  }
0xb3: {  	[tilespmem:$0xB28] =	vst v0  }
0xb4: {  	[tilespmem:$0xB38] =	vst v0  }
0xb5: {  	[tilespmem:$0xB48] =	vst v0  }
0xb6: {  	[tilespmem:$0xB58] =	vst v0  }
0xb7: {  	[tilespmem:$0xB68] =	vst v0  }
0xb8: {  	[tilespmem:$0xB78] =	vst v0  }
0xb9: {  	[tilespmem:$0xB88] =	vst v0  }
0xba: {  	[tilespmem:$0xB98] =	vst v0  }
0xbb: {  	[tilespmem:$0xBA8] =	vst v0  }
0xbc: {  	[tilespmem:$0xBB8] =	vst v0  }
0xbd: {  	[tilespmem:$0xBC8] =	vst v0  }
0xbe: {  	[tilespmem:$0xBD8] =	vst v0  }
0xbf: {  	[tilespmem:$0xBE8] =	vst v0  }
0xc0: {  	[tilespmem:$0xBF8] =	vst v0  }
0xc1: {  	[tilespmem:$0xC08] =	vst v0  }
0xc2: {  	[tilespmem:$0xC18] =	vst v0  }
0xc3: {  	[tilespmem:$0xC28] =	vst v0  }
0xc4: {  	[tilespmem:$0xC38] =	vst v0  }
0xc5: {  	[tilespmem:$0xC48] =	vst v0  }
0xc6: {  	[tilespmem:$0xC58] =	vst v0  }
0xc7: {  	[tilespmem:$0xC68] =	vst v0  }
0xc8: {  	[tilespmem:$0xC78] =	vst v0  }
0xc9: {  	[tilespmem:$0xC88] =	vst v0  }
0xca: {  	[tilespmem:$0xC98] =	vst v0  }
0xcb: {  	[tilespmem:$0xCA8] =	vst v0  }
0xcc: {  	[tilespmem:$0xCB8] =	vst v0  }
0xcd: {  	[tilespmem:$0xCC8] =	vst v0  }
0xce: {  	[tilespmem:$0xCD8] =	vst v0  }
0xcf: {  	[tilespmem:$0xCE8] =	vst v0  }
0xd0: {  	[tilespmem:$0xCF8] =	vst v0  }
0xd1: {  	[tilespmem:$0xD08] =	vst v0  }
0xd2: {  	[tilespmem:$0xD18] =	vst v0  }
0xd3: {  	[tilespmem:$0xD28] =	vst v0  }
0xd4: {  	[tilespmem:$0xD38] =	vst v0  }
0xd5: {  	[tilespmem:$0xD48] =	vst v0  }
0xd6: {  	[tilespmem:$0xD58] =	vst v0  }
0xd7: {  	[tilespmem:$0xD68] =	vst v0  }
0xd8: {  	[tilespmem:$0xD78] =	vst v0  }
0xd9: {  	[tilespmem:$0xD88] =	vst v0  }
0xda: {  	[tilespmem:$0xD98] =	vst v0  }
0xdb: {  	[tilespmem:$0xDA8] =	vst v0  }
0xdc: {  	[tilespmem:$0xDB8] =	vst v0  }
0xdd: {  	[tilespmem:$0xDC8] =	vst v0  }
0xde: {  	[tilespmem:$0xDD8] =	vst v0  }
0xdf: {  	[tilespmem:$0xDE8] =	vst v0  }
0xe0: {  	[tilespmem:$0xDF8] =	vst v0  }
0xe1: {  	[tilespmem:$0xE08] =	vst v0  }
0xe2: {  	[tilespmem:$0xE18] =	vst v0  }
0xe3: {  	[tilespmem:$0xE28] =	vst v0  }
0xe4: {  	[tilespmem:$0xE38] =	vst v0  }
0xe5: {  	[tilespmem:$0xE48] =	vst v0  }
0xe6: {  	[tilespmem:$0xE58] =	vst v0  }
0xe7: {  	[tilespmem:$0xE68] =	vst v0  }
0xe8: {  	[tilespmem:$0xE78] =	vst v0  }
0xe9: {  	[tilespmem:$0xE88] =	vst v0  }
0xea: {  	[tilespmem:$0xE98] =	vst v0  }
0xeb: {  	[tilespmem:$0xEA8] =	vst v0  }
0xec: {  	[tilespmem:$0xEB8] =	vst v0  }
0xed: {  	[tilespmem:$0xEC8] =	vst v0  }
0xee: {  	[tilespmem:$0xED8] =	vst v0  }
0xef: {  	[tilespmem:$0xEE8] =	vst v0  }
0xf0: {  	[tilespmem:$0xEF8] =	vst v0  }
0xf1: {  	[tilespmem:$0xF08] =	vst v0  }
0xf2: {  	[tilespmem:$0xF18] =	vst v0  }
0xf3: {  	[tilespmem:$0xF28] =	vst v0  }
0xf4: {  	[tilespmem:$0xF38] =	vst v0  }
0xf5: {  	[tilespmem:$0xF48] =	vst v0  }
0xf6: {  	[tilespmem:$0xF58] =	vst v0  }
0xf7: {  	[tilespmem:$0xF68] =	vst v0  }
0xf8: {  	[tilespmem:$0xF78] =	vst v0  }
0xf9: {  	[tilespmem:$0xF88] =	vst v0  }
0xfa: {  	[tilespmem:$0xF98] =	vst v0  }
0xfb: {  	[tilespmem:$0xFA8] =	vst v0  }
0xfc: {  	[tilespmem:$0xFB8] =	vst v0  }
0xfd: {  	[tilespmem:$0xFC8] =	vst v0  }
0xfe: {  	[tilespmem:$0xFD8] =	vst v0  }
0xff: {  	[tilespmem:$0xFE8] =	vst v0  }
0x100: {  	[tilespmem:$0xFF8] =	vst v0  }
0x101: {  	[tilespmem:$0x1018] =	vst v0  }
0x102: {  	[tilespmem:$0x10D8] =	vst v0  }
0x103: {  	[tilespmem:$0x1B28] =	vst v0  }
0x104: {  	[tilespmem:$0x1B18] =	vst v0  }
0x105: {  	[tilespmem:$0x1B08] =	vst v0  }
0x106: {  	[tilespmem:$0x1AF8] =	vst v0  }
0x107: {  	[tilespmem:$0x1AE8] =	vst v0  }
0x108: {  	[tilespmem:$0x1AD8] =	vst v0  }
0x109: {  	[tilespmem:$0x1AC8] =	vst v0  }
0x10a: {  	[tilespmem:$0x1AB8] =	vst v0  }
0x10b: {  	[tilespmem:$0x1AA8] =	vst v0  }
0x10c: {  	[tilespmem:$0x1A98] =	vst v0  }
0x10d: {  	[tilespmem:$0x1A88] =	vst v0  }
0x10e: {  	[tilespmem:$0x1A78] =	vst v0  }
0x10f: {  	[tilespmem:$0x1A68] =	vst v0  }
0x110: {  	[tilespmem:$0x1A58] =	vst v0  }
0x111: {  	[tilespmem:$0x1A48] =	vst v0  }
0x112: {  	[tilespmem:$0x1A38] =	vst v0  }
0x113: {  	[tilespmem:$0x1A28] =	vst v0  }
0x114: {  	[tilespmem:$0x1A18] =	vst v0  }
0x115: {  	[tilespmem:$0x1A08] =	vst v0  }
0x116: {  	[tilespmem:$0x19F8] =	vst v0  }
0x117: {  	[tilespmem:$0x19E8] =	vst v0  }
0x118: {  	[tilespmem:$0x19D8] =	vst v0  }
0x119: {  	[tilespmem:$0x19C8] =	vst v0  }
0x11a: {  	[tilespmem:$0x19B8] =	vst v0  }
0x11b: {  	[tilespmem:$0x19A8] =	vst v0  }
0x11c: {  	[tilespmem:$0x1998] =	vst v0  }
0x11d: {  	[tilespmem:$0x1988] =	vst v0  }
0x11e: {  	[tilespmem:$0x1978] =	vst v0  }
0x11f: {  	[tilespmem:$0x1968] =	vst v0  }
0x120: {  	[tilespmem:$0x1958] =	vst v0  }
0x121: {  	[tilespmem:$0x1948] =	vst v0  }
0x122: {  	[tilespmem:$0x1938] =	vst v0  }
0x123: {  	[tilespmem:$0x1928] =	vst v0  }
0x124: {  	[tilespmem:$0x1918] =	vst v0  }
0x125: {  	[tilespmem:$0x1908] =	vst v0  }
0x126: {  	[tilespmem:$0x18F8] =	vst v0  }
0x127: {  	[tilespmem:$0x18E8] =	vst v0  }
0x128: {  	[tilespmem:$0x18D8] =	vst v0  }
0x129: {  	[tilespmem:$0x18C8] =	vst v0  }
0x12a: {  	[tilespmem:$0x18B8] =	vst v0  }
0x12b: {  	[tilespmem:$0x18A8] =	vst v0  }
0x12c: {  	[tilespmem:$0x1898] =	vst v0  }
0x12d: {  	[tilespmem:$0x1888] =	vst v0  }
0x12e: {  	[tilespmem:$0x1878] =	vst v0  }
0x12f: {  	[tilespmem:$0x1868] =	vst v0  }
0x130: {  	[tilespmem:$0x1858] =	vst v0  }
0x131: {  	[tilespmem:$0x1848] =	vst v0  }
0x132: {  	[tilespmem:$0x1838] =	vst v0  }
0x133: {  	[tilespmem:$0x1828] =	vst v0  }
0x134: {  	[tilespmem:$0x1818] =	vst v0  }
0x135: {  	[tilespmem:$0x1808] =	vst v0  }
0x136: {  	[tilespmem:$0x17F8] =	vst v0  }
0x137: {  	[tilespmem:$0x17E8] =	vst v0  }
0x138: {  	[tilespmem:$0x17D8] =	vst v0  }
0x139: {  	[tilespmem:$0x17C8] =	vst v0  }
0x13a: {  	[tilespmem:$0x17B8] =	vst v0  }
0x13b: {  	[tilespmem:$0x17A8] =	vst v0  }
0x13c: {  	[tilespmem:$0x1798] =	vst v0  }
0x13d: {  	[tilespmem:$0x1788] =	vst v0  }
0x13e: {  	[tilespmem:$0x1778] =	vst v0  }
0x13f: {  	[tilespmem:$0x1768] =	vst v0  }
0x140: {  	[tilespmem:$0x1758] =	vst v0  }
0x141: {  	[tilespmem:$0x1748] =	vst v0  }
0x142: {  	[tilespmem:$0x1738] =	vst v0  }
0x143: {  	[tilespmem:$0x1728] =	vst v0  }
0x144: {  	[tilespmem:$0x1718] =	vst v0  }
0x145: {  	[tilespmem:$0x1708] =	vst v0  }
0x146: {  	[tilespmem:$0x16F8] =	vst v0  }
0x147: {  	[tilespmem:$0x16E8] =	vst v0  }
0x148: {  	[tilespmem:$0x16D8] =	vst v0  }
0x149: {  	[tilespmem:$0x16C8] =	vst v0  }
0x14a: {  	[tilespmem:$0x16B8] =	vst v0  }
0x14b: {  	[tilespmem:$0x16A8] =	vst v0  }
0x14c: {  	[tilespmem:$0x1698] =	vst v0  }
0x14d: {  	[tilespmem:$0x1688] =	vst v0  }
0x14e: {  	[tilespmem:$0x1678] =	vst v0  }
0x14f: {  	[tilespmem:$0x1668] =	vst v0  }
0x150: {  	[tilespmem:$0x1658] =	vst v0  }
0x151: {  	[tilespmem:$0x1648] =	vst v0  }
0x152: {  	[tilespmem:$0x1638] =	vst v0  }
0x153: {  	[tilespmem:$0x1628] =	vst v0  }
0x154: {  	[tilespmem:$0x1618] =	vst v0  }
0x155: {  	[tilespmem:$0x1608] =	vst v0  }
0x156: {  	[tilespmem:$0x15F8] =	vst v0  }
0x157: {  	[tilespmem:$0x15E8] =	vst v0  }
0x158: {  	[tilespmem:$0x15D8] =	vst v0  }
0x159: {  	[tilespmem:$0x15C8] =	vst v0  }
0x15a: {  	[tilespmem:$0x15B8] =	vst v0  }
0x15b: {  	[tilespmem:$0x15A8] =	vst v0  }
0x15c: {  	[tilespmem:$0x1598] =	vst v0  }
0x15d: {  	[tilespmem:$0x1588] =	vst v0  }
0x15e: {  	[tilespmem:$0x1578] =	vst v0  }
0x15f: {  	[tilespmem:$0x1568] =	vst v0  }
0x160: {  	[tilespmem:$0x1558] =	vst v0  }
0x161: {  	[tilespmem:$0x1548] =	vst v0  }
0x162: {  	[tilespmem:$0x1538] =	vst v0  }
0x163: {  	[tilespmem:$0x1528] =	vst v0  }
0x164: {  	[tilespmem:$0x1518] =	vst v0  }
0x165: {  	[tilespmem:$0x1508] =	vst v0  }
0x166: {  	[tilespmem:$0x14F8] =	vst v0  }
0x167: {  	[tilespmem:$0x14E8] =	vst v0  }
0x168: {  	[tilespmem:$0x14D8] =	vst v0  }
0x169: {  	[tilespmem:$0x14C8] =	vst v0  }
0x16a: {  	[tilespmem:$0x14B8] =	vst v0  }
0x16b: {  	[tilespmem:$0x14A8] =	vst v0  }
0x16c: {  	[tilespmem:$0x1498] =	vst v0  }
0x16d: {  	[tilespmem:$0x1488] =	vst v0  }
0x16e: {  	[tilespmem:$0x1478] =	vst v0  }
0x16f: {  	[tilespmem:$0x1468] =	vst v0  }
0x170: {  	[tilespmem:$0x1458] =	vst v0  }
0x171: {  	[tilespmem:$0x1448] =	vst v0  }
0x172: {  	[tilespmem:$0x1438] =	vst v0  }
0x173: {  	[tilespmem:$0x1428] =	vst v0  }
0x174: {  	[tilespmem:$0x1418] =	vst v0  }
0x175: {  	[tilespmem:$0x1408] =	vst v0  }
0x176: {  	[tilespmem:$0x13F8] =	vst v0  }
0x177: {  	[tilespmem:$0x13E8] =	vst v0  }
0x178: {  	[tilespmem:$0x13D8] =	vst v0  }
0x179: {  	[tilespmem:$0x13C8] =	vst v0  }
0x17a: {  	[tilespmem:$0x13B8] =	vst v0  }
0x17b: {  	[tilespmem:$0x13A8] =	vst v0  }
0x17c: {  	[tilespmem:$0x1398] =	vst v0  }
0x17d: {  	[tilespmem:$0x1388] =	vst v0  }
0x17e: {  	[tilespmem:$0x1378] =	vst v0  }
0x17f: {  	[tilespmem:$0x1368] =	vst v0  }
0x180: {  	[tilespmem:$0x1358] =	vst v0  }
0x181: {  	[tilespmem:$0x1348] =	vst v0  }
0x182: {  	[tilespmem:$0x1338] =	vst v0  }
0x183: {  	[tilespmem:$0x1328] =	vst v0  }
0x184: {  	[tilespmem:$0x1318] =	vst v0  }
0x185: {  	[tilespmem:$0x1308] =	vst v0  }
0x186: {  	[tilespmem:$0x12F8] =	vst v0  }
0x187: {  	[tilespmem:$0x12E8] =	vst v0  }
0x188: {  	[tilespmem:$0x12D8] =	vst v0  }
0x189: {  	[tilespmem:$0x12C8] =	vst v0  }
0x18a: {  	[tilespmem:$0x12B8] =	vst v0  }
0x18b: {  	[tilespmem:$0x12A8] =	vst v0  }
0x18c: {  	[tilespmem:$0x1298] =	vst v0  }
0x18d: {  	[tilespmem:$0x1288] =	vst v0  }
0x18e: {  	[tilespmem:$0x1278] =	vst v0  }
0x18f: {  	[tilespmem:$0x1268] =	vst v0  }
0x190: {  	[tilespmem:$0x1258] =	vst v0  }
0x191: {  	[tilespmem:$0x1248] =	vst v0  }
0x192: {  	[tilespmem:$0x1238] =	vst v0  }
0x193: {  	[tilespmem:$0x1228] =	vst v0  }
0x194: {  	[tilespmem:$0x1218] =	vst v0  }
0x195: {  	[tilespmem:$0x1208] =	vst v0  }
0x196: {  	[tilespmem:$0x11F8] =	vst v0  }
0x197: {  	[tilespmem:$0x11E8] =	vst v0  }
0x198: {  	[tilespmem:$0x11D8] =	vst v0  }
0x199: {  	[tilespmem:$0x11C8] =	vst v0  }
0x19a: {  	[tilespmem:$0x11B8] =	vst v0  }
0x19b: {  	[tilespmem:$0x11A8] =	vst v0  }
0x19c: {  	[tilespmem:$0x1198] =	vst v0  }
0x19d: {  	[tilespmem:$0x1188] =	vst v0  }
0x19e: {  	[tilespmem:$0x1178] =	vst v0  }
0x19f: {  	[tilespmem:$0x1168] =	vst v0  }
0x1a0: {  	[tilespmem:$0x1158] =	vst v0  }
0x1a1: {  	[tilespmem:$0x1148] =	vst v0  }
0x1a2: {  	[tilespmem:$0x1138] =	vst v0  }
0x1a3: {  	[tilespmem:$0x1128] =	vst v0  }
0x1a4: {  	[tilespmem:$0x1118] =	vst v0  }
0x1a5: {  	s2 =	stileid.u32;
	[tilespmem:$0x1108] =	vst v0  }
0x1a6: {  	s0 =	smul.u32 $0x2F, s2;
	[tilespmem:$0x10F8] =	vst v0  }
0x1a7: {  	s1 =	smin.u32 s2, $0xC;
	[tilespmem:$0x10E8] =	vst v0  }
0x1a8: {  	[tilespmem:$0x10B8] =	vst v0;
	s0 =	sadd.s32 s1, s0  }
0x1a9: {  	p0 =	slt.u32 s2, $0xC;
	[tilespmem:$0x10C8] =	vst v0;
	s1 =	simm.s32 $0x5100;
	s3 =	smul.u32 $0x1B0, s0  }
0x1aa: {  	s1 =	simm.s32 @!p0 $0x4F50;
	[tilespmem:$0x10A8] =	vst v0  }
0x1ab: {  	[tilespmem:$0x1038] =	vst v0;
	s0 =	sadd.s32 s1, s3  }
0x1ac: {  	[tilespmem:$0x1098] =	vst v0;
	s4 =	smin.u32 s0, $0x50910  }
0x1ad: {  	[tilespmem:$0x1088] =	vst v0;
	s0 =	ssub.s32 s4, s3  }
0x1ae: {  	s5 =	simm.s32 $0x2;
	s29 =	simm.s32 $0x7;
	[tilespmem:$0x1078] =	vst v0;
	p0 =	sgt.s32 s0, $0x0  }
0x1af: {  	s13 =	simm.s32 $0x8;
	s30 =	simm.s32 $0x9;
	[tilespmem:$0x1068] =	vst v0;
	s0 =	simm.s32 @!p0 $0x0  }
0x1b0: {  	p4 =	por $0x0, $0x0;
	s14 =	simm.s32 $0xA;
	[tilespmem:$0x1058] =	vst v0;
	s6 =	smulhi.u32 $0x4BDA12F7, s0  }
0x1b1: {  	s18 =	simm.s32 $0x0;
	s15 =	simm.s32 $0x0;
	s17 =	simm.s32 $0x0;
	[tilespmem:$0x1048] =	vst v0  }
0x1b2: {  	s7 =	sadd.s32 $0x5EF400, s8;
	s31 =	sshll.u32 s2, $0x5;
	[tilespmem:$0x1028] =	vst v0;
	s12 =	sshrl.u32 s6, $0x7  }
0x1b3: {  	[tilespmem:$0x1008] =	vst v0;
	[sflag:s5] =	ssyncpa.u1 $0x0;
	v0 =	vimm.s32 $0xFFFFFFFF;
	s5 =	sadd.s32 $0xAA600, s8;
	s10 =	smul.u32 $0x1B0, s12  }
.Ltmp0:
0x1b4: {  	[dreg:$0x2] =	wrdreg s31;
	[tilespmem:$0x3648] =	vst v0;
	[sflag:s29] =	ssyncpa.u1 $0x0;
	(pc) =	sbr.rel .LBB2_1-.Ltmp0, $4  }
0x1b5: {  	[sflag:s13] =	ssyncpa.u1 $0x0;
	s13 =	simm.s32 $0x0;
	p0 =	sne.s32 s0, s10  }
0x1b6: {  	[sflag:s30] =	ssyncpa.u1 $0x0;
	s1 =	sadd.s32 $0x5C7400, s8;
	s11 =	simm.s32 @!p0 $0x0  }
0x1b7: {  	s16 =	smov.u32 s3;
	[dreg:$0x3] =	wrdreg s3;
	s11 =	sadd.s32 s11, s12  }
0x1b8: {  	v0 =	vlaneseq.u32;
	s6 =	sadd.s32 $0xA0400, s8;
	p0 =	por $0x1, $0x1;
	s8 =	sadd.s32 $0x1, s11  }
.LBB2_18:
0x1b9: {  	s0 =	simm.s32 $0x2  }
0x1ba: {  	_ =	swait.ge [sflag:s0], $0x0  }
0x1bb: {  	[sflag:s0] =	ssyncset.done $0x0;
	s0 =	simm.s32 $0x0  }
.LBB2_19:
0x1bc: {  	_ =	swait.ge [sflag:s14], s0  }
0x1bd: {  	s31 =	ssub.s32 $0x0, s0;
	v1 =	vmov s20;
	vm0 =	veq.s32 v0, $0x0;
	[sflag:s14] =	ssyncset.done $0x0  }
0x1be: {  	vm15 =	veq.s32 v0, $0x2;
	v1 =	vsel vm0, s24, v1;
	[sflag:s14] =	ssyncadd.s32 s31  }
0x1bf: {  	v1 =	vsel vm15, s18, v1;
	[sflag:s14] =	ssyncpa.u1 $0x1  }
0x1c0: {  	[tilespmem:$0x3648] =	vst v1  }
.LBB2_20:
0x1c1: {  	s0 =	sadd.s32 $0x1B0, s16  }
0x1c2: {  	s2 =	smov.u32 s3;
	p1 =	slt.s32 s0, s4  }
0x1c3: {  	s2 =	smov.u32 @p1 s0;
	p1 =	sne.s32 s17, s8  }
.Ltmp1:
0x1c4: {  	_ = 	snop;
	(pc) =	sbr.rel @!p1 .LBB2_21-.Ltmp1, $4  }
0x1c5: {  	_ = 	snop  }
0x1c6: {  	s18 =	smov.u32 s15  }
0x1c7: {  	s31 =	sadd.s32 $0x1, s17;
	s15 =	smov.u32 s16;
	p0 =	por !p0, !p0  }
0x1c8: {  	p4 =	por !p4, !p4;
	s17 =	smov.u32 s31;
	s16 =	smov.u32 s2  }
.LBB2_1:
0x1c9: {  	p2 =	sge.u32 s17, s11  }
0x1ca: {  	s0 =	smulhi.u32 @!p2 $0xAAAAAAAB, s17  }
0x1cb: {  	s19 =	smov.u32 s16;
	p3 =	sgt.s32 @!p2 s16, $0x50760  }
0x1cc: {  	s20 =	sshra.s32 @!p2 s16, $0x1F;
	p3 =	por !p3, p2;
	s0 =	sshrl.u32 @!p2 s0, $0x1  }
0x1cd: {  	s20 =	sand.u32 @!p2 s20, s16;
	s19 =	simm.s32 @p3 $0x50760;
	s0 =	smul.u32 @!p2 $0x3, s0  }
0x1ce: {  	s19 =	ssub.s32 @!p2 s19, s20  }
0x1cf: {  	s19 =	sadd.s32 @!p2 $0xFFFAF8A0, s19;
	s0 =	ssub.s32 @!p2 s17, s0  }
0x1d0: {  	s20 =	sshll.u32 @!p2 s19, $0x2;
	p3 =	sgt.s32 @!p2 s19, $0x1AF;
	s0 =	smul.u32 @!p2 $0x6C0, s0  }
0x1d1: {  	s21 =	sand.u32 @!p2 $0x7, s16;
	s19 =	ssub.s32 @!p2 $0x6C0, s20;
	p3 =	por !p3, p2  }
0x1d2: {  	s20 =	sshrl.u32 @!p2 s16, $0x3;
	s19 =	sshrl.u32 @!p2 s19, $0x2;
	s0 =	sshrl.u32 @!p2 s0, $0x2  }
0x1d3: {  	s20 =	sadd.s32 @!p2 s5, s20;
	s19 =	simm.s32 @!p3 $0x0;
	s0 =	sadd.s32 @!p2 $0x3878, s0  }
0x1d4: {  	[tilespmem:s0], [sflag:$0x8] =	stream.linear.gather @!p2 [hbm4b:s20+s21], s19, $0x38;
	[tilespmem:$0x1F0E8] =	vst v63  }
0x1d5: {  	s20 =	sadd.s32 $0xFFFFFFFF, s17  }
0x1d6: {  	p2 =	sge.u32 s20, s11  }
0x1d7: {  	p3 =	sgt.s32 @!p2 s15, $0x50760  }
0x1d8: {  	s0 =	smov.u32 s15;
	s19 =	sshra.s32 @!p2 s15, $0x1F;
	p3 =	por !p3, p2  }
0x1d9: {  	s19 =	sand.u32 @!p2 s19, s15;
	s0 =	simm.s32 @p3 $0x50760  }
0x1da: {  	s0 =	ssub.s32 @!p2 s0, s19  }
0x1db: {  	s0 =	sadd.s32 @!p2 $0xFFFAF8A0, s0  }
0x1dc: {  	s19 =	sshll.u32 @!p2 s0, $0x2  }
0x1dd: {  	p3 =	sgt.s32 @!p2 s0, $0x1AF;
	s0 =	ssub.s32 @!p2 $0x6C0, s19  }
0x1de: {  	p3 =	por !p3, p2;
	s0 =	sshrl.u32 @!p2 s0, $0x2  }
0x1df: {  	s21 =	simm.s32 @!p2 $0x8;
	s19 =	sand.u32 @!p2 $0x1, s20;
	s0 =	simm.s32 @!p3 $0x0  }
0x1e0: {  	s19 =	smul.u32 @!p2 $0x6C0, s19;
	_ =	swait.ge @!p2 [sflag:s21], s0  }
0x1e1: {  	s22 =	ssub.s32 @!p2 $0x0, s0;
	[sflag:s21] =	ssyncset.done @!p2 $0x0  }
0x1e2: {  	s19 =	sshrl.u32 @!p2 s19, $0x2;
	[sflag:s21] =	ssyncadd.s32 @!p2 s22;
	s21 =	sshrl.u32 @!p2 s15, $0x3  }
0x1e3: {  	s19 =	sadd.s32 @!p2 $0x3D88, s19;
	s22 =	sand.u32 @!p2 $0x7, s15;
	s21 =	sadd.s32 @!p2 s6, s21  }
0x1e4: {  	[tilespmem:s19], [sflag:$0x9] =	stream.linear.gather @!p2 [hbm4b:s21+s22], s0, $0x38;
	[tilespmem:$0x1F0E8] =	vst v63  }
0x1e5: {  	s19 =	ssub.s32 @!p2 $0x50910, s15  }
0x1e6: {  	p3 =	slt.s32 @!p2 s19, $0x1  }
0x1e7: {  	p3 =	por p2, p3  }
.Ltmp2:
0x1e8: {  	_ = 	snop;
	(pc) =	sbr.rel @p3 .LBB2_7-.Ltmp2, $1  }
0x1e9: {  	_ =	sdelay $0x3  }
0x1ea: {  	s0 =	smulhi.u32 $0xAAAAAAAB, s20;
	_ =	sdelay $0x1  }
0x1eb: {  	s0 =	sshrl.u32 s0, $0x1  }
0x1ec: {  	s0 =	smul.u32 $0x3, s0;
	_ =	sdelay $0x1  }
0x1ed: {  	s0 =	ssub.s32 s20, s0  }
0x1ee: {  	s21 =	simm.s32 $0x1;
	s0 =	smul.u32 $0x6C0, s0  }
.Ltmp3:
0x1ef: {  	s21 =	simm.s32 @!p0 $0x0;
	(pc) =	sbr.rel .LBB2_4-.Ltmp3, $4  }
0x1f0: {  	s31 =	smul.u32 $0x36000, s21  }
0x1f1: {  	p3 =	slt.s32 @!p2 s19, $0x1B0;
	s0 =	sshrl.u32 s0, $0x2  }
0x1f2: {  	p2 =	por !p3, p2;
	s20 =	sshrl.u32 s31, $0x2;
	s0 =	sadd.s32 $0x3878, s0  }
0x1f3: {  	s19 =	simm.s32 @p2 $0x1B0;
	s21 =	simm.s32 $0x0;
	s20 =	sadd.s32 $0x40E8, s20;
	v1 =	vmov s0  }
.LBB2_3:
0x1f4: {  	p2 =	sge.s32 s21, s19  }
.Ltmp4:
0x1f5: {  	_ = 	snop;
	(pc) =	sbr.rel @p2 .LBB2_7-.Ltmp4, $2  }
0x1f6: {  	_ =	sdelay $0x2  }
0x1f7: {  	s20 =	sadd.s32 $0x800, s20  }
.LBB2_4:
0x1f8: {  	p2 =	sle.s32 s19, s21  }
.Ltmp5:
0x1f9: {  	_ = 	snop;
	(pc) =	sbr.rel @p2 .LBB2_3-.Ltmp5, $2  }
0x1fa: {  	_ =	sdelay $0x2  }
0x1fb: {  	s22 =	smov.u32 s21;
	s21 =	sadd.s32 $0x10, s21  }
0x1fc: {  	s0 =	ssub.s32 s19, s22  }
0x1fd: {  	p2 =	slt.s32 s0, $0x10  }
0x1fe: {  	s0 =	simm.s32 @!p2 $0x10  }
0x1ff: {  	v2 =	vmov s0  }
0x200: {  	vm0 =	vgt.s32 v2, v0;
	_ =	sdelay $0x5  }
0x201: {  	v2 =	vld.idx.msk [tilespmem:v1+s22+$0x0 ss:$0x1], vm0;
	_ =	sdelay $0x2  }
0x202: {  	s23 =	smov.u32 s19;
	p2 =	slt.s32 s21, s19  }
0x203: {  	s24 =	smov.u32 s20;
	s25 =	simm.s32 $0x0;
	s23 =	smov.u32 @p2 s21  }
.LBB2_6:
0x204: {  	(v2sf) =	vpush v2, s25;
	_ =	sdelay $0xc  }
0x205: {  	s25 =	sadd.s32 $0x1, s25  }
0x206: {  	s31 =	sadd.s32 s25, s22  }
0x207: {  	p2 =	slt.s32 s31, s23;
	s0 =	spop (v2sf)  }
.Ltmp6:
0x208: {  	s0 =	sshll.u32 s0, $0x4;
	(pc) =	sbr.rel @p2 .LBB2_6-.Ltmp6, $4  }
0x209: {  	s0 =	sand.u32 $0x1FFFFFF0, s0  }
0x20a: {  	s0 =	sadd.s32 s7, s0  }
0x20b: {  	[tilespmem:s24], [sflag:$0x7] =	stream.linear.gather [hbm4b:s0+s13], $0x5, $0x38;
	[tilespmem:$0x1F0E8] =	vst v63  }
0x20c: {  	s24 =	sadd.s32 $0x80, s24  }
.Ltmp7:
0x20d: {  	_ = 	snop;
	(pc) =	sbr.rel .LBB2_3-.Ltmp7, $1  }
0x20e: {  	_ =	sdelay $0x3  }
.LBB2_7:
0x20f: {  	p2 =	slt.u32 s17, $0x2  }
.Ltmp8:
0x210: {  	_ = 	snop;
	(pc) =	sbr.rel @p2 .LBB2_20-.Ltmp8, $1  }
0x211: {  	_ =	sdelay $0x3  }
0x212: {  	s0 =	ssub.s32 $0x50910, s18;
	p2 =	sgt.s32 s18, $0x50760;
	s19 =	smov.u32 s18  }
0x213: {  	s20 =	sshra.s32 s18, $0x1F;
	p3 =	slt.s32 s0, $0x1B0;
	s21 =	smov.u32 s0  }
0x214: {  	s19 =	simm.s32 @!p2 $0x50760;
	s20 =	sand.u32 s20, s18;
	s21 =	simm.s32 @!p3 $0x1B0  }
0x215: {  	s19 =	ssub.s32 s19, s20;
	s25 =	smul.u32 $0x14, s21  }
0x216: {  	s19 =	sadd.s32 $0xFFFAF8A0, s19  }
0x217: {  	s2 =	simm.s32 $0x7;
	s26 =	sshll.u32 s19, $0x2;
	s20 =	sshrl.u32 s25, $0x2  }
0x218: {  	p2 =	sgt.s32 s19, $0x1AF;
	s28 =	ssub.s32 $0x6C0, s26;
	_ =	swait.ge [sflag:s2], s20  }
0x219: {  	s20 =	ssub.s32 $0x0, s20;
	s19 =	sshrl.u32 s28, $0x2;
	[sflag:s2] =	ssyncset.done $0x0  }
0x21a: {  	s29 =	simm.s32 $0x9;
	s19 =	simm.s32 @p2 $0x0;
	[sflag:s2] =	ssyncadd.s32 s20  }
0x21b: {  	_ =	swait.ge [sflag:s29], s19  }
0x21c: {  	s19 =	ssub.s32 $0x0, s19;
	[sflag:s29] =	ssyncset.done $0x0  }
0x21d: {  	[sflag:s29] =	ssyncadd.s32 s19  }
0x21e: {  	v1 =	vld [tilespmem:$0x3648];
	_ =	sdelay $0x4  }
0x21f: {  	(v2sf) =	vpush v1, $0x0  }
0x220: {  	(v2sf) =	vpush v1, $0x1  }
0x221: {  	(v2sf) =	vpush v1, $0x2;
	_ =	sdelay $0x3  }
0x222: {  	s19 =	sadd.s32 $0x1B0, s18  }
0x223: {  	p2 =	slt.s32 s4, s19  }
0x224: {  	s19 =	smov.u32 @p2 s4;
	p2 =	sgt.s32 s0, $0x0  }
0x225: {  	s22 =	ssub.s32 s19, s18;
	s0 =	simm.s32 @!p2 $0x0  }
0x226: {  	p2 =	slt.s32 s0, s22  }
0x227: {  	s22 =	smov.u32 @p2 s0  }
0x228: {  	s21 =	simm.s32 $0x1;
	p2 =	slt.s32 s22, $0x1  }
.Ltmp9:
0x229: {  	s21 =	simm.s32 @!p4 $0x0;
	(pc) =	sbr.rel @p2 .LBB2_12-.Ltmp9, $4  }
0x22a: {  	s30 =	smul.u32 $0x6C0, s21  }
0x22b: {  	s23 =	spop (v2sf)  }
0x22c: {  	s31 =	sshrl.u32 s30, $0x2;
	s25 =	spop (v2sf)  }
0x22d: {  	s19 =	sadd.s32 $0x3D88, s31;
	s18 =	spop (v2sf)  }
0x22e: {  	s0 =	smin.u32 s22, $0x10  }
0x22f: {  	v1 =	vmov s0  }
0x230: {  	p3 =	sgt.s32 s22, $0x10;
	vm1 =	vgt.u32 v1, v0  }
.Ltmp10:
0x231: {  	_ = 	snop;
	(pc) =	sbr.rel @!p3 .LBB2_11-.Ltmp10, $2  }
0x232: {  	_ =	sdelay $0x2  }
0x233: {  	s24 =	simm.s32 $0x10;
	s26 =	sadd.s32 $0xFFFFFFF0, s22;
	s20 =	smov.u32 s19;
	vm0 =	vmmov vm1  }
.LBB2_10:
0x234: {  	s0 =	smin.u32 s26, $0x10;
	s24 =	sadd.s32 $0x10, s24;
	v1 =	vld.msk [tilespmem:s20+$0x0 ss:$0x1], vm1  }
0x235: {  	v2 =	vmov s0;
	p3 =	slt.s32 s24, s22  }
0x236: {  	vm1 =	vgt.u32 v2, v0  }
.Ltmp11:
0x237: {  	(pc) =	sbr.rel @p3 .LBB2_10-.Ltmp11, $3  }
0x238: {  	_ =	sdelay $0x1  }
0x239: {  	v1 =	vshll.u32 v1, $0x4  }
0x23a: {  	s26 =	sadd.s32 $0xFFFFFFF0, s26;
	[tilespmem:s20+$0x0] =	vst.msk vm0, v1;
	s20 =	sadd.s32 $0x10, s20;
	vm0 =	vmmov vm1  }
.LBB2_11:
0x23b: {  	_ =	sdelay $0x4  }
0x23c: {  	v1 =	vld.msk [tilespmem:s20+$0x0 ss:$0x1], vm1;
	_ =	sdelay $0x4  }
0x23d: {  	v1 =	vshll.u32 v1, $0x4  }
0x23e: {  	[tilespmem:s20+$0x0] =	vst.msk vm0, v1  }
.LBB2_12:
0x23f: {  	s0 =	sand.u32 $0x1, s17  }
0x240: {  	s0 =	smul.u32 $0x1B0, s0  }
0x241: {  	p3 =	sne.s32 s25, $0xFFFFFFFF  }
0x242: {  	v1 =	vld.msk @!p3 [tilespmem:s0+$0x3D88], $0x1;
	_ =	sdelay $0x4  }
0x243: {  	(v2sf) =	vpush @!p3 v1, $0x0;
	_ =	sdelay $0xc  }
.Ltmp12:
0x244: {  	_ = 	snop;
	(pc) =	sbr.rel @p2 .LBB2_18-.Ltmp12, $4  }
0x245: {  	_ = 	snop  }
0x246: {  	s24 =	spop @!p3 (v2sf)  }
0x247: {  	s18 =	simm.s32 @!p3 $0x0;
	s20 =	smov.u32 s24  }
0x248: {  	[sflag:s14] =	ssyncpa.u1 $0x0;
	s24 =	smov.u32 @p3 s23;
	s20 =	smov.u32 @p3 s25  }
0x249: {  	v1 =	vld.msk [tilespmem:s19+$0x0], $0x1;
	_ =	sdelay $0x4  }
0x24a: {  	(v2sf) =	vpush v1, $0x0;
	_ =	sdelay $0xd  }
0x24b: {  	s0 =	simm.s32 @!p4 $0x0  }
0x24c: {  	s26 =	smul.u32 $0x36000, s21;
	s25 =	ssub.s32 $0x0, s22;
	s28 =	spop (v2sf)  }
0x24d: {  	s0 =	simm.s32 @p4 $0x1;
	s23 =	sadd.s32 $0x1, s25;
	p2 =	seq.s32 s24, s28  }
0x24e: {  	[smem:$0x7FD] =	sst s0;
	s0 =	sshrl.u32 s26, $0x2;
	p3 =	sgt.s32 @!p2 s24, $0x0  }
0x24f: {  	s21 =	sadd.s32 $0x40E8, s0;
	s0 =	smov.u32 s24;
	p3 =	por !p3, p2  }
0x250: {  	s0 =	simm.s32 @p3 $0x0;
	p3 =	seq.s32 s23, $0x0  }
.Ltmp13:
0x251: {  	_ = 	snop;
	(pc) =	sbr.rel @p3 .LBB2_15-.Ltmp13, $4  }
0x252: {  	s3 =	smov.u32 s8;
	s12 =	smov.u32 s5;
	s8 =	smov.u32 s6  }
0x253: {  	s22 =	simm.s32 $0x0;
	s29 =	simm.s32 @!p2 $0x1;
	s0 =	smin.u32 @!p2 s0, $0x27FFF  }
0x254: {  	s30 =	simm.s32 @!p2 $0x1B38;
	s29 =	smov.u32 @p2 s22;
	s26 =	sand.u32 @!p2 $0x3FFF8, s0  }
0x255: {  	s31 =	sand.u32 @!p2 $0x7, s0;
	s0 =	sadd.s32 @!p2 s1, s26;
	s26 =	sadd.s32 $0x1, s19  }
.LBB2_14:
0x256: {  	s2 =	smov.u32 s29  }
0x257: {  	[tilespmem:s30], [sflag:$0x2] =	stream.linear.gather @!p2 [hbm4b:s0+s31], $0x5, $0x38;
	[tilespmem:$0x1F0E8] =	vst v63  }
0x258: {  	s23 =	sadd.s32 $0x1, s23;
	s0 =	smov.u32 s28;
	v1 =	vld.msk [tilespmem:s26+$0x0], $0x1  }
0x259: {  	p3 =	seq.s32 s23, $0x0;
	_ =	sdelay $0x3  }
0x25a: {  	(v2sf) =	vpush v1, $0x0;
	_ =	sdelay $0xe  }
0x25b: {  	s28 =	spop (v2sf)  }
0x25c: {  	p2 =	seq.s32 s0, s28  }
0x25d: {  	p4 =	sgt.s32 @!p2 s0, $0x0;
	s30 =	sshll.u32 @!p2 s29, $0x6;
	s29 =	sadd.s32 @!p2 $0x1, s29  }
.Ltmp14:
0x25e: {  	p4 =	por !p4, p2;
	s30 =	sshra.s32 @!p2 s30, $0x2;
	(pc) =	sbr.rel @!p3 .LBB2_14-.Ltmp14, $4  }
0x25f: {  	s29 =	smov.u32 @p2 s2;
	s0 =	simm.s32 @p4 $0x0;
	s30 =	sadd.s32 @!p2 $0x1B38, s30  }
0x260: {  	s0 =	smin.u32 @!p2 s0, $0x27FFF  }
0x261: {  	s2 =	sand.u32 @!p2 $0x3FFF8, s0;
	s31 =	sand.u32 @!p2 $0x7, s0  }
0x262: {  	s26 =	sadd.s32 $0x1, s26;
	s0 =	sadd.s32 @!p2 s1, s2  }
.LBB2_15:
0x263: {  	s2 =	smul.u32 $0x14, s29  }
0x264: {  	[tilespmem:s30], [sflag:$0x2] =	stream.linear.gather @!p2 [hbm4b:s0+s31], $0x5, $0x38;
	[tilespmem:$0x1F0E8] =	vst v63  }
0x265: {  	s31 =	simm.s32 $0x2;
	s30 =	sshrl.u32 s2, $0x2  }
0x266: {  	_ =	swait.ge [sflag:s31], s30  }
0x267: {  	s0 =	ssub.s32 $0x0, s30;
	[sflag:s31] =	ssyncset.done $0x0  }
0x268: {  	[sflag:s31] =	ssyncadd.s32 s0  }
0x269: {  	v1 =	vld.msk [tilespmem:s19+$0x0], $0x1;
	_ =	sdelay $0x4  }
0x26a: {  	(v2sf) =	vpush v1, $0x0;
	_ =	sdelay $0xe  }
0x26b: {  	s23 =	spop (v2sf)  }
0x26c: {  	p2 =	sne.s32 s24, s23  }
0x26d: {  	p4 =	sne.s32 @p2 s24, s20  }
0x26e: {  	p3 =	por !p4, !p2  }
0x26f: {  	s0 =	simm.s32 @!p3 $0x0  }
0x270: {  	v1 =	vld.msk @!p3 [tilespmem:s0+$0x1B38], $0x1f  }
0x271: {  	p5 =	sgt.u32 @!p3 s24, $0x27FFF  }
0x272: {  	s2 =	sshll.u32 @!p3 s18, $0x6;
	p6 =	por @p2 p5, !p4  }
0x273: {  	s2 =	sshra.s32 @!p3 s2, $0x2;
	p1 =	por p6, !p2;
	p6 =	por p4, !p2  }
0x274: {  	s26 =	sadd.s32 @!p3 $0x28, s2;
	s28 =	sand.u32 @!p1 $0x3FFF8, s24;
	s29 =	sshll.u32 @!p6 s18, $0x6  }
0x275: {  	s24 =	sand.u32 @!p1 $0x7, s24;
	[tilespmem:s2+$0x28] =	vst.add.f32.msk @!p3 $0x1f, v1;
	s2 =	sadd.s32 @!p1 s1, s28;
	s28 =	sshra.s32 @!p6 s29, $0x2  }
0x276: {  	[hbm4b:s2+s24] =	stream.linear.scatter @!p1 [tilespmem:s26], [sflag:$0xA], $0x5, $0x38;
	[tilespmem:$0x1F0E8] =	vst v63  }
0x277: {  	s0 =	rddreg [dreg:$0x2];
	s2 =	sadd.s32 @!p6 $0x28, s28;
	s24 =	simm.s32 @!p6 $0x1  }
0x278: {  	[spmem:s0] =	stream.linear.scatter @!p6 [tilespmem:s2], [sflag:$0x1], $0x5, $0x38;
	[tilespmem:$0x1F0E8] =	vst v63  }
0x279: {  	s0 =	sadd.s32 @p2 $0x1, s18;
	_ =	swait.ge @!p6 [sflag:s24], $0x5  }
0x27a: {  	s2 =	sshrl.u32 @p2 s0, $0x4;
	[sflag:s24] =	ssyncset.done @!p6 $0x0  }
0x27b: {  	s2 =	smulhi.u32 @p2 $0x97B425F, s2;
	[sflag:s24] =	ssyncadd.s32 @!p6 $0xFFFFFFFB  }
0x27c: {  	s24 =	sadd.s32 $0x1, s25;
	v1 =	vld.msk @p2 [tilespmem:s21+$0x0], $0x1f  }
0x27d: {  	p1 =	por @p2 !p5, !p4;
	s2 =	smul.u32 @p2 $0x1B0, s2;
	p4 =	seq.s32 s24, $0x0  }
.Ltmp15:
0x27e: {  	p1 =	por !p1, !p2;
	s25 =	simm.s32 @!p3 $0x0;
	(pc) =	sbr.rel @p4 .LBB2_17-.Ltmp15, $4  }
0x27f: {  	s26 =	sshll.u32 @!p2 s18, $0x6;
	s25 =	simm.s32 @!p1 $0x14;
	s0 =	ssub.s32 @p2 s0, s2  }
0x280: {  	s26 =	sshra.s32 @!p2 s26, $0x2;
	s28 =	sadd.s32 @!p3 $0x0, s25;
	s29 =	sshll.u32 @p2 s0, $0x4  }
0x281: {  	s25 =	simm.s32 $0x0;
	s2 =	simm.s32 @p2 $0x1;
	s28 =	smov.u32 @p3 s22;
	[tilespmem:s29+$0x28] =	vst.msk @p2 $0x1f, v1  }
0x282: {  	s18 =	smov.u32 @p2 s0;
	s25 =	smov.u32 @p2 s28;
	s22 =	smov.u32 @p2 s2;
	v1 =	vld.msk @!p2 [tilespmem:s21+$0x0], $0x1f  }
.LBB2_16:
0x283: {  	_ =	sdelay $0x3  }
0x284: {  	s19 =	sadd.s32 $0x1, s19;
	[tilespmem:s26+$0x28] =	vst.add.f32.msk @!p2 $0x1f, v1  }
0x285: {  	v1 =	vld.msk [tilespmem:s19+$0x0], $0x1;
	_ =	sdelay $0x4  }
0x286: {  	(v2sf) =	vpush v1, $0x0;
	_ =	sdelay $0xe  }
0x287: {  	s0 =	smov.u32 s23;
	s23 =	spop (v2sf)  }
0x288: {  	p2 =	sne.s32 s0, s23  }
0x289: {  	p5 =	sne.s32 @p2 s0, s20  }
0x28a: {  	p4 =	por !p5, !p2  }
0x28b: {  	s30 =	sshll.u32 @!p4 s22, $0x6  }
0x28c: {  	s30 =	sshra.s32 @!p4 s30, $0x2  }
0x28d: {  	p1 =	sgt.u32 @!p4 s0, $0x27FFF;
	v1 =	vld.msk @!p4 [tilespmem:s30+$0x1B38], $0x1f  }
0x28e: {  	s31 =	sshll.u32 @!p4 s18, $0x6;
	p6 =	por @p2 p1, !p5;
	p1 =	por @p2 !p1, !p5  }
0x28f: {  	s5 =	simm.s32 @!p4 $0x0;
	s31 =	sshra.s32 @!p4 s31, $0x2;
	p1 =	por !p1, !p2  }
0x290: {  	p5 =	por p5, !p2;
	s5 =	simm.s32 @!p1 $0x14;
	p1 =	por p6, !p2  }
0x291: {  	s30 =	sadd.s32 @!p4 $0x28, s31;
	s6 =	sshll.u32 @!p5 s18, $0x6;
	s10 =	sand.u32 @!p1 $0x3FFF8, s0  }
0x292: {  	s6 =	sshra.s32 @!p5 s6, $0x2;
	s0 =	sand.u32 @!p1 $0x7, s0;
	s10 =	sadd.s32 @!p1 s1, s10;
	[tilespmem:s31+$0x28] =	vst.add.f32.msk @!p4 $0x1f, v1  }
0x293: {  	[hbm4b:s10+s0] =	stream.linear.scatter @!p1 [tilespmem:s30], [sflag:$0xA], $0x5, $0x38;
	[tilespmem:$0x1F0E8] =	vst v63  }
0x294: {  	s2 =	rddreg [dreg:$0x2];
	s0 =	sadd.s32 @!p5 $0x28, s6;
	s6 =	simm.s32 @!p5 $0x1  }
0x295: {  	[spmem:s2] =	stream.linear.scatter @!p5 [tilespmem:s0], [sflag:$0x1], $0x5, $0x38;
	[tilespmem:$0x1F0E8] =	vst v63  }
0x296: {  	s28 =	sadd.s32 @p2 $0x1, s18;
	_ =	swait.ge @!p5 [sflag:s6], $0x5  }
0x297: {  	s29 =	sshrl.u32 @p2 s28, $0x4;
	[sflag:s6] =	ssyncset.done @!p5 $0x0  }
0x298: {  	s21 =	sadd.s32 $0x80, s21;
	s29 =	smulhi.u32 @p2 $0x97B425F, s29;
	[sflag:s6] =	ssyncadd.s32 @!p5 $0xFFFFFFFB  }
0x299: {  	s24 =	sadd.s32 $0x1, s24;
	v1 =	vld.msk @p2 [tilespmem:s21+$0x0], $0x1f  }
0x29a: {  	p3 =	seq.s32 s24, $0x0;
	s29 =	smul.u32 @p2 $0x1B0, s29  }
.Ltmp16:
0x29b: {  	_ = 	snop;
	(pc) =	sbr.rel @!p3 .LBB2_16-.Ltmp16, $4  }
0x29c: {  	s28 =	ssub.s32 @p2 s28, s29  }
0x29d: {  	s26 =	sshll.u32 @!p2 s18, $0x6;
	s5 =	sadd.s32 @!p4 s5, s25;
	s10 =	sshll.u32 @p2 s28, $0x4  }
0x29e: {  	s9 =	sadd.s32 @p2 $0x1, s22;
	s26 =	sshra.s32 @!p2 s26, $0x2;
	s5 =	smov.u32 @p4 s25;
	[tilespmem:s10+$0x28] =	vst.msk @p2 $0x1f, v1  }
0x29f: {  	s22 =	smov.u32 @p2 s9;
	s18 =	smov.u32 @p2 s28;
	s25 =	smov.u32 @p2 s5;
	v1 =	vld.msk @!p2 [tilespmem:s21+$0x0], $0x1f  }
.LBB2_17:
.Ltmp17:
0x2a0: {  	_ = 	snop;
	(pc) =	sbr.rel .LBB2_19-.Ltmp17, $4  }
0x2a1: {  	s2 =	sld [smem:$0x7FD]  }
0x2a2: {  	s0 =	sshrl.u32 s25, $0x2  }
0x2a3: {  	s24 =	smov.u32 s23;
	s6 =	smov.u32 s8;
	s5 =	smov.u32 s12  }
0x2a4: {  	s8 =	smov.u32 s3;
	s3 =	rddreg [dreg:$0x3];
	p4 =	seq.s32 s2, $0x1;
	[tilespmem:s26+$0x28] =	vst.add.f32.msk @!p2 $0x1f, v1  }
.LBB2_21:
0x2a5: {  	_ =	sfence.sel $0x180000  }
0x2a6: {  	s0 =	simm.s32 $0x7;
	[bflag:$0x0] =	sbarrier.arrive $0xFFFF  }
0x2a7: {  	s25 =	simm.s32 $0x8;
	[sflag:s0] =	ssyncpa.u1 $0x1  }
0x2a8: {  	s26 =	simm.s32 $0x9;
	[sflag:s25] =	ssyncpa.u1 $0x1  }
0x2a9: {  	s28 =	simm.s32 $0x2;
	[sflag:s26] =	ssyncpa.u1 $0x1  }
0x2aa: {  	[sflag:s28] =	ssyncpa.u1 $0x1  }
0x2ab: {  	v0 =	vld [tilespmem:$0x3648];
	_ =	sdelay $0x4  }
0x2ac: {  	(v2sf) =	vpush v0, $0x0  }
0x2ad: {  	(v2sf) =	vpush v0, $0x1;
	_ =	sdelay $0x1  }
0x2ae: {  	(v2sf) =	vpush v0, $0x2;
	_ =	sdelay $0xb  }
0x2af: {  	s0 =	spop (v2sf)  }
0x2b0: {  	s2 =	spop (v2sf)  }
0x2b1: {  	s3 =	smov.u32 s0;
	p0 =	sne.s32 s0, s2  }
0x2b2: {  	s4 =	spop (v2sf);
	s3 =	simm.s32 @!p0 $0xFFFFFFFF  }
0x2b3: {  	v2 =	vimm.s32 $0x1;
	v3 =	vlaneseq.u32;
	p0 =	seq.s32 s4, $0xFFFFFFFF;
	v1 =	vmov s3  }
0x2b4: {  	s7 =	stileid.u32;
	v0 =	vperm.xlane v0, v2;
	p1 =	sne.s32 @!p0 s0, s2;
	v1 =	vperm.xlane v1, v3  }
0x2b5: {  	vm0 =	vcmask $0x3F04;
	s6 =	simm.s32 $0x3648;
	s0 =	simm.s32 @!p0 $0x1;
	p1 =	por !p1, p0  }
0x2b6: {  	s3 =	sshll.u32 s7, $0x1;
	s2 =	sshll.u32 @!p0 s4, $0x6;
	s0 =	simm.s32 @p1 $0x0;
	v0 =	vsel vm0, v1, v0  }
0x2b7: {  	s5 =	sor.u32 $0x200, s3;
	s2 =	sshra.s32 @!p0 s2, $0x2;
	s0 =	sor.u32 @!p0 s0, s3;
	[tilespmem:$0x3648] =	vst v0  }
0x2b8: {  	[spmem:s5] =	stream.linear.scatter [tilespmem:s6], [sflag:$0x1], $0x2, $0x38;
	[tilespmem:$0x1F0E8] =	vst v63  }
0x2b9: {  	s2 =	sadd.s32 @!p0 $0x28, s2;
	s0 =	sshll.u32 @!p0 s0, $0x4  }
0x2ba: {  	[spmem:s0] =	stream.linear.scatter @!p0 [tilespmem:s2], [sflag:$0x1], $0x10, $0x38;
	[tilespmem:$0x1F0E8] =	vst v63  }
0x2bb: {  	s0 =	simm.s32 @!p0 $0x12  }
0x2bc: {  	s3 =	simm.s32 $0x1;
	s0 =	simm.s32 @p0 $0x2  }
0x2bd: {  	_ =	swait.ge [sflag:s3], s0  }
0x2be: {  	s0 =	ssub.s32 $0x0, s0;
	[sflag:s3] =	ssyncset.done $0x0  }
0x2bf: {  	[sflag:s3] =	ssyncadd.s32 s0  }
0x2c0: {  	_ =	sfence.stream.spmem  }
0x2c1: {  	s29 =	simm.s32 $0x3;
	[bflag:$0x0] =	sbarrier.arrive $0xFFFF  }
0x2c2: {  	s30 =	simm.s32 $0x4;
	[sflag:s29] =	ssyncpa.u1 $0x1  }
0x2c3: {  	s31 =	simm.s32 $0x3C;
	[sflag:s30] =	ssyncpa.u1 $0x1  }
0x2c4: {  	p0 =	sne.s32 s7, $0x0;
	[sflag:s31] =	ssyncpa.u1 $0x1  }
0x2c5: {  	_ =	sfence @p0  }
0x2c6: {  	[sflag:s3] =	ssyncpa.u1 @p0 $0x1  }
0x2c7: {  	_ =	strace @p0 $0x9000004D  }
0x2c8: {  	[bflag:$0x2] =	sbarrier.arrive @p0 $0xFFFF  }
0x2c9: {  	_ =	shalt @p0  }
.LBB2_22:
0x2ca: {  	_ =	sfence.stream.spmem;
	s0 =	simm.s32 $0x5  }
0x2cb: {  	s2 =	simm.s32 $0x200;
	s3 =	simm.s32 $0x3658;
	[sflag:s0] =	ssyncpa.u1 $0x0  }
0x2cc: {  	[tilespmem:s3], [sflag:$0x5] =	stream.linear.gather [spmem:s2], $0x20, $0x38;
	[tilespmem:$0x1F0E8] =	vst v63  }
0x2cd: {  	s30 =	simm.s32 $0x3678;
	s2 =	simm.s32 $0x0  }
0x2ce: {  	[tilespmem:s30], [sflag:$0x5] =	stream.linear.gather [spmem:s2], $0x200, $0x38;
	[tilespmem:$0x1F0E8] =	vst v63  }
.Ltmp18:
0x2cf: {  	_ = 	snop;
	(pc) =	sbr.rel .LBB2_23-.Ltmp18, $4  }
0x2d0: {  	_ =	swait.ge [sflag:s0], $0x220  }
0x2d1: {  	[sflag:s0] =	ssyncset.done $0x0  }
0x2d2: {  	s31 =	simm.s32 $0x6;
	[sflag:s0] =	ssyncadd.s32 $0xFFFFFDE0  }
0x2d3: {  	s3 =	simm.s32 $0x0;
	[sflag:s31] =	ssyncpa.u1 $0x0  }
.LBB2_28:
0x2d4: {  	p0 =	slt.u32 s4, $0x28000  }
0x2d5: {  	s0 =	sand.u32 @p0 $0x3FFF8, s4  }
0x2d6: {  	s4 =	sand.u32 @p0 $0x7, s4;
	s5 =	simm.s32 @p0 $0x3638;
	s0 =	sadd.s32 @p0 s1, s0  }
0x2d7: {  	[tilespmem:s5], [sflag:$0x6] =	stream.linear.gather @p0 [hbm4b:s0+s4], $0x5, $0x38;
	[tilespmem:$0x1F0E8] =	vst v63  }
0x2d8: {  	s0 =	simm.s32 @p0 $0x6  }
0x2d9: {  	_ =	swait.ge @p0 [sflag:s0], $0x5  }
0x2da: {  	[sflag:s0] =	ssyncset.done @p0 $0x0  }
0x2db: {  	[sflag:s0] =	ssyncadd.s32 @p0 $0xFFFFFFFB  }
0x2dc: {  	v1 =	vld @p0 [tilespmem:$0x3638];
	_ =	sdelay $0x2  }
0x2dd: {  	s0 =	sshll.u32 @p0 s3, $0x6  }
0x2de: {  	s5 =	sshll.u32 @!p0 s3, $0x6;
	s4 =	sshrl.u32 @p0 s0, $0x2  }
0x2df: {  	s5 =	smov.u32 @p0 s0;
	[tilespmem:s4+$0x3678] =	vst.add.f32.msk @p0 $0xffff, v1  }
0x2e0: {  	s0 =	sshrl.u32 s5, $0x2;
	[tilespmem:s2+$0x3658] =	vst.msk $0x1, v0  }
0x2e1: {  	v0 =	vld [tilespmem:s0+$0x3678];
	_ =	sdelay $0x2  }
0x2e2: {  	s31 =	sshll.u32 s2, $0x6  }
0x2e3: {  	s0 =	sshra.s32 s31, $0x2  }
0x2e4: {  	s2 =	sadd.s32 $0x1, s2;
	[tilespmem:s0+$0x3678] =	vst v0  }
.LBB2_30:
0x2e5: {  	s3 =	sadd.s32 $0x1, s3  }
0x2e6: {  	p0 =	sne.s32 s3, $0x20  }
.Ltmp19:
0x2e7: {  	_ = 	snop;
	(pc) =	sbr.rel @!p0 .LBB2_31-.Ltmp19, $1  }
0x2e8: {  	_ =	sdelay $0x3  }
.LBB2_23:
0x2e9: {  	v0 =	vld.msk [tilespmem:s3+$0x3658], $0x1;
	_ =	sdelay $0x4  }
0x2ea: {  	(v2sf) =	vpush v0, $0x0;
	_ =	sdelay $0xe  }
0x2eb: {  	s4 =	spop (v2sf)  }
0x2ec: {  	p0 =	seq.s32 s4, $0xFFFFFFFF  }
.Ltmp20:
0x2ed: {  	_ = 	snop;
	(pc) =	sbr.rel @p0 .LBB2_30-.Ltmp20, $1  }
0x2ee: {  	_ =	sdelay $0x3  }
0x2ef: {  	p0 =	slt.s32 s2, $0x1  }
.Ltmp21:
0x2f0: {  	_ = 	snop;
	(pc) =	sbr.rel @p0 .LBB2_28-.Ltmp21, $1  }
0x2f1: {  	_ =	sdelay $0x3  }
0x2f2: {  	s5 =	simm.s32 $0x3658;
	p0 =	por $0x0, $0x0  }
0x2f3: {  	v1 =	vld.msk @!p0 [tilespmem:s5+$0x0], $0x1;
	_ =	sdelay $0x4  }
0x2f4: {  	(v2sf) =	vpush @!p0 v1, $0x0;
	_ =	sdelay $0xd  }
0x2f5: {  	p2 =	sne.s32 s2, $0x1  }
.Ltmp22:
0x2f6: {  	s0 =	spop @!p0 (v2sf);
	(pc) =	sbr.rel @!p2 .LBB2_27-.Ltmp22, $4  }
0x2f7: {  	p1 =	seq.s32 @!p0 s4, s0  }
0x2f8: {  	s6 =	simm.s32 $0x0;
	p1 =	por !p1, p0  }
0x2f9: {  	s0 =	simm.s32 $0xFFFFFFFF;
	s6 =	simm.s32 @p1 $0xFFFFFFFF  }
0x2fa: {  	s7 =	simm.s32 $0x1;
	s6 =	smov.u32 @p0 s0  }
.LBB2_26:
0x2fb: {  	s0 =	smov.u32 s6;
	p0 =	sne.s32 s6, $0xFFFFFFFF  }
0x2fc: {  	s5 =	sadd.s32 $0x1, s5;
	s6 =	smov.u32 s7;
	s7 =	sadd.s32 $0x1, s7  }
0x2fd: {  	p1 =	sne.s32 s2, s7;
	v1 =	vld.msk @!p0 [tilespmem:s5+$0x0], $0x1;
	_ =	sdelay $0x4  }
0x2fe: {  	(v2sf) =	vpush @!p0 v1, $0x0;
	_ =	sdelay $0xe  }
.Ltmp23:
0x2ff: {  	s8 =	spop @!p0 (v2sf);
	(pc) =	sbr.rel @p1 .LBB2_26-.Ltmp23, $4  }
0x300: {  	p2 =	seq.s32 @!p0 s4, s8  }
0x301: {  	p2 =	por !p2, p0  }
0x302: {  	s6 =	simm.s32 @p2 $0xFFFFFFFF  }
0x303: {  	s6 =	smov.u32 @p0 s0  }
.LBB2_27:
0x304: {  	p0 =	sne.s32 s6, $0xFFFFFFFF  }
.Ltmp24:
0x305: {  	_ = 	snop;
	(pc) =	sbr.rel @!p0 .LBB2_28-.Ltmp24, $1  }
0x306: {  	_ =	sdelay $0x3  }
0x307: {  	s0 =	sshll.u32 s3, $0x4  }
0x308: {  	s0 =	sand.u32 $0x3FFFFFF0, s0  }
0x309: {  	v0 =	vld [tilespmem:s0+$0x3678]  }
.Ltmp25:
0x30a: {  	_ = 	snop;
	(pc) =	sbr.rel .LBB2_30-.Ltmp25, $4  }
0x30b: {  	_ = 	snop  }
0x30c: {  	s31 =	sshll.u32 s6, $0x6  }
0x30d: {  	s0 =	sshra.s32 s31, $0x2  }
0x30e: {  	[tilespmem:s0+$0x3678] =	vst.add.f32.msk $0xffff, v0  }
.LBB2_31:
0x30f: {  	p0 =	slt.s32 s2, $0x1  }
.Ltmp26:
0x310: {  	_ = 	snop;
	(pc) =	sbr.rel @p0 .LBB2_35-.Ltmp26, $3  }
0x311: {  	_ =	sdelay $0x1  }
0x312: {  	s0 =	simm.s32 $0x6  }
0x313: {  	s3 =	simm.s32 $0x0;
	[sflag:s0] =	ssyncpa.u1 $0x1  }
0x314: {  	s0 =	simm.s32 $0x3658  }
0x315: {  	v0 =	vld.msk [tilespmem:s0+$0x0], $0x1;
	_ =	sdelay $0x4  }
0x316: {  	(v2sf) =	vpush v0, $0x0;
	_ =	sdelay $0xd  }
0x317: {  	s2 =	sadd.s32 $0xFFFFFFFF, s2  }
0x318: {  	p1 =	sne.s32 s2, $0x0;
	s0 =	spop (v2sf)  }
.Ltmp27:
0x319: {  	p0 =	sgt.u32 s0, $0x27FFF;
	(pc) =	sbr.rel @!p1 .LBB2_34-.Ltmp27, $4  }
0x31a: {  	s4 =	simm.s32 $0x3678;
	s5 =	sand.u32 @!p0 $0x3FFF8, s0  }
0x31b: {  	s6 =	simm.s32 $0x0;
	s0 =	sand.u32 @!p0 $0x7, s0;
	s5 =	sadd.s32 @!p0 s1, s5  }
0x31c: {  	[hbm4b:s5+s0] =	stream.linear.scatter @!p0 [tilespmem:s4], [sflag:$0x5], $0x5, $0x38;
	[tilespmem:$0x1F0E8] =	vst v63  }
0x31d: {  	s6 =	simm.s32 @!p0 $0x14;
	s5 =	simm.s32 $0x3659  }
.LBB2_33:
0x31e: {  	v0 =	vld.msk [tilespmem:s5+$0x0], $0x1;
	s2 =	sadd.s32 $0xFFFFFFFF, s2;
	s3 =	sadd.s32 s3, s6  }
0x31f: {  	p0 =	sne.s32 s2, $0x0;
	_ =	sdelay $0x3  }
0x320: {  	(v2sf) =	vpush v0, $0x0;
	_ =	sdelay $0xe  }
.Ltmp28:
0x321: {  	s0 =	spop (v2sf);
	(pc) =	sbr.rel @p0 .LBB2_33-.Ltmp28, $4  }
0x322: {  	s6 =	simm.s32 $0x0;
	p1 =	sgt.u32 s0, $0x27FFF  }
0x323: {  	s4 =	sadd.s32 $0x10, s4;
	s6 =	simm.s32 @!p1 $0x14;
	s7 =	sand.u32 @!p1 $0x3FFF8, s0  }
0x324: {  	s5 =	sadd.s32 $0x1, s5;
	s0 =	sand.u32 @!p1 $0x7, s0;
	s7 =	sadd.s32 @!p1 s1, s7  }
0x325: {  	[hbm4b:s7+s0] =	stream.linear.scatter @!p1 [tilespmem:s4], [sflag:$0x5], $0x5, $0x38;
	[tilespmem:$0x1F0E8] =	vst v63  }
.LBB2_34:
0x326: {  	s0 =	sadd.s32 s3, s6  }
0x327: {  	s3 =	sshrl.u32 s0, $0x2  }
.LBB2_35:
0x328: {  	s0 =	simm.s32 $0x5  }
0x329: {  	_ =	swait.ge [sflag:s0], s3  }
0x32a: {  	s1 =	ssub.s32 $0x0, s3;
	[sflag:s0] =	ssyncset.done $0x0  }
0x32b: {  	[sflag:s0] =	ssyncadd.s32 s1  }
0x32c: {  	[sflag:s0] =	ssyncpa.u1 $0x1  }
0x32d: {  	s30 =	simm.s32 $0x1;
	_ =	sfence  }
0x32e: {  	[sflag:s30] =	ssyncpa.u1 $0x1  }
0x32f: {  	_ =	strace $0x9000004D  }
0x330: {  	[bflag:$0x2] =	sbarrier.arrive $0xFFFF  }
0x331: {  	s31 =	rddreg [dreg:$0x1]  }
0x332: {  	s0 =	sadd.s32 $0x100000, s31  }
0x333: {  	[sflag:s0] =	ssyncadd.tile.s32 $0x1;
	_ =	shalt  }
.Lfunc_end2:
_tile_overlayer_lowered:
.L_overlay_start_2:
0x334: {  	(tag) =	ssettag $0x2  }
0x335: {  	s0 =	rddreg [dreg:$0x0];
	s2 =	stileid.u32  }
0x336: {  	s1 =	rddreg [dreg:$0x1];
	p0 =	sne.s32 s2, $0x0  }
0x337: {  	s3 =	rddreg [dreg:$0x2];
	[bflag:$0x3] =	sbarrier.arrive $0xFFFF;
	s2 =	simm.s32 @!p0 $0x1C01  }
0x338: {  	[timem:s3], [sflag:s2] =	dma.local @!p0 [hbm:s0], s1  }
0x339: {  	s0 =	simm.s32 @!p0 $0x1  }
0x33a: {  	_ =	swait.ge @!p0 [sflag:s0], s1  }
0x33b: {  	s1 =	ssub.s32 @!p0 $0x0, s1;
	[sflag:s0] =	ssyncset.done @!p0 $0x0  }
0x33c: {  	[sflag:s0] =	ssyncadd.s32 @!p0 s1  }
0x33d: {  	[bflag:$0x3] =	sbarrier.arrive $0xFFFF  }
0x33e: {  	_ =	shalt  }

// kernel: scatter_offload_async_start.2
scs
__scs_entry_jumppad:
0x0: {  	(pc) =	sbr.rel $0x88, $3  }
0x1: {  	(tag) =	ssettag $0x0;
	lr =	simm.s32 $0x1  }
0x2: {  	[smem:$0x3F8E] =	sst lr;
	_ =	strace $0xD0000000  }
0x3: {  	_ = 	snop  }
0x4: {  	_ = 	snop  }
0x5: {  	_ = 	snop  }
0x6: {  	_ = 	snop  }
0x7: {  	_ = 	snop  }
__scs_overlays_trampoline_lowered:
0x8: {  	[smem:$0x3F9D] =	sst s0  }
0x9: {  	[smem:$0x3F9E] =	sst s1  }
0xa: {  	[smem:$0x3F9F] =	sst s2  }
0xb: {  	[smem:$0x3FA0] =	sst s3  }
0xc: {  	[smem:$0x3FA1] =	sst s4  }
0xd: {  	[smem:$0x3FA2] =	sst s5  }
0xe: {  	[smem:$0x3FA3] =	sst s6  }
0xf: {  	[smem:$0x3FA4] =	sst s7  }
0x10: {  	[smem:$0x3FA5] =	sst s8  }
0x11: {  	[smem:$0x3FA6] =	sst s9;
	s0 =	simm.s32 @!p0 $0x0  }
0x12: {  	s1 =	sld [smem:$0x3F8C];
	s0 =	simm.s32 @p0 $0x1  }
0x13: {  	[smem:$0x3FA7] =	sst s0;
	s0 =	simm.s32 @!p1 $0x0  }
0x14: {  	s2 =	sld [smem:$0x3F8B];
	s0 =	simm.s32 @p1 $0x1  }
0x15: {  	[smem:$0x3FA8] =	sst s0;
	s0 =	simm.s32 @!p2 $0x0  }
0x16: {  	s3 =	sld [smem:$0x3FDB];
	s0 =	simm.s32 @p2 $0x1  }
0x17: {  	s4 =	simm.s32 $0x1BF5;
	[smem:$0x3FAA] =	sst s0  }
0x18: {  	s0 =	sld [smem:$0x3F8D];
	_ =	swait.ge [sflag:s4], $0x0  }
0x19: {  	s7 =	sld [smem:$0x3F8E]  }
0x1a: {  	s8 =	sadd.s32 $0xFFFFE003, lr  }
0x1b: {  	s9 =	sadd.s32 $0xFFFFFEF7, lr;
	s5 =	simm.s32 $0xFFFFFFFF;
	p2 =	slt.u32 s8, $0xFFFFF086  }
0x1c: {  	p1 =	slt.u32 s9, $0xF7A;
	s5 =	simm.s32 @!p2 $0x0  }
0x1d: {  	s5 =	simm.s32 @p1 $0x1;
	p0 =	seq.s32 s7, s2  }
0x1e: {  	s7 =	smul.u32 @!p0 $0xF7A, s2;
	p2 =	seq.s32 @!p0 s5, $0x0  }
0x1f: {  	s9 =	smul.u32 $0xF7A, s1;
	s8 =	simm.s32 @!p0 $0x1BF5;
	p2 =	por !p2, p0  }
0x20: {  	[sflag:s8] =	ssyncset.s32 @!p0 $0xFFFFF086;
	s6 =	sadd.s32 @!p0 s3, s7;
	s7 =	simm.s32 @!p0 $0x108  }
0x21: {  	s3 =	sadd.s32 s3, s9;
	s6 =	sadd.s32 @!p0 $0x88, s6;
	s7 =	simm.s32 @p2 $0x1082  }
0x22: {  	[simem:s7], [sflag:s8] =	dma.local @!p0 [hbm:s6], $0xF7A  }
0x23: {  	s9 =	sor.u32 $0xD0000000, s2;
	s6 =	simm.s32 $0x108;
	_ =	swait.ge @!p0 [sflag:s8], $0x0  }
0x24: {  	s3 =	sadd.s32 $0x88, s3;
	s6 =	simm.s32 @!p1 $0x1082;
	[sflag:s4] =	ssyncset.s32 $0xFFFFF086  }
0x25: {  	[simem:s6], [sflag:s4] =	dma.local [hbm:s3], $0xF7A  }
0x26: {  	[smem:$0x3F8E] =	sst s1;
	(tag) =	ssettag s2;
	_ =	strace s9  }
0x27: {  	s1 =	sld [smem:$0x3F9E]  }
0x28: {  	s2 =	sld [smem:$0x3F9F]  }
0x29: {  	s4 =	sld [smem:$0x3FA1]  }
0x2a: {  	p0 =	seq.s32 s5, $0x0;
	s5 =	sld [smem:$0x3FA2]  }
0x2b: {  	s6 =	sld [smem:$0x3FA3]  }
0x2c: {  	s7 =	sld [smem:$0x3FA4]  }
0x2d: {  	s3 =	simm.s32 $0x108;
	s8 =	sld [smem:$0x3FA5]  }
0x2e: {  	s3 =	simm.s32 @!p0 $0x1082;
	s9 =	sld [smem:$0x3FA6]  }
0x2f: {  	lr =	sadd.s32 s0, s3;
	s0 =	sld [smem:$0x3F9D]  }
0x30: {  	s3 =	sld [smem:$0x3FA0]  }
0x31: {  	[smem:$0x3FA9] =	sst s10  }
0x32: {  	s10 =	sld [smem:$0x3FA7];
	_ =	sdelay $0x3  }
0x33: {  	p0 =	seq.s32 s10, $0x1;
	s10 =	sld [smem:$0x3FA9];
	_ =	sdelay $0x3  }
0x34: {  	[smem:$0x3FA9] =	sst s10  }
0x35: {  	s10 =	sld [smem:$0x3FA8];
	_ =	sdelay $0x3  }
0x36: {  	p1 =	seq.s32 s10, $0x1;
	s10 =	sld [smem:$0x3FA9];
	_ =	sdelay $0x3  }
0x37: {  	[smem:$0x3FA9] =	sst s10  }
0x38: {  	s10 =	sld [smem:$0x3FAA]  }
0x39: {  	_ = 	snop;
	(pc) =	sbr.ind lr, $3  }
0x3a: {  	_ = 	snop  }
0x3b: {  	_ = 	snop  }
0x3c: {  	p2 =	seq.s32 s10, $0x1;
	s10 =	sld [smem:$0x3FA9]  }
0x3d: {  	_ =	shalt  }
0x3e: {  	_ =	shalt  }
0x3f: {  	_ =	shalt  }
0x40: {  	_ =	shalt  }
0x41: {  	_ =	shalt  }
0x42: {  	_ =	shalt  }
0x43: {  	_ =	shalt  }
0x44: {  	_ =	shalt  }
0x45: {  	_ =	shalt  }
0x46: {  	_ =	shalt  }
0x47: {  	_ =	shalt  }
0x48: {  	_ =	shalt  }
0x49: {  	_ =	shalt  }
0x4a: {  	_ =	shalt  }
0x4b: {  	_ =	shalt  }
0x4c: {  	_ =	shalt  }
0x4d: {  	_ =	shalt  }
0x4e: {  	_ =	shalt  }
0x4f: {  	_ =	shalt  }
0x50: {  	_ =	shalt  }
0x51: {  	_ =	shalt  }
0x52: {  	_ =	shalt  }
0x53: {  	_ =	shalt  }
0x54: {  	_ =	shalt  }
0x55: {  	_ =	shalt  }
0x56: {  	_ =	shalt  }
0x57: {  	_ =	shalt  }
0x58: {  	_ =	shalt  }
0x59: {  	_ =	shalt  }
0x5a: {  	_ =	shalt  }
0x5b: {  	_ =	shalt  }
0x5c: {  	_ =	shalt  }
0x5d: {  	_ =	shalt  }
0x5e: {  	_ =	shalt  }
0x5f: {  	_ =	shalt  }
0x60: {  	_ =	shalt  }
0x61: {  	_ =	shalt  }
0x62: {  	_ =	shalt  }
0x63: {  	_ =	shalt  }
0x64: {  	_ =	shalt  }
0x65: {  	_ =	shalt  }
0x66: {  	_ =	shalt  }
0x67: {  	_ =	shalt  }
0x68: {  	_ =	shalt  }
0x69: {  	_ =	shalt  }
0x6a: {  	_ =	shalt  }
0x6b: {  	_ =	shalt  }
0x6c: {  	_ =	shalt  }
0x6d: {  	_ =	shalt  }
0x6e: {  	_ =	shalt  }
0x6f: {  	_ =	shalt  }
0x70: {  	_ =	shalt  }
0x71: {  	_ =	shalt  }
0x72: {  	_ =	shalt  }
0x73: {  	_ =	shalt  }
0x74: {  	_ =	shalt  }
0x75: {  	_ =	shalt  }
0x76: {  	_ =	shalt  }
0x77: {  	_ =	shalt  }
0x78: {  	_ =	shalt  }
0x79: {  	_ =	shalt  }
0x7a: {  	_ =	shalt  }
0x7b: {  	_ =	shalt  }
0x7c: {  	_ =	shalt  }
0x7d: {  	_ =	shalt  }
0x7e: {  	_ =	shalt  }
0x7f: {  	_ =	shalt  }
0x80: {  	_ =	shalt  }
0x81: {  	_ =	shalt  }
0x82: {  	_ =	shalt  }
0x83: {  	_ =	shalt  }
0x84: {  	_ =	shalt  }
0x85: {  	_ =	shalt  }
0x86: {  	_ =	shalt  }
0x87: {  	_ =	shalt  }
.Lfunc_end0:
.L_simem_size_0:
called_computation.2_lowered:
.L_overlay_start_0:
0x88: {  	s0 =	sld [smem:$0x3FD9]  }
0x89: {  	s1 =	sld [smem:$0x3FFE];
	_ =	sdelay $0x3  }
0x8a: {  	s0 =	sadd.s32 s1, s0  }
0x8b: {  	[smem:$0x3FB5] =	sst s0  }
0x8c: {  	_ = 	snop  }
0x8d: {  	(tm) =	ssettm $0x1  }
0x8e: {  	s15 =	sld [smem:$0x3FFB];
	_ =	sdelay $0x3  }
0x8f: {  	_ =	strace s15  }
0x90: {  	s0 =	sld [smem:$0x3FFC];
	_ =	sdelay $0x3  }
0x91: {  	_ =	strace s0  }
0x92: {  	s0 =	sld [smem:$0x3FFD];
	_ =	sdelay $0x3  }
0x93: {  	_ =	strace s0  }
0x94: {  	_ =	strace $0x8FFFFFFF  }
0x95: {  	s16 =	sld [smem:$0x3FDB];
	_ =	sdelay $0x1  }
0x96: {  	s17 =	simm.s32 $_scs_section_size  }
0x97: {  	s2 =	simm.s32 $_size__tile_overlayer_lowered;
	s3 =	simm.s32 $_tile_overlayer_lowered  }
0x98: {  	s20 =	simm.s32 $0x1BFF;
	s19 =	sshll.u32 s3, $0x1;
	s0 =	sadd.s32 s17, s16  }
0x99: {  	s4 =	simm.s32 $0x0;
	s18 =	sshll.u32 s2, $0x1;
	s2 =	sadd.s32 s19, s0  }
0x9a: {  	[timem:s4], [sflag:s20] =	dma.local [hbm:s2], s18  }
0x9b: {  	_ =	swait.ge [sflag:s20], s18  }
0x9c: {  	s1 =	ssub.s32 $0x0, s18;
	[sflag:s20] =	ssyncset.done $0x0  }
0x9d: {  	[sflag:s20] =	ssyncadd.s32 s1;
	_ =	sdelay $0x1  }
0x9e: {  	s21 =	simm.s32 $0x1B8B  }
0x9f: {  	_ =	swait.ge [sflag:s21], $0x1  }
0xa0: {  	[sflag:s21] =	ssyncset.done $0x0  }
0xa1: {  	s23 =	simm.s32 $0x1B8E;
	s22 =	sld [smem:$0x3FFE];
	[sflag:s21] =	ssyncadd.s32 $0xFFFFFFFF  }
0xa2: {  	s24 =	simm.s32 $execute0_lowered;
	[smem:$0x3FD2] =	sst s23  }
0xa3: {  	s2 =	sshll.u32 s24, $0x1;
	_ =	strace $0x8000004F;
	[dreg:$0x1] =	wrdreg $0xFFFFFFFF  }
0xa4: {  	s25 =	simm.s32 $_size_execute0_lowered;
	s0 =	sadd.s32 s0, s2;
	[dreg:$0x0] =	wrdreg $0x0  }
0xa5: {  	s2 =	sshll.u32 s25, $0x1;
	[dreg:$0x2] =	wrdreg s0  }
0xa6: {  	[dreg:$0x3] =	wrdreg s2  }
0xa7: {  	[dreg:$0x4] =	wrdreg $0xC0  }
0xa8: {  	_ =	task [dreg:s4], $0x5FFFF  }
0xa9: {  	[dreg:$0x1] =	wrdreg $0xFFFFFFFF  }
0xaa: {  	[dreg:$0x0] =	wrdreg $0x60  }
0xab: {  	[dreg:$0x2] =	wrdreg s22  }
0xac: {  	[dreg:$0x3] =	wrdreg $0x9  }
0xad: {  	_ =	task.clear_ibuf [dreg:s4], $0x4FFFF;
	_ =	strace $0x9000004F  }
0xae: {  	s26 =	simm.s32 $0x9;
	_ =	strace $0x80000051  }
0xaf: {  	_ =	swait.ge [sflag:s26], $0x1  }
0xb0: {  	[sflag:s26] =	ssyncadd.s32 $0xFFFFFFFF  }
0xb1: {  	_ =	strace $0x90000051  }
0xb2: {  	_ =	sfence  }
0xb3: {  	s28 =	sld [smem:$0x0];
	_ =	sdelay $0x1  }
0xb4: {  	s29 =	srdreg.scid  }
0xb5: {  	s30 =	sshll.u32 s29, $0xD;
	s31 =	sshrl.u32 s29, $0x2  }
0xb6: {  	s1 =	sand.u32 $0x1, s29;
	s2 =	sand.u32 $0x4000, s30;
	s0 =	sadd.s32 s31, s28  }
0xb7: {  	s1 =	sor.u32 s2, s1;
	s0 =	sshll.u32 s0, $0x11  }
0xb8: {  	s0 =	sor.u32 s0, s1  }
0xb9: {  	s0 =	sadd.s32 $0x8F2B, s0  }
0xba: {  	[sflag:s0] =	ssyncadd.remote.s32 $0x1  }
0xbb: {  	_ =	sfence.sel $0xFFFF  }
0xbc: {  	[dreg:$0x0] =	wrdreg $0xFFFFFFFF;
	(pc) =	sbr.abs _section_cstart, $3  }
0xbd: {  	[dreg:$0x1] =	wrdreg $0xFFFFFFFF  }
0xbe: {  	_ =	task.clear_ibuf [dreg:s4], $0x2FFFF;
	_ =	strace $0x9FFFFFFF  }
0xbf: {  	(tm) =	ssettm $0x7FFFFFFF  }
tec
execute0_lowered:
.L_overlay_start_1:
0x0: {  	(tag) =	ssettag $0x1  }
0x1: {  	s1 =	rddreg [dreg:$0x0];
	s6 =	stileid.u32  }
0x2: {  	_ =	strace $0x80000050;
	s2 =	simm.s32 $0x1;
	s0 =	smul.u32 $0x3, s6  }
0x3: {  	v1 =	vimm.s32 $0xFFFFFFFF;
	s3 =	smin.u32 s6, $0x7;
	[sflag:s2] =	ssyncpa.u1 $0x0  }
0x4: {  	[tilespmem:$0x10] =	vst v1;
	s0 =	sadd.s32 s3, s0  }
0x5: {  	v0 =	vimm.f32 $0.0e+00;
	p0 =	slt.u32 s6, $0x7;
	[tilespmem:$0x20] =	vst v1;
	s3 =	smul.u32 $0x1770, s0;
	s0 =	simm.s32 $0x5DC0  }
0x6: {  	[tilespmem:$0x30] =	vst v0;
	s0 =	simm.s32 @!p0 $0x4650  }
0x7: {  	[tilespmem:$0x40] =	vst v0;
	s0 =	sadd.s32 s0, s3  }
0x8: {  	s7 =	simm.s32 $0x2;
	[tilespmem:$0x50] =	vst v0;
	s4 =	smin.u32 s0, $0x50910  }
0x9: {  	s31 =	simm.s32 $0x9;
	s16 =	simm.s32 $0x0;
	[tilespmem:$0x60] =	vst v1;
	s0 =	ssub.s32 s4, s3  }
0xa: {  	s17 =	simm.s32 $0xF0;
	s18 =	simm.s32 $0xFFFFFFFF;
	[tilespmem:$0x70] =	vst v1;
	p0 =	sgt.s32 s0, $0x0  }
0xb: {  	s19 =	simm.s32 $0xFFFFD220;
	s20 =	simm.s32 $0xFFFFFFFE;
	[tilespmem:$0x80] =	vst v1;
	s0 =	simm.s32 @!p0 $0x0  }
0xc: {  	s21 =	simm.s32 $0xF;
	s8 =	sadd.s32 $0x32600, s1;
	v1 =	vimm.s32 $0x0;
	[tilespmem:$0xB0] =	vst v0;
	s5 =	smulhi.u32 $0x57619F1, s0  }
0xd: {  	s25 =	simm.s32 $0x0;
	s24 =	simm.s32 $0x0;
	[dreg:$0x2] =	wrdreg s8;
	[tilespmem:$0x90] =	vst v1  }
0xe: {  	[tilespmem:$0xA0] =	vst v1;
	[sflag:s7] =	ssyncpa.u1 $0x0;
	s7 =	simm.s32 $0x7;
	s9 =	sshrl.u32 s5, $0x7  }
0xf: {  	s8 =	simm.s32 $0x8;
	[sflag:s7] =	ssyncpa.u1 $0x0;
	s10 =	smul.u32 $0x1770, s9  }
.Ltmp0:
0x10: {  	s14 =	sshllo.u32 s6, $0x1;
	[sflag:s8] =	ssyncpa.u1 $0x0;
	(pc) =	sbr.rel .LBB2_1-.Ltmp0, $4  }
0x11: {  	[sflag:s31] =	ssyncpa.u1 $0x0;
	s23 =	smov.u32 s3;
	p0 =	sne.s32 s0, s10  }
0x12: {  	s5 =	sadd.s32 $0x28400, s1;
	s10 =	sshll.u32 s6, $0x1;
	s2 =	simm.s32 @!p0 $0x0  }
0x13: {  	vm0 =	vmmov $0xffff;
	v2 =	vlaneseq.u32;
	s13 =	sor.u32 $0x81, s10;
	s15 =	sor.u32 $0x80, s10;
	s9 =	sadd.s32 s2, s9  }
0x14: {  	vm1 =	vmxor vm1, vm1;
	vm2 =	vmmov $0x1;
	vm3 =	vcmask $0x3F3C;
	p0 =	por $0x0, $0x0;
	s11 =	sadd.s32 $0x1, s9;
	s12 =	sadd.s32 $0x2, s9  }
.LBB2_9:
0x15: {  	p1 =	slt.u32 s24, $0x3  }
0x16: {  	s0 =	simm.s32 @!p1 $0x2  }
0x17: {  	_ =	swait.ge @!p1 [sflag:s0], $0x1770  }
0x18: {  	[sflag:s0] =	ssyncset.done @!p1 $0x0  }
0x19: {  	[sflag:s0] =	ssyncadd.s32 @!p1 $0xFFFFE890;
	s0 =	simm.s32 @!p1 $0x9  }
0x1a: {  	_ =	swait.ge @!p1 [sflag:s0], $0x10  }
0x1b: {  	[sflag:s0] =	ssyncset.done @!p1 $0x0  }
0x1c: {  	[sflag:s0] =	ssyncadd.s32 @!p1 $0xFFFFFFF0;
	p1 =	sne.s32 s24, s12  }
.Ltmp1:
0x1d: {  	s2 =	sadd.s32 $0x1770, s23;
	(pc) =	sbr.rel @!p1 .LBB2_10-.Ltmp1, $4  }
0x1e: {  	s6 =	smov.u32 s3;
	s31 =	sadd.s32 $0x1, s24;
	s17 =	sadd.s32 $0x1770, s17  }
0x1f: {  	s18 =	sadd.s32 $0x1, s18;
	s25 =	smov.u32 s23;
	p2 =	slt.s32 s2, s4  }
0x20: {  	p0 =	por !p0, !p0;
	s19 =	sadd.s32 $0x1770, s19;
	s6 =	smov.u32 @p2 s2  }
0x21: {  	s20 =	sadd.s32 $0x1, s20;
	s23 =	smov.u32 s6;
	s24 =	smov.u32 s31  }
.LBB2_1:
0x22: {  	p1 =	sge.u32 s24, s9  }
0x23: {  	s0 =	smulhi.u32 @!p1 $0xAAAAAAAB, s24;
	_ =	sdelay $0x1  }
0x24: {  	s0 =	sshrl.u32 @!p1 s0, $0x1  }
0x25: {  	s0 =	smul.u32 @!p1 $0x3, s0;
	_ =	sdelay $0x1  }
0x26: {  	s0 =	ssub.s32 @!p1 s24, s0  }
0x27: {  	s0 =	smul.u32 @!p1 $0x5DC0, s0;
	_ =	sdelay $0x1  }
0x28: {  	s2 =	sshrl.u32 @!p1 s23, $0x3;
	s0 =	sshrl.u32 @!p1 s0, $0x2  }
0x29: {  	s22 =	sand.u32 @!p1 $0x7, s23;
	s2 =	sadd.s32 @!p1 s5, s2;
	s0 =	sadd.s32 @!p1 $0x100, s0  }
0x2a: {  	[tilespmem:s0], [sflag:$0x7] =	stream.linear.gather @!p1 [hbm4b:s2+s22], $0x1770, $0x38;
	[tilespmem:$0xD410] =	vst v63  }
0x2b: {  	s0 =	sadd.s32 $0xFFFFFFFF, s24  }
0x2c: {  	p1 =	sge.u32 s0, s9  }
.Ltmp2:
0x2d: {  	_ = 	snop;
	(pc) =	sbr.rel @p1 .LBB2_5-.Ltmp2, $1  }
0x2e: {  	_ =	sdelay $0x3  }
0x2f: {  	s2 =	smulhi.u32 $0xAAAAAAAB, s0;
	_ =	sdelay $0x1  }
0x30: {  	s2 =	sshrl.u32 s2, $0x1  }
0x31: {  	s2 =	smul.u32 $0x3, s2;
	_ =	sdelay $0x1  }
0x32: {  	s2 =	ssub.s32 s0, s2  }
0x33: {  	s2 =	smul.u32 $0x5DC0, s2  }
0x34: {  	_ =	swait.ge [sflag:s7], $0x1770  }
0x35: {  	[sflag:s7] =	ssyncset.done $0x0;
	s2 =	sshrl.u32 s2, $0x2  }
0x36: {  	[sflag:s7] =	ssyncadd.s32 $0xFFFFE890;
	(ifvalue) =	ssetifvalue $0xFFFFFFFF;
	v3 =	vld.msk [tilespmem:s2+$0x100 ss:$0x1], $0xffff;
	_ =	sdelay $0x2  }
0x37: {  	s30 =	smulhi.u32 $0xAAAAAAAB, s18;
	p1 =	sne.s32 s24, $0x1  }
0x38: {  	v4 =	vimm.s32 @!p1 $0x0  }
0x39: {  	s2 =	sshrl.u32 s30, $0x1;
	v4 =	vperm.xlane @!p1 v3, v4  }
0x3a: {  	s22 =	sshll.u32 s24, $0x4;
	s2 =	smul.u32 $0xFFFEE6C0, s2;
	vm4 =	vlt.u32 v3, $0x2800  }
0x3b: {  	s22 =	sand.u32 $0x10, s22;
	v3 =	vnsel vm4, $0xFFFFFFFE, v3;
	vm4 =	vlt.u32 @!p1 v4, $0x2800  }
0x3c: {  	s2 =	sshra.s32 s2, $0x2;
	[tilespmem:s22+$0x60] =	vst v3;
	v3 =	vnsel @!p1 vm4, $0xFFFFFFFE, v4  }
0x3d: {  	s28 =	sadd.s32 s2, s17;
	[tilespmem:$0x80] =	vst @!p1 v3  }
0x3e: {  	v3 =	vld.msk [tilespmem:s28+$0x0 ss:$0x1], $0xffff;
	_ =	sdelay $0x4  }
0x3f: {  	(xrf1) =	vunique.msk.u32 $0xffff, v3;
	_ =	sdelay $0xd  }
0x40: {  	v4 =	vimm.s32 $0xFFFFFFFF;
	v5, _, _ =	vpop (xrf1)  }
0x41: {  	vm5 =	vne.s32 v3, v4;
	vm4 =	veq.s32 v5, v2  }
0x42: {  	vm6 =	vlt.u32 v3, $0x2800;
	vm4 =	vmand vm5, vm4  }
0x43: {  	vm4 =	vmand vm6, vm4  }
0x44: {  	v4 =	vnsel vm4, $0xFFFFFFFF, v3  }
0x45: {  	s31 =	sand.u32 $0x1, s0  }
0x46: {  	s0 =	simm.s32 $0x1770;
	p1 =	seq.s32 s31, $0x1  }
0x47: {  	s0 =	simm.s32 @!p1 $0x0  }
0x48: {  	s26 =	sadd.s32 $0x5EB0, s0;
	(ifvalue) =	ssetifvalue $0xFFFFFFFF  }
0x49: {  	v3 =	vperm.xlane v3, v1;
	[tilespmem:s26], [sflag:$0x8] =	stream.indirect_vreg.gather [hbm4b:s1+s16], $0x1, v4, vm0, $0x4038;
	v4 =	vnsel vm6, $0xFFFFFFFE, v4;
	[tilespmem:$0xD410] =	vst v63  }
0x4a: {  	s2 =	simm.s32 $0x0;
	s22 =	sadd.s32 $0xFFFFFFF0, s28;
	[tilespmem:s28+$0x0] =	vst v4  }
.LBB2_3:
0x4b: {  	v4 =	vld.msk [tilespmem:s22+$0x0 ss:$0x1], $0xffff;
	s2 =	sadd.s32 $0x10, s2;
	v5 =	vmov v3;
	s28 =	smov.u32 s22  }
0x4c: {  	p1 =	slt.u32 s2, $0x1760;
	_ =	sdelay $0x4  }
0x4d: {  	v3 =	vperm.xlane v4, v1;
	(xrf1) =	vunique.msk.u32 $0xffff, v4;
	_ =	sdelay $0xd  }
0x4e: {  	v6, _, _ =	vpop (xrf1)  }
0x4f: {  	vm5 =	vne.s32 v4, v5;
	vm4 =	veq.s32 v6, v2  }
0x50: {  	vm6 =	vlt.u32 v4, $0x2800;
	vm4 =	vmand vm5, vm4  }
0x51: {  	vm4 =	vmand vm6, vm4  }
0x52: {  	v4 =	vnsel vm4, $0xFFFFFFFF, v4  }
.Ltmp3:
0x53: {  	v5 =	vnsel vm6, $0xFFFFFFFE, v4;
	(pc) =	sbr.rel @p1 .LBB2_3-.Ltmp3, $3  }
0x54: {  	_ =	sdelay $0x1  }
0x55: {  	s22 =	sadd.s32 $0xFFFFFFF0, s22;
	s26 =	sadd.s32 $0xFFFFFFF0, s26;
	(ifvalue) =	ssetifvalue $0xFFFFFFFF  }
0x56: {  	[tilespmem:s26], [sflag:$0x8] =	stream.indirect_vreg.gather [hbm4b:s1+s16], $0x1, v4, vm0, $0x4038;
	[tilespmem:s28+$0x0] =	vst v5  }
0x57: {  	s2 =	sshrl.u32 s25, $0x3;
	s6 =	rddreg [dreg:$0x2]  }
0x58: {  	s0 =	sadd.s32 $0x7630, s0;
	s2 =	sadd.s32 s6, s2  }
0x59: {  	[tilespmem:s0], [sflag:$0x8] =	stream.linear.gather [hbm:s2], $0x1770, $0x38;
	[tilespmem:$0xD410] =	vst v63  }
.LBB2_5:
0x5a: {  	p1 =	slt.u32 s24, $0x2  }
0x5b: {  	p2 =	sge.u32 @!p1 s24, s12  }
0x5c: {  	p1 =	por p1, p2  }
.Ltmp4:
0x5d: {  	_ = 	snop;
	(pc) =	sbr.rel @p1 .LBB2_9-.Ltmp4, $1  }
0x5e: {  	_ =	sdelay $0x3  }
0x5f: {  	s0 =	sadd.s32 $0xFFFFFFFE, s24  }
0x60: {  	s2 =	smulhi.u32 $0xAAAAAAAB, s0;
	_ =	sdelay $0x1  }
0x61: {  	s2 =	sshrl.u32 s2, $0x1  }
0x62: {  	s2 =	smul.u32 $0x3, s2;
	_ =	sdelay $0x1  }
0x63: {  	s0 =	ssub.s32 s0, s2  }
0x64: {  	_ =	swait.ge [sflag:s8], $0x2EE0;
	s0 =	smul.u32 $0x1770, s0  }
0x65: {  	p1 =	sne.s32 s24, s11;
	[sflag:s8] =	ssyncset.done $0x0  }
0x66: {  	[sflag:s8] =	ssyncadd.s32 $0xFFFFD120;
	s2 =	sadd.s32 @!p1 $0x186F, s0  }
0x67: {  	[spmem:s13] =	stream.linear.scatter @!p1 [tilespmem:s2], [sflag:$0x1], $0x1, $0x38;
	[tilespmem:$0xD410] =	vst v63  }
0x68: {  	s2 =	simm.s32 @!p1 $0x1  }
0x69: {  	_ =	swait.ge @!p1 [sflag:s2], $0x1  }
0x6a: {  	s22 =	sshll.u32 s24, $0x4;
	[sflag:s2] =	ssyncset.done @!p1 $0x0  }
0x6b: {  	s25 =	sand.u32 $0x10, s22;
	[sflag:s2] =	ssyncadd.s32 @!p1 $0xFFFFFFFF  }
0x6c: {  	s2 =	sxor.u32 $0x10, s25;
	v4 =	vld [tilespmem:s25+$0x10]  }
0x6d: {  	v5 =	vld [tilespmem:s2+$0x60]  }
0x6e: {  	v3 =	vld [tilespmem:$0x80];
	_ =	sdelay $0x2  }
0x6f: {  	(v2sf) =	vpush v4, $0x0  }
0x70: {  	(v2sf) =	vpush v5, $0x0  }
0x71: {  	(v2sf) =	vpush v3, $0x0;
	_ =	sdelay $0xc  }
0x72: {  	s6 =	spop (v2sf)  }
0x73: {  	s28 =	spop (v2sf)  }
0x74: {  	s26 =	spop (v2sf)  }
0x75: {  	p2 =	seq.s32 s6, s28;
	p3 =	seq.s32 s26, s6  }
0x76: {  	p3 =	por p2, p3  }
0x77: {  	s6 =	sand.u32 $0x1, s24;
	v4 =	vpsel p3, $0xFFFFFFFF, v4  }
0x78: {  	s28 =	smul.u32 $0x1770, s6;
	[tilespmem:s25+$0x10] =	vst.msk $0x1, v4  }
0x79: {  	v4 =	vld [tilespmem:$0x30]  }
0x7a: {  	v5 =	vld [tilespmem:s28+$0x7630]  }
0x7b: {  	v6 =	vld [tilespmem:s25+$0x40];
	_ =	sdelay $0x3  }
0x7c: {  	vm4 =	vmmov vm1;
	v5 =	vadd.f32 v5, v4  }
0x7d: {  	vm5 =	vmmov vm2;
	vm4 =	vmmov @p2 vm2;
	v4 =	vadd.f32 v6, v4  }
0x7e: {  	s22 =	sshll.u32 s6, $0x4;
	vm5 =	vmmov @p3 vm1;
	[tilespmem:s28+$0x7630] =	vst.msk vm4, v5  }
0x7f: {  	[tilespmem:s22+$0xD3F0] =	vst.msk vm5, v4  }
0x80: {  	v4 =	vld [tilespmem:s28+$0x5EB0];
	_ =	sdelay $0x3  }
0x81: {  	v5 =	vimm.f32 $0.0e+00  }
0x82: {  	v4 =	vshift.insert v4, v5, s21  }
0x83: {  	s29 =	sor.u32 $0x40, s2  }
0x84: {  	[tilespmem:s29+$0x0] =	vst.msk $0x1, v4  }
0x85: {  	[tilespmem:s28+$0x5EBF] =	vst.msk $0x1, v5  }
0x86: {  	v4 =	vld [tilespmem:s0+$0x1860];
	_ =	sdelay $0x1  }
0x87: {  	s29 =	smulhi.u32 $0xAAAAAAAB, s20;
	s0 =	simm.s32 $0x1  }
0x88: {  	s0 =	simm.s32 @!p0 $0x0  }
0x89: {  	s29 =	sshrl.u32 s29, $0x1;
	s0 =	smul.u32 $0x5DC0, s0  }
0x8a: {  	s29 =	smul.u32 $0xFFFEE6C0, s29;
	v4 =	vshift.insert v4, v1, s21  }
0x8b: {  	s0 =	sshrl.u32 s0, $0x2  }
0x8c: {  	s29 =	sshra.s32 s29, $0x2;
	s30 =	sadd.s32 $0x7630, s0;
	[tilespmem:s2+$0x10] =	vst.msk $0x1, v4  }
0x8d: {  	s6 =	sadd.s32 s29, s19;
	v6 =	vld [tilespmem:s30+$0x0]  }
0x8e: {  	v7 =	vld [tilespmem:s6+$0x0];
	_ =	sdelay $0x3  }
0x8f: {  	v5 =	vadd.f32 v6, v5  }
0x90: {  	vm4 =	vne.s32 v7, $0xFFFFFFFF  }
0x91: {  	(xrf2) =	vadd.seg.scan.f32 vm4, v5;
	_ =	sdelay $0x3  }
0x92: {  	s31 =	sadd.s32 $0x4750, s0;
	v5 =	vperm.xlane v4, v1  }
0x93: {  	v6 =	vld [tilespmem:s31+$0x0]  }
0x94: {  	vm5 =	veq.s32 v7, v3;
	vm6 =	veq.s32 v7, v5  }
0x95: {  	vm7 =	vgt.u32 v7, $0xFFFFFFFD;
	vm6 =	vmor vm6, vm5  }
0x96: {  	vm6 =	vmor vm6, vm7  }
0x97: {  	v9 =	vld [tilespmem:$0xA0];
	v7 =	vsel vm6, $0xFFFFFFFF, v7  }
0x98: {  	v10 =	vld [tilespmem:$0x90];
	v6 =	vsel vm5, $0x0, v6;
	v8, _, _ =	vpop (xrf2)  }
0x99: {  	v6 =	vadd.f32 v8, v6  }
0x9a: {  	s0 =	sadd.s32 $0xA510, s0  }
0x9b: {  	vm4 =	vmand vm4, vm3;
	[tilespmem:s0+$0x0] =	vst v6;
	(ifvalue) =	ssetifvalue $0xFFFFFFFF  }
0x9c: {  	vm6 =	veq.s32 v9, $0x1;
	[hbm4b:s1+s16] =	stream.indirect_vreg.scatter [tilespmem:s0], [sflag:$0x2], $0x1, v7, vm0, $0x4038;
	v7 =	vsel vm4, $0x0, v8;
	[tilespmem:$0xD410] =	vst v63  }
0x9d: {  	s29 =	sadd.s32 $0xD3F0, s22;
	s22 =	sadd.s32 $0x10, s6;
	s2 =	simm.s32 $0x0;
	vm4 =	vmor vm6, vm5;
	v6 =	vsel vm5, v8, v10;
	v7 =	vshift.insert v7, v0, s21  }
.LBB2_7:
0x9e: {  	v8 =	vld [tilespmem:s22+$0x0];
	s30 =	sadd.s32 $0x10, s30  }
0x9f: {  	s31 =	sadd.s32 $0x10, s31;
	v9 =	vld [tilespmem:s30+$0x0]  }
0xa0: {  	s2 =	sadd.s32 $0x10, s2;
	v10 =	vld [tilespmem:s31+$0x0]  }
0xa1: {  	p2 =	slt.u32 s2, $0x1760;
	_ =	sdelay $0x2  }
0xa2: {  	v7 =	vadd.f32 v9, v7  }
0xa3: {  	vm5 =	vne.s32 v8, $0xFFFFFFFF  }
0xa4: {  	vm6 =	vmand vm5, vm3;
	(xrf2) =	vadd.seg.scan.f32 vm5, v7;
	_ =	sdelay $0x5  }
0xa5: {  	vm7 =	veq.s32 v8, v5;
	vm5 =	veq.s32 v8, v3  }
0xa6: {  	vm8 =	vgt.u32 v8, $0xFFFFFFFD;
	vm4 =	vmor vm4, vm5;
	vm7 =	vmor vm7, vm5  }
0xa7: {  	vm7 =	vmor vm7, vm8  }
0xa8: {  	v8 =	vsel vm7, $0xFFFFFFFF, v8  }
.Ltmp5:
0xa9: {  	v7 =	vsel vm5, $0x0, v10;
	v9, _, _ =	vpop (xrf2);
	(pc) =	sbr.rel @p2 .LBB2_7-.Ltmp5, $4  }
0xaa: {  	v6 =	vsel vm5, v9, v6;
	v10 =	vadd.f32 v9, v7;
	v7 =	vsel vm6, $0x0, v9  }
0xab: {  	s0 =	sadd.s32 $0x10, s0;
	v7 =	vshift.insert v7, v0, s21  }
0xac: {  	s22 =	sadd.s32 $0x10, s22;
	[tilespmem:s0+$0x0] =	vst v10;
	(ifvalue) =	ssetifvalue $0xFFFFFFFF  }
0xad: {  	[hbm4b:s1+s16] =	stream.indirect_vreg.scatter [tilespmem:s0], [sflag:$0x2], $0x1, v8, vm0, $0x4038;
	[tilespmem:$0xD410] =	vst v63  }
0xae: {  	v3 =	vld [tilespmem:s28+$0xBC70];
	_ =	sdelay $0x4  }
0xaf: {  	v3 =	vshift.insert v3, v0, s21  }
0xb0: {  	s0 =	simm.s32 $0x30  }
0xb1: {  	[tilespmem:s0+$0x0] =	vst.msk $0x1, v3  }
0xb2: {  	v3 =	vsel vm4, $0x1, v1;
	[tilespmem:$0x90] =	vst v6  }
0xb3: {  	s0 =	sadd.s32 @!p1 $0xBC7F, s28;
	[tilespmem:$0xA0] =	vst v3  }
0xb4: {  	[spmem:s14] =	stream.linear.scatter @!p1 [tilespmem:s0], [sflag:$0x1], $0x1, $0x38;
	[tilespmem:$0xD410] =	vst v63  }
0xb5: {  	s0 =	simm.s32 @!p1 $0x1  }
0xb6: {  	v3 =	vmctz.xlane @!p1 vm4;
	_ =	swait.ge @!p1 [sflag:s0], $0x1  }
0xb7: {  	(v2sf) =	vpush @!p1 v4, $0x0  }
0xb8: {  	(v2sf) =	vpush @!p1 v3, $0x0;
	_ =	sdelay $0xd  }
0xb9: {  	s2 =	spop @!p1 (v2sf)  }
0xba: {  	s6 =	spop @!p1 (v2sf)  }
0xbb: {  	p2 =	sne.s32 @!p1 s26, s2;
	p3 =	slt.s32 @!p1 s6, $0xF  }
0xbc: {  	[sflag:s0] =	ssyncset.done @!p1 $0x0;
	p2 =	por p2, p1;
	p3 =	por !p3, p1  }
0xbd: {  	[sflag:s0] =	ssyncadd.s32 @!p1 $0xFFFFFFFF;
	v3 =	vimm.s32 @!p2 $0xFFFFFFFF;
	s6 =	simm.s32 @p3 $0xF  }
0xbe: {  	[tilespmem:$0x80] =	vst @!p2 v3;
	s2 =	sadd.s32 @!p1 $0x90, s6  }
0xbf: {  	[spmem:s10] =	stream.linear.scatter @!p1 [tilespmem:s2], [sflag:$0x1], $0x1, $0x38;
	[tilespmem:$0xD410] =	vst v63  }
0xc0: {  	_ =	swait.ge @!p1 [sflag:s0], $0x1  }
0xc1: {  	[sflag:s0] =	ssyncset.done @!p1 $0x0  }
0xc2: {  	s2 =	simm.s32 @!p1 $0x80;
	[sflag:s0] =	ssyncadd.s32 @!p1 $0xFFFFFFFF  }
0xc3: {  	[spmem:s15] =	stream.linear.scatter @!p1 [tilespmem:s2], [sflag:$0x1], $0x1, $0x38;
	[tilespmem:$0xD410] =	vst v63  }
0xc4: {  	_ =	swait.ge @!p1 [sflag:s0], $0x1  }
0xc5: {  	[sflag:s0] =	ssyncset.done @!p1 $0x0  }
0xc6: {  	[sflag:s0] =	ssyncadd.s32 @!p1 $0xFFFFFFFF;
	(ifvalue) =	ssetifvalue $0xFFFFFFFF;
	v3 =	vld [tilespmem:s25+$0x10];
	_ =	sdelay $0x3  }
.Ltmp6:
0xc7: {  	_ = 	snop;
	(pc) =	sbr.rel .LBB2_9-.Ltmp6, $3  }
0xc8: {  	_ =	sdelay $0x1  }
0xc9: {  	(ifvalue) =	ssetifvalue $0xFFFFFFFF  }
0xca: {  	[hbm4b:s1+s16] =	stream.indirect_vreg.scatter [tilespmem:s29], [sflag:$0x9], $0x1, v3, vm0, $0x4038;
	[tilespmem:$0xD410] =	vst v63  }
.LBB2_10:
0xcb: {  	_ =	sfence.sel $0x180000  }
0xcc: {  	s0 =	simm.s32 $0x7;
	[bflag:$0x0] =	sbarrier.arrive $0xFFFF  }
0xcd: {  	s26 =	simm.s32 $0x8;
	[sflag:s0] =	ssyncpa.u1 $0x1  }
0xce: {  	s28 =	simm.s32 $0x9;
	[sflag:s26] =	ssyncpa.u1 $0x1  }
0xcf: {  	[sflag:s28] =	ssyncpa.u1 $0x1  }
0xd0: {  	_ =	sfence.stream.spmem  }
0xd1: {  	s29 =	simm.s32 $0x3;
	[bflag:$0x0] =	sbarrier.arrive $0xFFFF  }
0xd2: {  	s30 =	simm.s32 $0x4;
	[sflag:s29] =	ssyncpa.u1 $0x1  }
0xd3: {  	s31 =	simm.s32 $0x3C;
	s2 =	stileid.u32;
	[sflag:s30] =	ssyncpa.u1 $0x1  }
0xd4: {  	p0 =	sne.s32 s2, $0x0;
	[sflag:s31] =	ssyncpa.u1 $0x1  }
0xd5: {  	s0 =	simm.s32 @p0 $0x1;
	_ =	sfence @p0  }
0xd6: {  	[sflag:s0] =	ssyncpa.u1 @p0 $0x1;
	s0 =	simm.s32 @p0 $0x2  }
0xd7: {  	[sflag:s0] =	ssyncpa.u1 @p0 $0x1  }
0xd8: {  	_ =	strace @p0 $0x90000050  }
0xd9: {  	[bflag:$0x2] =	sbarrier.arrive @p0 $0xFFFF  }
0xda: {  	_ =	shalt @p0  }
.LBB2_11:
0xdb: {  	_ =	sfence.stream.spmem;
	s0 =	simm.s32 $0x5  }
0xdc: {  	s2 =	simm.s32 $0x80;
	s3 =	simm.s32 $0xC0;
	[sflag:s0] =	ssyncpa.u1 $0x0  }
0xdd: {  	[tilespmem:s3], [sflag:$0x5] =	stream.linear.gather [spmem:s2], $0x20, $0x38;
	[tilespmem:$0xD410] =	vst v63  }
0xde: {  	s2 =	simm.s32 $0x0;
	s3 =	simm.s32 $0xE0  }
0xdf: {  	[tilespmem:s3], [sflag:$0x5] =	stream.linear.gather [spmem:s2], $0x20, $0x38;
	[tilespmem:$0xD410] =	vst v63  }
.Ltmp7:
0xe0: {  	_ = 	snop;
	(pc) =	sbr.rel .LBB2_12-.Ltmp7, $4  }
0xe1: {  	_ =	swait.ge [sflag:s0], $0x40  }
0xe2: {  	[sflag:s0] =	ssyncset.done $0x0  }
0xe3: {  	s31 =	simm.s32 $0x6;
	[sflag:s0] =	ssyncadd.s32 $0xFFFFFFC0  }
0xe4: {  	s4 =	simm.s32 $0x0;
	[sflag:s31] =	ssyncpa.u1 $0x0  }
.LBB2_17:
0xe5: {  	p0 =	sgt.u32 s5, $0x27FF  }
0xe6: {  	s0 =	sshrl.u32 @!p0 s5, $0x3  }
0xe7: {  	s5 =	sand.u32 @!p0 $0x7, s5;
	s6 =	simm.s32 @!p0 $0xB0;
	s0 =	sadd.s32 @!p0 s1, s0  }
0xe8: {  	[tilespmem:s6], [sflag:$0x6] =	stream.linear.gather @!p0 [hbm4b:s0+s5], $0x1, $0x38;
	[tilespmem:$0xD410] =	vst v63  }
0xe9: {  	s0 =	simm.s32 @!p0 $0x6  }
0xea: {  	_ =	swait.ge @!p0 [sflag:s0], $0x1  }
0xeb: {  	[sflag:s0] =	ssyncset.done @!p0 $0x0  }
0xec: {  	[sflag:s0] =	ssyncadd.s32 @!p0 $0xFFFFFFFF  }
0xed: {  	v2 =	vmov @!p0 s4;
	v1 =	vld.msk @!p0 [tilespmem:$0xB0], $0x1;
	_ =	sdelay $0x3  }
0xee: {  	s0 =	simm.s32 @!p0 $0xE0  }
0xef: {  	[tilespmem:v2+s0+$0x0], v1 =	vst.idx.ret.add.f32.msk @!p0 $0x1, v1  }
0xf0: {  	[tilespmem:s2+$0xC0] =	vst.msk $0x1, v0  }
0xf1: {  	v0 =	vld.msk [tilespmem:s4+$0xE0], $0x1;
	_ =	sdelay $0x4  }
0xf2: {  	[tilespmem:s2+$0xE0] =	vst.msk $0x1, v0;
	s2 =	sadd.s32 $0x1, s2  }
.LBB2_19:
0xf3: {  	s4 =	sadd.s32 $0x1, s4  }
0xf4: {  	p0 =	sne.s32 s4, $0x20  }
.Ltmp8:
0xf5: {  	_ = 	snop;
	(pc) =	sbr.rel @!p0 .LBB2_20-.Ltmp8, $1  }
0xf6: {  	_ =	sdelay $0x3  }
.LBB2_12:
0xf7: {  	v0 =	vld.msk [tilespmem:s4+$0xC0], $0x1;
	_ =	sdelay $0x4  }
0xf8: {  	(v2sf) =	vpush v0, $0x0;
	_ =	sdelay $0xe  }
0xf9: {  	s5 =	spop (v2sf)  }
0xfa: {  	p0 =	seq.s32 s5, $0xFFFFFFFF  }
.Ltmp9:
0xfb: {  	_ = 	snop;
	(pc) =	sbr.rel @p0 .LBB2_19-.Ltmp9, $1  }
0xfc: {  	_ =	sdelay $0x3  }
0xfd: {  	p0 =	slt.s32 s2, $0x1  }
.Ltmp10:
0xfe: {  	_ = 	snop;
	(pc) =	sbr.rel @p0 .LBB2_17-.Ltmp10, $1  }
0xff: {  	_ =	sdelay $0x3  }
0x100: {  	s0 =	simm.s32 $0xC0;
	p0 =	por $0x0, $0x0  }
0x101: {  	v1 =	vld.msk @!p0 [tilespmem:s0+$0x0], $0x1;
	_ =	sdelay $0x4  }
0x102: {  	(v2sf) =	vpush @!p0 v1, $0x0;
	_ =	sdelay $0xd  }
0x103: {  	p2 =	sne.s32 s2, $0x1  }
.Ltmp11:
0x104: {  	s6 =	spop @!p0 (v2sf);
	(pc) =	sbr.rel @!p2 .LBB2_16-.Ltmp11, $4  }
0x105: {  	p1 =	seq.s32 @!p0 s5, s6  }
0x106: {  	s6 =	simm.s32 $0x0;
	p1 =	por !p1, p0  }
0x107: {  	s8 =	simm.s32 $0xFFFFFFFF;
	s6 =	simm.s32 @p1 $0xFFFFFFFF  }
0x108: {  	s7 =	simm.s32 $0x1;
	s6 =	smov.u32 @p0 s8  }
.LBB2_15:
0x109: {  	s8 =	smov.u32 s6;
	p0 =	sne.s32 s6, $0xFFFFFFFF  }
0x10a: {  	s0 =	sadd.s32 $0x1, s0;
	s6 =	smov.u32 s7;
	s7 =	sadd.s32 $0x1, s7  }
0x10b: {  	p1 =	sne.s32 s2, s7;
	v1 =	vld.msk @!p0 [tilespmem:s0+$0x0], $0x1;
	_ =	sdelay $0x4  }
0x10c: {  	(v2sf) =	vpush @!p0 v1, $0x0;
	_ =	sdelay $0xe  }
.Ltmp12:
0x10d: {  	s9 =	spop @!p0 (v2sf);
	(pc) =	sbr.rel @p1 .LBB2_15-.Ltmp12, $4  }
0x10e: {  	p2 =	seq.s32 @!p0 s5, s9  }
0x10f: {  	p2 =	por !p2, p0  }
0x110: {  	s6 =	simm.s32 @p2 $0xFFFFFFFF  }
0x111: {  	s6 =	smov.u32 @p0 s8  }
.LBB2_16:
0x112: {  	p0 =	sne.s32 s6, $0xFFFFFFFF  }
.Ltmp13:
0x113: {  	_ = 	snop;
	(pc) =	sbr.rel @!p0 .LBB2_17-.Ltmp13, $1  }
0x114: {  	_ =	sdelay $0x3  }
0x115: {  	v0 =	vld.msk [tilespmem:s4+$0xE0], $0x1;
	v1 =	vmov s6  }
.Ltmp14:
0x116: {  	_ = 	snop;
	(pc) =	sbr.rel .LBB2_19-.Ltmp14, $2  }
0x117: {  	_ =	sdelay $0x2  }
0x118: {  	[tilespmem:v1+s3+$0x0], v0 =	vst.idx.ret.add.f32.msk $0x1, v0  }
.LBB2_20:
0x119: {  	p0 =	slt.s32 s2, $0x1  }
.Ltmp15:
0x11a: {  	_ = 	snop;
	(pc) =	sbr.rel @p0 .LBB2_24-.Ltmp15, $3  }
0x11b: {  	_ =	sdelay $0x1  }
0x11c: {  	s0 =	simm.s32 $0x6  }
0x11d: {  	s3 =	simm.s32 $0x0;
	[sflag:s0] =	ssyncpa.u1 $0x1  }
0x11e: {  	s0 =	simm.s32 $0xC0  }
0x11f: {  	v0 =	vld.msk [tilespmem:s0+$0x0], $0x1;
	_ =	sdelay $0x4  }
0x120: {  	(v2sf) =	vpush v0, $0x0;
	_ =	sdelay $0xe  }
0x121: {  	s2 =	sadd.s32 $0xFFFFFFFF, s2;
	s4 =	spop (v2sf)  }
0x122: {  	p1 =	sne.s32 s2, $0x0;
	p0 =	sgt.u32 s4, $0x27FF  }
.Ltmp16:
0x123: {  	s5 =	sshrl.u32 @!p0 s4, $0x3;
	(pc) =	sbr.rel @!p1 .LBB2_23-.Ltmp16, $4  }
0x124: {  	s0 =	simm.s32 $0xE0;
	s4 =	sand.u32 @!p0 $0x7, s4;
	s5 =	sadd.s32 @!p0 s1, s5  }
0x125: {  	[hbm4b:s5+s4] =	stream.linear.scatter @!p0 [tilespmem:s0], [sflag:$0x5], $0x1, $0x38;
	[tilespmem:$0xD410] =	vst v63  }
0x126: {  	s5 =	simm.s32 $0x0  }
0x127: {  	s4 =	simm.s32 $0xC1;
	s5 =	simm.s32 @!p0 $0x4  }
.LBB2_22:
0x128: {  	v0 =	vld.msk [tilespmem:s4+$0x0], $0x1;
	s2 =	sadd.s32 $0xFFFFFFFF, s2;
	s3 =	sadd.s32 s3, s5  }
0x129: {  	p0 =	sne.s32 s2, $0x0;
	_ =	sdelay $0x3  }
0x12a: {  	(v2sf) =	vpush v0, $0x0;
	_ =	sdelay $0xe  }
.Ltmp17:
0x12b: {  	s6 =	spop (v2sf);
	(pc) =	sbr.rel @p0 .LBB2_22-.Ltmp17, $4  }
0x12c: {  	s5 =	simm.s32 $0x0;
	p1 =	sgt.u32 s6, $0x27FF  }
0x12d: {  	s0 =	sadd.s32 $0x1, s0;
	s5 =	simm.s32 @!p1 $0x4;
	s7 =	sshrl.u32 @!p1 s6, $0x3  }
0x12e: {  	s4 =	sadd.s32 $0x1, s4;
	s6 =	sand.u32 @!p1 $0x7, s6;
	s7 =	sadd.s32 @!p1 s1, s7  }
0x12f: {  	[hbm4b:s7+s6] =	stream.linear.scatter @!p1 [tilespmem:s0], [sflag:$0x5], $0x1, $0x38;
	[tilespmem:$0xD410] =	vst v63  }
.LBB2_23:
0x130: {  	s0 =	sadd.s32 s3, s5  }
0x131: {  	s3 =	sshrl.u32 s0, $0x2  }
.LBB2_24:
0x132: {  	s0 =	simm.s32 $0x5  }
0x133: {  	_ =	swait.ge [sflag:s0], s3  }
0x134: {  	s1 =	ssub.s32 $0x0, s3;
	[sflag:s0] =	ssyncset.done $0x0  }
0x135: {  	[sflag:s0] =	ssyncadd.s32 s1  }
0x136: {  	[sflag:s0] =	ssyncpa.u1 $0x1  }
0x137: {  	s29 =	simm.s32 $0x1;
	_ =	sfence  }
0x138: {  	s30 =	simm.s32 $0x2;
	[sflag:s29] =	ssyncpa.u1 $0x1  }
0x139: {  	[sflag:s30] =	ssyncpa.u1 $0x1  }
0x13a: {  	_ =	strace $0x90000050  }
0x13b: {  	[bflag:$0x2] =	sbarrier.arrive $0xFFFF  }
0x13c: {  	s31 =	rddreg [dreg:$0x1]  }
0x13d: {  	s0 =	sadd.s32 $0x100000, s31  }
0x13e: {  	[sflag:s0] =	ssyncadd.tile.s32 $0x1;
	_ =	shalt  }
.Lfunc_end2:
_tile_overlayer_lowered:
.L_overlay_start_2:
0x13f: {  	(tag) =	ssettag $0x2  }
0x140: {  	s0 =	rddreg [dreg:$0x0];
	s2 =	stileid.u32  }
0x141: {  	s1 =	rddreg [dreg:$0x1];
	p0 =	sne.s32 s2, $0x0  }
0x142: {  	s3 =	rddreg [dreg:$0x2];
	[bflag:$0x3] =	sbarrier.arrive $0xFFFF;
	s2 =	simm.s32 @!p0 $0x1C01  }
0x143: {  	[timem:s3], [sflag:s2] =	dma.local @!p0 [hbm:s0], s1  }
0x144: {  	s0 =	simm.s32 @!p0 $0x1  }
0x145: {  	_ =	swait.ge @!p0 [sflag:s0], s1  }
0x146: {  	s1 =	ssub.s32 @!p0 $0x0, s1;
	[sflag:s0] =	ssyncset.done @!p0 $0x0  }
0x147: {  	[sflag:s0] =	ssyncadd.s32 @!p0 s1  }
0x148: {  	[bflag:$0x3] =	sbarrier.arrive $0xFFFF  }
0x149: {  	_ =	shalt  }

// kernel: scatter_offload_async_start.3
scs
__scs_entry_jumppad:
0x0: {  	(pc) =	sbr.rel $0x88, $3  }
0x1: {  	(tag) =	ssettag $0x0;
	lr =	simm.s32 $0x1  }
0x2: {  	[smem:$0x3F8E] =	sst lr;
	_ =	strace $0xD0000000  }
0x3: {  	_ = 	snop  }
0x4: {  	_ = 	snop  }
0x5: {  	_ = 	snop  }
0x6: {  	_ = 	snop  }
0x7: {  	_ = 	snop  }
__scs_overlays_trampoline_lowered:
0x8: {  	[smem:$0x3F9D] =	sst s0  }
0x9: {  	[smem:$0x3F9E] =	sst s1  }
0xa: {  	[smem:$0x3F9F] =	sst s2  }
0xb: {  	[smem:$0x3FA0] =	sst s3  }
0xc: {  	[smem:$0x3FA1] =	sst s4  }
0xd: {  	[smem:$0x3FA2] =	sst s5  }
0xe: {  	[smem:$0x3FA3] =	sst s6  }
0xf: {  	[smem:$0x3FA4] =	sst s7  }
0x10: {  	[smem:$0x3FA5] =	sst s8  }
0x11: {  	[smem:$0x3FA6] =	sst s9;
	s0 =	simm.s32 @!p0 $0x0  }
0x12: {  	s1 =	sld [smem:$0x3F8C];
	s0 =	simm.s32 @p0 $0x1  }
0x13: {  	[smem:$0x3FA7] =	sst s0;
	s0 =	simm.s32 @!p1 $0x0  }
0x14: {  	s2 =	sld [smem:$0x3F8B];
	s0 =	simm.s32 @p1 $0x1  }
0x15: {  	[smem:$0x3FA8] =	sst s0;
	s0 =	simm.s32 @!p2 $0x0  }
0x16: {  	s3 =	sld [smem:$0x3FDB];
	s0 =	simm.s32 @p2 $0x1  }
0x17: {  	s4 =	simm.s32 $0x1BF5;
	[smem:$0x3FAA] =	sst s0  }
0x18: {  	s0 =	sld [smem:$0x3F8D];
	_ =	swait.ge [sflag:s4], $0x0  }
0x19: {  	s7 =	sld [smem:$0x3F8E]  }
0x1a: {  	s8 =	sadd.s32 $0xFFFFE003, lr  }
0x1b: {  	s9 =	sadd.s32 $0xFFFFFEF7, lr;
	s5 =	simm.s32 $0xFFFFFFFF;
	p2 =	slt.u32 s8, $0xFFFFF086  }
0x1c: {  	p1 =	slt.u32 s9, $0xF7A;
	s5 =	simm.s32 @!p2 $0x0  }
0x1d: {  	s5 =	simm.s32 @p1 $0x1;
	p0 =	seq.s32 s7, s2  }
0x1e: {  	s7 =	smul.u32 @!p0 $0xF7A, s2;
	p2 =	seq.s32 @!p0 s5, $0x0  }
0x1f: {  	s9 =	smul.u32 $0xF7A, s1;
	s8 =	simm.s32 @!p0 $0x1BF5;
	p2 =	por !p2, p0  }
0x20: {  	[sflag:s8] =	ssyncset.s32 @!p0 $0xFFFFF086;
	s6 =	sadd.s32 @!p0 s3, s7;
	s7 =	simm.s32 @!p0 $0x108  }
0x21: {  	s3 =	sadd.s32 s3, s9;
	s6 =	sadd.s32 @!p0 $0x88, s6;
	s7 =	simm.s32 @p2 $0x1082  }
0x22: {  	[simem:s7], [sflag:s8] =	dma.local @!p0 [hbm:s6], $0xF7A  }
0x23: {  	s9 =	sor.u32 $0xD0000000, s2;
	s6 =	simm.s32 $0x108;
	_ =	swait.ge @!p0 [sflag:s8], $0x0  }
0x24: {  	s3 =	sadd.s32 $0x88, s3;
	s6 =	simm.s32 @!p1 $0x1082;
	[sflag:s4] =	ssyncset.s32 $0xFFFFF086  }
0x25: {  	[simem:s6], [sflag:s4] =	dma.local [hbm:s3], $0xF7A  }
0x26: {  	[smem:$0x3F8E] =	sst s1;
	(tag) =	ssettag s2;
	_ =	strace s9  }
0x27: {  	s1 =	sld [smem:$0x3F9E]  }
0x28: {  	s2 =	sld [smem:$0x3F9F]  }
0x29: {  	s4 =	sld [smem:$0x3FA1]  }
0x2a: {  	p0 =	seq.s32 s5, $0x0;
	s5 =	sld [smem:$0x3FA2]  }
0x2b: {  	s6 =	sld [smem:$0x3FA3]  }
0x2c: {  	s7 =	sld [smem:$0x3FA4]  }
0x2d: {  	s3 =	simm.s32 $0x108;
	s8 =	sld [smem:$0x3FA5]  }
0x2e: {  	s3 =	simm.s32 @!p0 $0x1082;
	s9 =	sld [smem:$0x3FA6]  }
0x2f: {  	lr =	sadd.s32 s0, s3;
	s0 =	sld [smem:$0x3F9D]  }
0x30: {  	s3 =	sld [smem:$0x3FA0]  }
0x31: {  	[smem:$0x3FA9] =	sst s10  }
0x32: {  	s10 =	sld [smem:$0x3FA7];
	_ =	sdelay $0x3  }
0x33: {  	p0 =	seq.s32 s10, $0x1;
	s10 =	sld [smem:$0x3FA9];
	_ =	sdelay $0x3  }
0x34: {  	[smem:$0x3FA9] =	sst s10  }
0x35: {  	s10 =	sld [smem:$0x3FA8];
	_ =	sdelay $0x3  }
0x36: {  	p1 =	seq.s32 s10, $0x1;
	s10 =	sld [smem:$0x3FA9];
	_ =	sdelay $0x3  }
0x37: {  	[smem:$0x3FA9] =	sst s10  }
0x38: {  	s10 =	sld [smem:$0x3FAA]  }
0x39: {  	_ = 	snop;
	(pc) =	sbr.ind lr, $3  }
0x3a: {  	_ = 	snop  }
0x3b: {  	_ = 	snop  }
0x3c: {  	p2 =	seq.s32 s10, $0x1;
	s10 =	sld [smem:$0x3FA9]  }
0x3d: {  	_ =	shalt  }
0x3e: {  	_ =	shalt  }
0x3f: {  	_ =	shalt  }
0x40: {  	_ =	shalt  }
0x41: {  	_ =	shalt  }
0x42: {  	_ =	shalt  }
0x43: {  	_ =	shalt  }
0x44: {  	_ =	shalt  }
0x45: {  	_ =	shalt  }
0x46: {  	_ =	shalt  }
0x47: {  	_ =	shalt  }
0x48: {  	_ =	shalt  }
0x49: {  	_ =	shalt  }
0x4a: {  	_ =	shalt  }
0x4b: {  	_ =	shalt  }
0x4c: {  	_ =	shalt  }
0x4d: {  	_ =	shalt  }
0x4e: {  	_ =	shalt  }
0x4f: {  	_ =	shalt  }
0x50: {  	_ =	shalt  }
0x51: {  	_ =	shalt  }
0x52: {  	_ =	shalt  }
0x53: {  	_ =	shalt  }
0x54: {  	_ =	shalt  }
0x55: {  	_ =	shalt  }
0x56: {  	_ =	shalt  }
0x57: {  	_ =	shalt  }
0x58: {  	_ =	shalt  }
0x59: {  	_ =	shalt  }
0x5a: {  	_ =	shalt  }
0x5b: {  	_ =	shalt  }
0x5c: {  	_ =	shalt  }
0x5d: {  	_ =	shalt  }
0x5e: {  	_ =	shalt  }
0x5f: {  	_ =	shalt  }
0x60: {  	_ =	shalt  }
0x61: {  	_ =	shalt  }
0x62: {  	_ =	shalt  }
0x63: {  	_ =	shalt  }
0x64: {  	_ =	shalt  }
0x65: {  	_ =	shalt  }
0x66: {  	_ =	shalt  }
0x67: {  	_ =	shalt  }
0x68: {  	_ =	shalt  }
0x69: {  	_ =	shalt  }
0x6a: {  	_ =	shalt  }
0x6b: {  	_ =	shalt  }
0x6c: {  	_ =	shalt  }
0x6d: {  	_ =	shalt  }
0x6e: {  	_ =	shalt  }
0x6f: {  	_ =	shalt  }
0x70: {  	_ =	shalt  }
0x71: {  	_ =	shalt  }
0x72: {  	_ =	shalt  }
0x73: {  	_ =	shalt  }
0x74: {  	_ =	shalt  }
0x75: {  	_ =	shalt  }
0x76: {  	_ =	shalt  }
0x77: {  	_ =	shalt  }
0x78: {  	_ =	shalt  }
0x79: {  	_ =	shalt  }
0x7a: {  	_ =	shalt  }
0x7b: {  	_ =	shalt  }
0x7c: {  	_ =	shalt  }
0x7d: {  	_ =	shalt  }
0x7e: {  	_ =	shalt  }
0x7f: {  	_ =	shalt  }
0x80: {  	_ =	shalt  }
0x81: {  	_ =	shalt  }
0x82: {  	_ =	shalt  }
0x83: {  	_ =	shalt  }
0x84: {  	_ =	shalt  }
0x85: {  	_ =	shalt  }
0x86: {  	_ =	shalt  }
0x87: {  	_ =	shalt  }
.Lfunc_end0:
.L_simem_size_0:
called_computation.3_lowered:
.L_overlay_start_0:
0x88: {  	s0 =	sld [smem:$0x3FD9]  }
0x89: {  	s1 =	sld [smem:$0x3FFE];
	_ =	sdelay $0x3  }
0x8a: {  	s0 =	sadd.s32 s1, s0  }
0x8b: {  	[smem:$0x3FB5] =	sst s0  }
0x8c: {  	_ = 	snop  }
0x8d: {  	(tm) =	ssettm $0x1  }
0x8e: {  	s15 =	sld [smem:$0x3FFB];
	_ =	sdelay $0x3  }
0x8f: {  	_ =	strace s15  }
0x90: {  	s0 =	sld [smem:$0x3FFC];
	_ =	sdelay $0x3  }
0x91: {  	_ =	strace s0  }
0x92: {  	s0 =	sld [smem:$0x3FFD];
	_ =	sdelay $0x3  }
0x93: {  	_ =	strace s0  }
0x94: {  	_ =	strace $0x8FFFFFFF  }
0x95: {  	s16 =	sld [smem:$0x3FDB];
	_ =	sdelay $0x1  }
0x96: {  	s17 =	simm.s32 $_scs_section_size  }
0x97: {  	s2 =	simm.s32 $_size__tile_overlayer_lowered;
	s3 =	simm.s32 $_tile_overlayer_lowered  }
0x98: {  	s20 =	simm.s32 $0x1BFF;
	s19 =	sshll.u32 s3, $0x1;
	s0 =	sadd.s32 s17, s16  }
0x99: {  	s4 =	simm.s32 $0x0;
	s18 =	sshll.u32 s2, $0x1;
	s2 =	sadd.s32 s19, s0  }
0x9a: {  	[timem:s4], [sflag:s20] =	dma.local [hbm:s2], s18  }
0x9b: {  	_ =	swait.ge [sflag:s20], s18  }
0x9c: {  	s1 =	ssub.s32 $0x0, s18;
	[sflag:s20] =	ssyncset.done $0x0  }
0x9d: {  	[sflag:s20] =	ssyncadd.s32 s1;
	_ =	sdelay $0x1  }
0x9e: {  	s21 =	simm.s32 $0x1B8B  }
0x9f: {  	_ =	swait.ge [sflag:s21], $0x1  }
0xa0: {  	[sflag:s21] =	ssyncset.done $0x0  }
0xa1: {  	s23 =	simm.s32 $0x1B8E;
	s22 =	sld [smem:$0x3FFE];
	[sflag:s21] =	ssyncadd.s32 $0xFFFFFFFF  }
0xa2: {  	s24 =	simm.s32 $execute0_lowered;
	[smem:$0x3FD2] =	sst s23  }
0xa3: {  	s2 =	sshll.u32 s24, $0x1;
	_ =	strace $0x80000052;
	[dreg:$0x1] =	wrdreg $0xFFFFFFFF  }
0xa4: {  	s25 =	simm.s32 $_size_execute0_lowered;
	s0 =	sadd.s32 s0, s2;
	[dreg:$0x0] =	wrdreg $0x0  }
0xa5: {  	s2 =	sshll.u32 s25, $0x1;
	[dreg:$0x2] =	wrdreg s0  }
0xa6: {  	[dreg:$0x3] =	wrdreg s2  }
0xa7: {  	[dreg:$0x4] =	wrdreg $0xC0  }
0xa8: {  	_ =	task [dreg:s4], $0x5FFFF  }
0xa9: {  	[dreg:$0x1] =	wrdreg $0xFFFFFFFF  }
0xaa: {  	[dreg:$0x0] =	wrdreg $0x60  }
0xab: {  	[dreg:$0x2] =	wrdreg s22  }
0xac: {  	[dreg:$0x3] =	wrdreg $0x9  }
0xad: {  	_ =	task.clear_ibuf [dreg:s4], $0x4FFFF;
	_ =	strace $0x90000052  }
0xae: {  	s26 =	simm.s32 $0x9;
	_ =	strace $0x80000054  }
0xaf: {  	_ =	swait.ge [sflag:s26], $0x1  }
0xb0: {  	[sflag:s26] =	ssyncadd.s32 $0xFFFFFFFF  }
0xb1: {  	_ =	strace $0x90000054  }
0xb2: {  	_ =	sfence  }
0xb3: {  	s28 =	sld [smem:$0x0];
	_ =	sdelay $0x1  }
0xb4: {  	s29 =	srdreg.scid  }
0xb5: {  	s30 =	sshll.u32 s29, $0xD;
	s31 =	sshrl.u32 s29, $0x2  }
0xb6: {  	s1 =	sand.u32 $0x1, s29;
	s2 =	sand.u32 $0x4000, s30;
	s0 =	sadd.s32 s31, s28  }
0xb7: {  	s1 =	sor.u32 s2, s1;
	s0 =	sshll.u32 s0, $0x11  }
0xb8: {  	s0 =	sor.u32 s0, s1  }
0xb9: {  	s0 =	sadd.s32 $0x8F2B, s0  }
0xba: {  	[sflag:s0] =	ssyncadd.remote.s32 $0x1  }
0xbb: {  	_ =	sfence.sel $0xFFFF  }
0xbc: {  	[dreg:$0x0] =	wrdreg $0xFFFFFFFF;
	(pc) =	sbr.abs _section_cstart, $3  }
0xbd: {  	[dreg:$0x1] =	wrdreg $0xFFFFFFFF  }
0xbe: {  	_ =	task.clear_ibuf [dreg:s4], $0x2FFFF;
	_ =	strace $0x9FFFFFFF  }
0xbf: {  	(tm) =	ssettm $0x7FFFFFFF  }
tec
execute0_lowered:
.L_overlay_start_1:
0x0: {  	(tag) =	ssettag $0x1  }
0x1: {  	s1 =	rddreg [dreg:$0x0];
	_ =	strace $0x80000053;
	s2 =	simm.s32 $0x1  }
0x2: {  	v0 =	vimm.s32 $0x0;
	[sflag:s2] =	ssyncpa.u1 $0x0  }
0x3: {  	[tilespmem:$0x48] =	vst v0  }
0x4: {  	[tilespmem:$0x58] =	vst v0  }
0x5: {  	[tilespmem:$0x68] =	vst v0  }
0x6: {  	[tilespmem:$0x78] =	vst v0  }
0x7: {  	[tilespmem:$0x88] =	vst v0  }
0x8: {  	[tilespmem:$0x98] =	vst v0  }
0x9: {  	[tilespmem:$0xA8] =	vst v0  }
0xa: {  	[tilespmem:$0xB8] =	vst v0  }
0xb: {  	[tilespmem:$0xC8] =	vst v0  }
0xc: {  	[tilespmem:$0xD8] =	vst v0  }
0xd: {  	[tilespmem:$0xE8] =	vst v0  }
0xe: {  	[tilespmem:$0xF8] =	vst v0  }
0xf: {  	[tilespmem:$0x108] =	vst v0  }
0x10: {  	[tilespmem:$0x118] =	vst v0  }
0x11: {  	[tilespmem:$0x128] =	vst v0  }
0x12: {  	[tilespmem:$0x138] =	vst v0  }
0x13: {  	[tilespmem:$0x148] =	vst v0  }
0x14: {  	[tilespmem:$0x158] =	vst v0  }
0x15: {  	[tilespmem:$0x168] =	vst v0  }
0x16: {  	[tilespmem:$0x178] =	vst v0  }
0x17: {  	[tilespmem:$0x188] =	vst v0  }
0x18: {  	[tilespmem:$0x198] =	vst v0  }
0x19: {  	[tilespmem:$0x1A8] =	vst v0  }
0x1a: {  	[tilespmem:$0x1B8] =	vst v0  }
0x1b: {  	[tilespmem:$0x1C8] =	vst v0  }
0x1c: {  	[tilespmem:$0x1D8] =	vst v0  }
0x1d: {  	[tilespmem:$0x1E8] =	vst v0  }
0x1e: {  	[tilespmem:$0x1F8] =	vst v0  }
0x1f: {  	[tilespmem:$0x208] =	vst v0  }
0x20: {  	[tilespmem:$0x218] =	vst v0  }
0x21: {  	[tilespmem:$0x228] =	vst v0  }
0x22: {  	[tilespmem:$0x238] =	vst v0  }
0x23: {  	[tilespmem:$0x248] =	vst v0  }
0x24: {  	[tilespmem:$0x258] =	vst v0  }
0x25: {  	[tilespmem:$0x268] =	vst v0  }
0x26: {  	[tilespmem:$0x278] =	vst v0  }
0x27: {  	[tilespmem:$0x288] =	vst v0  }
0x28: {  	[tilespmem:$0x298] =	vst v0  }
0x29: {  	[tilespmem:$0x2A8] =	vst v0  }
0x2a: {  	[tilespmem:$0x2B8] =	vst v0  }
0x2b: {  	[tilespmem:$0x2C8] =	vst v0  }
0x2c: {  	[tilespmem:$0x2D8] =	vst v0  }
0x2d: {  	[tilespmem:$0x2E8] =	vst v0  }
0x2e: {  	[tilespmem:$0x2F8] =	vst v0  }
0x2f: {  	[tilespmem:$0x308] =	vst v0  }
0x30: {  	[tilespmem:$0x318] =	vst v0  }
0x31: {  	[tilespmem:$0x328] =	vst v0  }
0x32: {  	[tilespmem:$0x338] =	vst v0  }
0x33: {  	[tilespmem:$0x348] =	vst v0  }
0x34: {  	[tilespmem:$0x358] =	vst v0  }
0x35: {  	[tilespmem:$0x368] =	vst v0  }
0x36: {  	[tilespmem:$0x378] =	vst v0  }
0x37: {  	[tilespmem:$0x388] =	vst v0  }
0x38: {  	[tilespmem:$0x398] =	vst v0  }
0x39: {  	[tilespmem:$0x3A8] =	vst v0  }
0x3a: {  	[tilespmem:$0x3B8] =	vst v0  }
0x3b: {  	[tilespmem:$0x3C8] =	vst v0  }
0x3c: {  	[tilespmem:$0x3D8] =	vst v0  }
0x3d: {  	[tilespmem:$0x3E8] =	vst v0  }
0x3e: {  	[tilespmem:$0x3F8] =	vst v0  }
0x3f: {  	[tilespmem:$0x408] =	vst v0  }
0x40: {  	[tilespmem:$0x418] =	vst v0  }
0x41: {  	[tilespmem:$0x428] =	vst v0  }
0x42: {  	[tilespmem:$0x438] =	vst v0  }
0x43: {  	[tilespmem:$0x448] =	vst v0  }
0x44: {  	[tilespmem:$0x458] =	vst v0  }
0x45: {  	[tilespmem:$0x468] =	vst v0  }
0x46: {  	[tilespmem:$0x478] =	vst v0  }
0x47: {  	[tilespmem:$0x488] =	vst v0  }
0x48: {  	[tilespmem:$0x498] =	vst v0  }
0x49: {  	[tilespmem:$0x4A8] =	vst v0  }
0x4a: {  	[tilespmem:$0x4B8] =	vst v0  }
0x4b: {  	[tilespmem:$0x4C8] =	vst v0  }
0x4c: {  	[tilespmem:$0x4D8] =	vst v0  }
0x4d: {  	[tilespmem:$0x4E8] =	vst v0  }
0x4e: {  	[tilespmem:$0x4F8] =	vst v0  }
0x4f: {  	[tilespmem:$0x508] =	vst v0  }
0x50: {  	[tilespmem:$0x518] =	vst v0  }
0x51: {  	[tilespmem:$0x528] =	vst v0  }
0x52: {  	[tilespmem:$0x538] =	vst v0  }
0x53: {  	[tilespmem:$0x548] =	vst v0  }
0x54: {  	[tilespmem:$0x558] =	vst v0  }
0x55: {  	[tilespmem:$0x568] =	vst v0  }
0x56: {  	[tilespmem:$0x578] =	vst v0  }
0x57: {  	[tilespmem:$0x588] =	vst v0  }
0x58: {  	[tilespmem:$0x598] =	vst v0  }
0x59: {  	[tilespmem:$0x5A8] =	vst v0  }
0x5a: {  	[tilespmem:$0x5B8] =	vst v0  }
0x5b: {  	[tilespmem:$0x5C8] =	vst v0  }
0x5c: {  	[tilespmem:$0x5D8] =	vst v0  }
0x5d: {  	[tilespmem:$0x5E8] =	vst v0  }
0x5e: {  	[tilespmem:$0x5F8] =	vst v0  }
0x5f: {  	[tilespmem:$0x608] =	vst v0  }
0x60: {  	[tilespmem:$0x618] =	vst v0  }
0x61: {  	[tilespmem:$0x628] =	vst v0  }
0x62: {  	[tilespmem:$0x638] =	vst v0  }
0x63: {  	[tilespmem:$0x648] =	vst v0  }
0x64: {  	[tilespmem:$0x658] =	vst v0  }
0x65: {  	[tilespmem:$0x668] =	vst v0  }
0x66: {  	[tilespmem:$0x678] =	vst v0  }
0x67: {  	[tilespmem:$0x688] =	vst v0  }
0x68: {  	[tilespmem:$0x698] =	vst v0  }
0x69: {  	[tilespmem:$0x6A8] =	vst v0  }
0x6a: {  	[tilespmem:$0x6B8] =	vst v0  }
0x6b: {  	[tilespmem:$0x6C8] =	vst v0  }
0x6c: {  	[tilespmem:$0x6D8] =	vst v0  }
0x6d: {  	[tilespmem:$0x6E8] =	vst v0  }
0x6e: {  	[tilespmem:$0x6F8] =	vst v0  }
0x6f: {  	[tilespmem:$0x708] =	vst v0  }
0x70: {  	[tilespmem:$0x718] =	vst v0  }
0x71: {  	[tilespmem:$0x728] =	vst v0  }
0x72: {  	[tilespmem:$0x738] =	vst v0  }
0x73: {  	[tilespmem:$0x748] =	vst v0  }
0x74: {  	[tilespmem:$0x758] =	vst v0  }
0x75: {  	[tilespmem:$0x768] =	vst v0  }
0x76: {  	[tilespmem:$0x778] =	vst v0  }
0x77: {  	[tilespmem:$0x788] =	vst v0  }
0x78: {  	[tilespmem:$0x798] =	vst v0  }
0x79: {  	[tilespmem:$0x7A8] =	vst v0  }
0x7a: {  	[tilespmem:$0x7B8] =	vst v0  }
0x7b: {  	[tilespmem:$0x7C8] =	vst v0  }
0x7c: {  	[tilespmem:$0x7D8] =	vst v0  }
0x7d: {  	[tilespmem:$0x7E8] =	vst v0  }
0x7e: {  	[tilespmem:$0x7F8] =	vst v0  }
0x7f: {  	[tilespmem:$0x808] =	vst v0  }
0x80: {  	[tilespmem:$0x818] =	vst v0  }
0x81: {  	[tilespmem:$0x828] =	vst v0  }
0x82: {  	[tilespmem:$0x838] =	vst v0  }
0x83: {  	[tilespmem:$0x848] =	vst v0  }
0x84: {  	[tilespmem:$0x858] =	vst v0  }
0x85: {  	[tilespmem:$0x868] =	vst v0  }
0x86: {  	[tilespmem:$0x878] =	vst v0  }
0x87: {  	[tilespmem:$0x888] =	vst v0  }
0x88: {  	[tilespmem:$0x898] =	vst v0  }
0x89: {  	[tilespmem:$0x8A8] =	vst v0  }
0x8a: {  	[tilespmem:$0x8B8] =	vst v0  }
0x8b: {  	[tilespmem:$0x8C8] =	vst v0  }
0x8c: {  	[tilespmem:$0x8D8] =	vst v0  }
0x8d: {  	[tilespmem:$0x8E8] =	vst v0  }
0x8e: {  	[tilespmem:$0x8F8] =	vst v0  }
0x8f: {  	[tilespmem:$0x908] =	vst v0  }
0x90: {  	[tilespmem:$0x918] =	vst v0  }
0x91: {  	[tilespmem:$0x928] =	vst v0  }
0x92: {  	[tilespmem:$0x938] =	vst v0  }
0x93: {  	[tilespmem:$0x948] =	vst v0  }
0x94: {  	[tilespmem:$0x958] =	vst v0  }
0x95: {  	[tilespmem:$0x968] =	vst v0  }
0x96: {  	[tilespmem:$0x978] =	vst v0  }
0x97: {  	[tilespmem:$0x988] =	vst v0  }
0x98: {  	[tilespmem:$0x998] =	vst v0  }
0x99: {  	[tilespmem:$0x9A8] =	vst v0  }
0x9a: {  	[tilespmem:$0x9B8] =	vst v0  }
0x9b: {  	[tilespmem:$0x9C8] =	vst v0  }
0x9c: {  	[tilespmem:$0x9D8] =	vst v0  }
0x9d: {  	[tilespmem:$0x9E8] =	vst v0  }
0x9e: {  	[tilespmem:$0x9F8] =	vst v0  }
0x9f: {  	[tilespmem:$0xA08] =	vst v0  }
0xa0: {  	[tilespmem:$0xA18] =	vst v0  }
0xa1: {  	[tilespmem:$0xA28] =	vst v0  }
0xa2: {  	[tilespmem:$0xA38] =	vst v0  }
0xa3: {  	[tilespmem:$0xA48] =	vst v0  }
0xa4: {  	[tilespmem:$0xA58] =	vst v0  }
0xa5: {  	[tilespmem:$0xA68] =	vst v0  }
0xa6: {  	[tilespmem:$0xA78] =	vst v0  }
0xa7: {  	[tilespmem:$0xA88] =	vst v0  }
0xa8: {  	[tilespmem:$0xA98] =	vst v0  }
0xa9: {  	[tilespmem:$0xAA8] =	vst v0  }
0xaa: {  	[tilespmem:$0xAB8] =	vst v0  }
0xab: {  	[tilespmem:$0xAC8] =	vst v0  }
0xac: {  	[tilespmem:$0xAD8] =	vst v0  }
0xad: {  	[tilespmem:$0xAE8] =	vst v0  }
0xae: {  	[tilespmem:$0xAF8] =	vst v0  }
0xaf: {  	[tilespmem:$0xB08] =	vst v0  }
0xb0: {  	[tilespmem:$0xB18] =	vst v0  }
0xb1: {  	[tilespmem:$0xB28] =	vst v0  }
0xb2: {  	[tilespmem:$0xB38] =	vst v0  }
0xb3: {  	[tilespmem:$0xB48] =	vst v0  }
0xb4: {  	[tilespmem:$0xB58] =	vst v0  }
0xb5: {  	[tilespmem:$0xB68] =	vst v0  }
0xb6: {  	[tilespmem:$0xB78] =	vst v0  }
0xb7: {  	[tilespmem:$0xB88] =	vst v0  }
0xb8: {  	[tilespmem:$0xB98] =	vst v0  }
0xb9: {  	[tilespmem:$0xBA8] =	vst v0  }
0xba: {  	[tilespmem:$0xBB8] =	vst v0  }
0xbb: {  	[tilespmem:$0xBC8] =	vst v0  }
0xbc: {  	[tilespmem:$0xBD8] =	vst v0  }
0xbd: {  	[tilespmem:$0xBE8] =	vst v0  }
0xbe: {  	[tilespmem:$0xBF8] =	vst v0  }
0xbf: {  	[tilespmem:$0xC08] =	vst v0  }
0xc0: {  	[tilespmem:$0xC18] =	vst v0  }
0xc1: {  	[tilespmem:$0xC28] =	vst v0  }
0xc2: {  	[tilespmem:$0xC38] =	vst v0  }
0xc3: {  	[tilespmem:$0xC48] =	vst v0  }
0xc4: {  	[tilespmem:$0xC58] =	vst v0  }
0xc5: {  	[tilespmem:$0xC68] =	vst v0  }
0xc6: {  	[tilespmem:$0xC78] =	vst v0  }
0xc7: {  	[tilespmem:$0xC88] =	vst v0  }
0xc8: {  	[tilespmem:$0xC98] =	vst v0  }
0xc9: {  	[tilespmem:$0xCA8] =	vst v0  }
0xca: {  	[tilespmem:$0xCB8] =	vst v0  }
0xcb: {  	[tilespmem:$0xCC8] =	vst v0  }
0xcc: {  	[tilespmem:$0xCD8] =	vst v0  }
0xcd: {  	[tilespmem:$0xCE8] =	vst v0  }
0xce: {  	[tilespmem:$0xCF8] =	vst v0  }
0xcf: {  	[tilespmem:$0xD08] =	vst v0  }
0xd0: {  	[tilespmem:$0xD18] =	vst v0  }
0xd1: {  	[tilespmem:$0xD28] =	vst v0  }
0xd2: {  	[tilespmem:$0xD38] =	vst v0  }
0xd3: {  	[tilespmem:$0xD48] =	vst v0  }
0xd4: {  	[tilespmem:$0xD58] =	vst v0  }
0xd5: {  	[tilespmem:$0xD68] =	vst v0  }
0xd6: {  	[tilespmem:$0xD78] =	vst v0  }
0xd7: {  	[tilespmem:$0xD88] =	vst v0  }
0xd8: {  	[tilespmem:$0xD98] =	vst v0  }
0xd9: {  	[tilespmem:$0xDA8] =	vst v0  }
0xda: {  	[tilespmem:$0xDB8] =	vst v0  }
0xdb: {  	[tilespmem:$0xDC8] =	vst v0  }
0xdc: {  	[tilespmem:$0xDD8] =	vst v0  }
0xdd: {  	[tilespmem:$0xDE8] =	vst v0  }
0xde: {  	[tilespmem:$0xDF8] =	vst v0  }
0xdf: {  	[tilespmem:$0xE08] =	vst v0  }
0xe0: {  	[tilespmem:$0xE18] =	vst v0  }
0xe1: {  	[tilespmem:$0xE28] =	vst v0  }
0xe2: {  	[tilespmem:$0xE38] =	vst v0  }
0xe3: {  	[tilespmem:$0xE48] =	vst v0  }
0xe4: {  	[tilespmem:$0xE58] =	vst v0  }
0xe5: {  	[tilespmem:$0xE68] =	vst v0  }
0xe6: {  	[tilespmem:$0xE78] =	vst v0  }
0xe7: {  	[tilespmem:$0xE88] =	vst v0  }
0xe8: {  	[tilespmem:$0xE98] =	vst v0  }
0xe9: {  	[tilespmem:$0xEA8] =	vst v0  }
0xea: {  	[tilespmem:$0xEB8] =	vst v0  }
0xeb: {  	[tilespmem:$0xEC8] =	vst v0  }
0xec: {  	[tilespmem:$0xED8] =	vst v0  }
0xed: {  	[tilespmem:$0xEE8] =	vst v0  }
0xee: {  	[tilespmem:$0xEF8] =	vst v0  }
0xef: {  	[tilespmem:$0xF08] =	vst v0  }
0xf0: {  	[tilespmem:$0xF18] =	vst v0  }
0xf1: {  	[tilespmem:$0xF28] =	vst v0  }
0xf2: {  	[tilespmem:$0xF38] =	vst v0  }
0xf3: {  	[tilespmem:$0xF48] =	vst v0  }
0xf4: {  	[tilespmem:$0xF58] =	vst v0  }
0xf5: {  	[tilespmem:$0xF68] =	vst v0  }
0xf6: {  	[tilespmem:$0xF78] =	vst v0  }
0xf7: {  	[tilespmem:$0xF88] =	vst v0  }
0xf8: {  	[tilespmem:$0xF98] =	vst v0  }
0xf9: {  	[tilespmem:$0xFA8] =	vst v0  }
0xfa: {  	[tilespmem:$0xFB8] =	vst v0  }
0xfb: {  	[tilespmem:$0xFC8] =	vst v0  }
0xfc: {  	[tilespmem:$0xFD8] =	vst v0  }
0xfd: {  	[tilespmem:$0xFE8] =	vst v0  }
0xfe: {  	[tilespmem:$0xFF8] =	vst v0  }
0xff: {  	[tilespmem:$0x1008] =	vst v0  }
0x100: {  	[tilespmem:$0x1018] =	vst v0  }
0x101: {  	[tilespmem:$0x1028] =	vst v0  }
0x102: {  	[tilespmem:$0x1038] =	vst v0  }
0x103: {  	[tilespmem:$0x1048] =	vst v0  }
0x104: {  	[tilespmem:$0x1058] =	vst v0  }
0x105: {  	[tilespmem:$0x1068] =	vst v0  }
0x106: {  	[tilespmem:$0x1078] =	vst v0  }
0x107: {  	[tilespmem:$0x1088] =	vst v0  }
0x108: {  	[tilespmem:$0x1098] =	vst v0  }
0x109: {  	[tilespmem:$0x10A8] =	vst v0  }
0x10a: {  	[tilespmem:$0x10B8] =	vst v0  }
0x10b: {  	[tilespmem:$0x10C8] =	vst v0  }
0x10c: {  	[tilespmem:$0x10D8] =	vst v0  }
0x10d: {  	[tilespmem:$0x10E8] =	vst v0  }
0x10e: {  	[tilespmem:$0x10F8] =	vst v0  }
0x10f: {  	[tilespmem:$0x1108] =	vst v0  }
0x110: {  	[tilespmem:$0x1118] =	vst v0  }
0x111: {  	[tilespmem:$0x1128] =	vst v0  }
0x112: {  	[tilespmem:$0x1138] =	vst v0  }
0x113: {  	[tilespmem:$0x1148] =	vst v0  }
0x114: {  	[tilespmem:$0x1158] =	vst v0  }
0x115: {  	[tilespmem:$0x1168] =	vst v0  }
0x116: {  	[tilespmem:$0x1178] =	vst v0  }
0x117: {  	[tilespmem:$0x1188] =	vst v0  }
0x118: {  	[tilespmem:$0x1198] =	vst v0  }
0x119: {  	[tilespmem:$0x11A8] =	vst v0  }
0x11a: {  	[tilespmem:$0x11B8] =	vst v0  }
0x11b: {  	[tilespmem:$0x11C8] =	vst v0  }
0x11c: {  	[tilespmem:$0x11D8] =	vst v0  }
0x11d: {  	[tilespmem:$0x11E8] =	vst v0  }
0x11e: {  	[tilespmem:$0x11F8] =	vst v0  }
0x11f: {  	[tilespmem:$0x1208] =	vst v0  }
0x120: {  	[tilespmem:$0x1218] =	vst v0  }
0x121: {  	[tilespmem:$0x1228] =	vst v0  }
0x122: {  	[tilespmem:$0x1238] =	vst v0  }
0x123: {  	[tilespmem:$0x1248] =	vst v0  }
0x124: {  	[tilespmem:$0x1258] =	vst v0  }
0x125: {  	[tilespmem:$0x1268] =	vst v0  }
0x126: {  	[tilespmem:$0x1278] =	vst v0  }
0x127: {  	[tilespmem:$0x1288] =	vst v0  }
0x128: {  	[tilespmem:$0x1298] =	vst v0  }
0x129: {  	[tilespmem:$0x12A8] =	vst v0  }
0x12a: {  	[tilespmem:$0x12B8] =	vst v0  }
0x12b: {  	[tilespmem:$0x12C8] =	vst v0  }
0x12c: {  	[tilespmem:$0x12D8] =	vst v0  }
0x12d: {  	[tilespmem:$0x12E8] =	vst v0  }
0x12e: {  	[tilespmem:$0x12F8] =	vst v0  }
0x12f: {  	[tilespmem:$0x1308] =	vst v0  }
0x130: {  	[tilespmem:$0x1318] =	vst v0  }
0x131: {  	[tilespmem:$0x1328] =	vst v0  }
0x132: {  	[tilespmem:$0x1338] =	vst v0  }
0x133: {  	[tilespmem:$0x1348] =	vst v0  }
0x134: {  	[tilespmem:$0x1358] =	vst v0  }
0x135: {  	[tilespmem:$0x1368] =	vst v0  }
0x136: {  	[tilespmem:$0x1378] =	vst v0  }
0x137: {  	[tilespmem:$0x1388] =	vst v0  }
0x138: {  	[tilespmem:$0x1398] =	vst v0  }
0x139: {  	[tilespmem:$0x13A8] =	vst v0  }
0x13a: {  	[tilespmem:$0x13B8] =	vst v0  }
0x13b: {  	[tilespmem:$0x13C8] =	vst v0  }
0x13c: {  	[tilespmem:$0x13D8] =	vst v0  }
0x13d: {  	[tilespmem:$0x13E8] =	vst v0  }
0x13e: {  	[tilespmem:$0x13F8] =	vst v0  }
0x13f: {  	[tilespmem:$0x1408] =	vst v0  }
0x140: {  	[tilespmem:$0x1418] =	vst v0  }
0x141: {  	[tilespmem:$0x1428] =	vst v0  }
0x142: {  	[tilespmem:$0x1438] =	vst v0  }
0x143: {  	[tilespmem:$0x1448] =	vst v0  }
0x144: {  	[tilespmem:$0x1458] =	vst v0  }
0x145: {  	[tilespmem:$0x1468] =	vst v0  }
0x146: {  	[tilespmem:$0x1478] =	vst v0  }
0x147: {  	[tilespmem:$0x1488] =	vst v0  }
0x148: {  	[tilespmem:$0x1498] =	vst v0  }
0x149: {  	[tilespmem:$0x14A8] =	vst v0  }
0x14a: {  	[tilespmem:$0x14B8] =	vst v0  }
0x14b: {  	[tilespmem:$0x14C8] =	vst v0  }
0x14c: {  	[tilespmem:$0x14D8] =	vst v0  }
0x14d: {  	[tilespmem:$0x14E8] =	vst v0  }
0x14e: {  	[tilespmem:$0x14F8] =	vst v0  }
0x14f: {  	[tilespmem:$0x1508] =	vst v0  }
0x150: {  	[tilespmem:$0x1518] =	vst v0  }
0x151: {  	[tilespmem:$0x1528] =	vst v0  }
0x152: {  	[tilespmem:$0x1538] =	vst v0  }
0x153: {  	[tilespmem:$0x1548] =	vst v0  }
0x154: {  	[tilespmem:$0x1558] =	vst v0  }
0x155: {  	[tilespmem:$0x1568] =	vst v0  }
0x156: {  	[tilespmem:$0x1578] =	vst v0  }
0x157: {  	[tilespmem:$0x1588] =	vst v0  }
0x158: {  	[tilespmem:$0x1598] =	vst v0  }
0x159: {  	[tilespmem:$0x15A8] =	vst v0  }
0x15a: {  	[tilespmem:$0x15B8] =	vst v0  }
0x15b: {  	[tilespmem:$0x15C8] =	vst v0  }
0x15c: {  	[tilespmem:$0x15D8] =	vst v0  }
0x15d: {  	[tilespmem:$0x15E8] =	vst v0  }
0x15e: {  	[tilespmem:$0x15F8] =	vst v0  }
0x15f: {  	[tilespmem:$0x1608] =	vst v0  }
0x160: {  	[tilespmem:$0x1618] =	vst v0  }
0x161: {  	[tilespmem:$0x1628] =	vst v0  }
0x162: {  	[tilespmem:$0x1638] =	vst v0  }
0x163: {  	[tilespmem:$0x1648] =	vst v0  }
0x164: {  	[tilespmem:$0x1658] =	vst v0  }
0x165: {  	[tilespmem:$0x1668] =	vst v0  }
0x166: {  	[tilespmem:$0x1678] =	vst v0  }
0x167: {  	[tilespmem:$0x1688] =	vst v0  }
0x168: {  	[tilespmem:$0x1698] =	vst v0  }
0x169: {  	[tilespmem:$0x16A8] =	vst v0  }
0x16a: {  	[tilespmem:$0x16B8] =	vst v0  }
0x16b: {  	[tilespmem:$0x16C8] =	vst v0  }
0x16c: {  	[tilespmem:$0x16D8] =	vst v0  }
0x16d: {  	[tilespmem:$0x16E8] =	vst v0  }
0x16e: {  	[tilespmem:$0x16F8] =	vst v0  }
0x16f: {  	[tilespmem:$0x1708] =	vst v0  }
0x170: {  	[tilespmem:$0x1718] =	vst v0  }
0x171: {  	[tilespmem:$0x1728] =	vst v0  }
0x172: {  	[tilespmem:$0x1738] =	vst v0  }
0x173: {  	[tilespmem:$0x1748] =	vst v0  }
0x174: {  	[tilespmem:$0x1758] =	vst v0  }
0x175: {  	[tilespmem:$0x1768] =	vst v0  }
0x176: {  	[tilespmem:$0x1778] =	vst v0  }
0x177: {  	[tilespmem:$0x1788] =	vst v0  }
0x178: {  	[tilespmem:$0x1798] =	vst v0  }
0x179: {  	[tilespmem:$0x17A8] =	vst v0  }
0x17a: {  	[tilespmem:$0x17B8] =	vst v0  }
0x17b: {  	[tilespmem:$0x17C8] =	vst v0  }
0x17c: {  	[tilespmem:$0x17D8] =	vst v0  }
0x17d: {  	[tilespmem:$0x17E8] =	vst v0  }
0x17e: {  	[tilespmem:$0x17F8] =	vst v0  }
0x17f: {  	[tilespmem:$0x1808] =	vst v0  }
0x180: {  	[tilespmem:$0x1818] =	vst v0  }
0x181: {  	[tilespmem:$0x1828] =	vst v0  }
0x182: {  	[tilespmem:$0x1838] =	vst v0  }
0x183: {  	[tilespmem:$0x1848] =	vst v0  }
0x184: {  	[tilespmem:$0x1858] =	vst v0  }
0x185: {  	[tilespmem:$0x1868] =	vst v0  }
0x186: {  	[tilespmem:$0x1878] =	vst v0  }
0x187: {  	[tilespmem:$0x1888] =	vst v0  }
0x188: {  	[tilespmem:$0x1898] =	vst v0  }
0x189: {  	[tilespmem:$0x18A8] =	vst v0  }
0x18a: {  	[tilespmem:$0x18B8] =	vst v0  }
0x18b: {  	[tilespmem:$0x18C8] =	vst v0  }
0x18c: {  	[tilespmem:$0x18D8] =	vst v0  }
0x18d: {  	[tilespmem:$0x18E8] =	vst v0  }
0x18e: {  	[tilespmem:$0x18F8] =	vst v0  }
0x18f: {  	[tilespmem:$0x1908] =	vst v0  }
0x190: {  	[tilespmem:$0x1918] =	vst v0  }
0x191: {  	[tilespmem:$0x1928] =	vst v0  }
0x192: {  	[tilespmem:$0x1938] =	vst v0  }
0x193: {  	[tilespmem:$0x1948] =	vst v0  }
0x194: {  	[tilespmem:$0x1958] =	vst v0  }
0x195: {  	[tilespmem:$0x1968] =	vst v0  }
0x196: {  	[tilespmem:$0x1978] =	vst v0  }
0x197: {  	[tilespmem:$0x1988] =	vst v0  }
0x198: {  	[tilespmem:$0x1998] =	vst v0  }
0x199: {  	[tilespmem:$0x19A8] =	vst v0  }
0x19a: {  	[tilespmem:$0x19B8] =	vst v0  }
0x19b: {  	[tilespmem:$0x19C8] =	vst v0  }
0x19c: {  	[tilespmem:$0x19D8] =	vst v0  }
0x19d: {  	[tilespmem:$0x19E8] =	vst v0  }
0x19e: {  	[tilespmem:$0x19F8] =	vst v0  }
0x19f: {  	[tilespmem:$0x1A08] =	vst v0  }
0x1a0: {  	[tilespmem:$0x1A18] =	vst v0  }
0x1a1: {  	[tilespmem:$0x1A28] =	vst v0  }
0x1a2: {  	[tilespmem:$0x1A38] =	vst v0  }
0x1a3: {  	[tilespmem:$0x1A48] =	vst v0  }
0x1a4: {  	[tilespmem:$0x1A58] =	vst v0  }
0x1a5: {  	[tilespmem:$0x1A68] =	vst v0  }
0x1a6: {  	[tilespmem:$0x1A78] =	vst v0  }
0x1a7: {  	[tilespmem:$0x1A88] =	vst v0  }
0x1a8: {  	[tilespmem:$0x1A98] =	vst v0  }
0x1a9: {  	[tilespmem:$0x1AA8] =	vst v0  }
0x1aa: {  	[tilespmem:$0x1AB8] =	vst v0  }
0x1ab: {  	[tilespmem:$0x1AC8] =	vst v0  }
0x1ac: {  	[tilespmem:$0x1AD8] =	vst v0  }
0x1ad: {  	[tilespmem:$0x1AE8] =	vst v0  }
0x1ae: {  	[tilespmem:$0x1AF8] =	vst v0  }
0x1af: {  	[tilespmem:$0x1B08] =	vst v0  }
0x1b0: {  	[tilespmem:$0x1B18] =	vst v0  }
0x1b1: {  	[tilespmem:$0x1B28] =	vst v0  }
0x1b2: {  	[tilespmem:$0x1B38] =	vst v0  }
0x1b3: {  	[tilespmem:$0x1B48] =	vst v0  }
0x1b4: {  	[tilespmem:$0x1B58] =	vst v0  }
0x1b5: {  	[tilespmem:$0x1B68] =	vst v0  }
0x1b6: {  	[tilespmem:$0x1B78] =	vst v0  }
0x1b7: {  	[tilespmem:$0x1B88] =	vst v0  }
0x1b8: {  	[tilespmem:$0x1B98] =	vst v0  }
0x1b9: {  	[tilespmem:$0x1BA8] =	vst v0  }
0x1ba: {  	[tilespmem:$0x1BB8] =	vst v0  }
0x1bb: {  	[tilespmem:$0x1BC8] =	vst v0  }
0x1bc: {  	[tilespmem:$0x1BD8] =	vst v0  }
0x1bd: {  	[tilespmem:$0x1BE8] =	vst v0  }
0x1be: {  	[tilespmem:$0x1BF8] =	vst v0  }
0x1bf: {  	[tilespmem:$0x1C08] =	vst v0  }
0x1c0: {  	[tilespmem:$0x1C18] =	vst v0  }
0x1c1: {  	[tilespmem:$0x1C28] =	vst v0  }
0x1c2: {  	[tilespmem:$0x1C38] =	vst v0  }
0x1c3: {  	[tilespmem:$0x1C48] =	vst v0  }
0x1c4: {  	[tilespmem:$0x1C58] =	vst v0  }
0x1c5: {  	[tilespmem:$0x1C68] =	vst v0  }
0x1c6: {  	[tilespmem:$0x1C78] =	vst v0  }
0x1c7: {  	[tilespmem:$0x1C88] =	vst v0  }
0x1c8: {  	[tilespmem:$0x1C98] =	vst v0  }
0x1c9: {  	[tilespmem:$0x1CA8] =	vst v0  }
0x1ca: {  	[tilespmem:$0x1CB8] =	vst v0  }
0x1cb: {  	[tilespmem:$0x1CC8] =	vst v0  }
0x1cc: {  	[tilespmem:$0x1CD8] =	vst v0  }
0x1cd: {  	[tilespmem:$0x1CE8] =	vst v0  }
0x1ce: {  	[tilespmem:$0x1CF8] =	vst v0  }
0x1cf: {  	[tilespmem:$0x1D08] =	vst v0  }
0x1d0: {  	[tilespmem:$0x1D18] =	vst v0  }
0x1d1: {  	[tilespmem:$0x1D28] =	vst v0  }
0x1d2: {  	[tilespmem:$0x1D38] =	vst v0  }
0x1d3: {  	[tilespmem:$0x1D48] =	vst v0  }
0x1d4: {  	[tilespmem:$0x1D58] =	vst v0  }
0x1d5: {  	[tilespmem:$0x1D68] =	vst v0  }
0x1d6: {  	[tilespmem:$0x1D78] =	vst v0  }
0x1d7: {  	[tilespmem:$0x1D88] =	vst v0  }
0x1d8: {  	[tilespmem:$0x1D98] =	vst v0  }
0x1d9: {  	[tilespmem:$0x1DA8] =	vst v0  }
0x1da: {  	[tilespmem:$0x1DB8] =	vst v0  }
0x1db: {  	[tilespmem:$0x1DC8] =	vst v0  }
0x1dc: {  	[tilespmem:$0x1DD8] =	vst v0  }
0x1dd: {  	[tilespmem:$0x1DE8] =	vst v0  }
0x1de: {  	[tilespmem:$0x1DF8] =	vst v0  }
0x1df: {  	[tilespmem:$0x1E08] =	vst v0  }
0x1e0: {  	[tilespmem:$0x1E18] =	vst v0  }
0x1e1: {  	[tilespmem:$0x1E28] =	vst v0  }
0x1e2: {  	[tilespmem:$0x1E38] =	vst v0  }
0x1e3: {  	[tilespmem:$0x1E48] =	vst v0  }
0x1e4: {  	[tilespmem:$0x1E58] =	vst v0  }
0x1e5: {  	[tilespmem:$0x1E68] =	vst v0  }
0x1e6: {  	[tilespmem:$0x1E78] =	vst v0  }
0x1e7: {  	[tilespmem:$0x1E88] =	vst v0  }
0x1e8: {  	[tilespmem:$0x1E98] =	vst v0  }
0x1e9: {  	[tilespmem:$0x1EA8] =	vst v0  }
0x1ea: {  	[tilespmem:$0x1EB8] =	vst v0  }
0x1eb: {  	[tilespmem:$0x1EC8] =	vst v0  }
0x1ec: {  	[tilespmem:$0x1ED8] =	vst v0  }
0x1ed: {  	[tilespmem:$0x1EE8] =	vst v0  }
0x1ee: {  	[tilespmem:$0x1EF8] =	vst v0  }
0x1ef: {  	[tilespmem:$0x1F08] =	vst v0  }
0x1f0: {  	[tilespmem:$0x1F18] =	vst v0  }
0x1f1: {  	[tilespmem:$0x1F28] =	vst v0  }
0x1f2: {  	[tilespmem:$0x1F38] =	vst v0  }
0x1f3: {  	[tilespmem:$0x1F48] =	vst v0  }
0x1f4: {  	[tilespmem:$0x1F58] =	vst v0  }
0x1f5: {  	[tilespmem:$0x1F68] =	vst v0  }
0x1f6: {  	[tilespmem:$0x1F78] =	vst v0  }
0x1f7: {  	[tilespmem:$0x1F88] =	vst v0  }
0x1f8: {  	[tilespmem:$0x1F98] =	vst v0  }
0x1f9: {  	[tilespmem:$0x1FA8] =	vst v0  }
0x1fa: {  	[tilespmem:$0x1FB8] =	vst v0  }
0x1fb: {  	[tilespmem:$0x1FC8] =	vst v0  }
0x1fc: {  	[tilespmem:$0x1FD8] =	vst v0  }
0x1fd: {  	[tilespmem:$0x1FE8] =	vst v0  }
0x1fe: {  	[tilespmem:$0x1FF8] =	vst v0  }
0x1ff: {  	[tilespmem:$0x2008] =	vst v0  }
0x200: {  	[tilespmem:$0x2018] =	vst v0  }
0x201: {  	[tilespmem:$0x2028] =	vst v0  }
0x202: {  	[tilespmem:$0x2038] =	vst v0  }
0x203: {  	[tilespmem:$0x2048] =	vst v0  }
0x204: {  	[tilespmem:$0x2058] =	vst v0  }
0x205: {  	[tilespmem:$0x2068] =	vst v0  }
0x206: {  	[tilespmem:$0x2078] =	vst v0  }
0x207: {  	[tilespmem:$0x2088] =	vst v0  }
0x208: {  	[tilespmem:$0x2098] =	vst v0  }
0x209: {  	[tilespmem:$0x20A8] =	vst v0  }
0x20a: {  	[tilespmem:$0x20B8] =	vst v0  }
0x20b: {  	[tilespmem:$0x20C8] =	vst v0  }
0x20c: {  	[tilespmem:$0x20D8] =	vst v0  }
0x20d: {  	[tilespmem:$0x20E8] =	vst v0  }
0x20e: {  	[tilespmem:$0x20F8] =	vst v0  }
0x20f: {  	[tilespmem:$0x2108] =	vst v0  }
0x210: {  	[tilespmem:$0x2118] =	vst v0  }
0x211: {  	[tilespmem:$0x2128] =	vst v0  }
0x212: {  	[tilespmem:$0x2138] =	vst v0  }
0x213: {  	[tilespmem:$0x2148] =	vst v0  }
0x214: {  	[tilespmem:$0x2158] =	vst v0  }
0x215: {  	[tilespmem:$0x2168] =	vst v0  }
0x216: {  	[tilespmem:$0x2228] =	vst v0  }
0x217: {  	[tilespmem:$0x3058] =	vst v0  }
0x218: {  	[tilespmem:$0x3048] =	vst v0  }
0x219: {  	[tilespmem:$0x3038] =	vst v0  }
0x21a: {  	[tilespmem:$0x3028] =	vst v0  }
0x21b: {  	[tilespmem:$0x3018] =	vst v0  }
0x21c: {  	[tilespmem:$0x3008] =	vst v0  }
0x21d: {  	[tilespmem:$0x2FF8] =	vst v0  }
0x21e: {  	[tilespmem:$0x2FE8] =	vst v0  }
0x21f: {  	[tilespmem:$0x2FD8] =	vst v0  }
0x220: {  	[tilespmem:$0x2FC8] =	vst v0  }
0x221: {  	[tilespmem:$0x2FB8] =	vst v0  }
0x222: {  	[tilespmem:$0x2FA8] =	vst v0  }
0x223: {  	[tilespmem:$0x2F98] =	vst v0  }
0x224: {  	[tilespmem:$0x2F88] =	vst v0  }
0x225: {  	[tilespmem:$0x2F78] =	vst v0  }
0x226: {  	[tilespmem:$0x2F68] =	vst v0  }
0x227: {  	[tilespmem:$0x2F58] =	vst v0  }
0x228: {  	[tilespmem:$0x2F48] =	vst v0  }
0x229: {  	[tilespmem:$0x2F38] =	vst v0  }
0x22a: {  	[tilespmem:$0x2F28] =	vst v0  }
0x22b: {  	[tilespmem:$0x2F18] =	vst v0  }
0x22c: {  	[tilespmem:$0x2F08] =	vst v0  }
0x22d: {  	[tilespmem:$0x2EF8] =	vst v0  }
0x22e: {  	[tilespmem:$0x2EE8] =	vst v0  }
0x22f: {  	[tilespmem:$0x2ED8] =	vst v0  }
0x230: {  	[tilespmem:$0x2EC8] =	vst v0  }
0x231: {  	[tilespmem:$0x2EB8] =	vst v0  }
0x232: {  	[tilespmem:$0x2EA8] =	vst v0  }
0x233: {  	[tilespmem:$0x2E98] =	vst v0  }
0x234: {  	[tilespmem:$0x2E88] =	vst v0  }
0x235: {  	[tilespmem:$0x2E78] =	vst v0  }
0x236: {  	[tilespmem:$0x2E68] =	vst v0  }
0x237: {  	[tilespmem:$0x2E58] =	vst v0  }
0x238: {  	[tilespmem:$0x2E48] =	vst v0  }
0x239: {  	[tilespmem:$0x2E38] =	vst v0  }
0x23a: {  	[tilespmem:$0x2E28] =	vst v0  }
0x23b: {  	[tilespmem:$0x2E18] =	vst v0  }
0x23c: {  	[tilespmem:$0x2E08] =	vst v0  }
0x23d: {  	[tilespmem:$0x2DF8] =	vst v0  }
0x23e: {  	[tilespmem:$0x2DE8] =	vst v0  }
0x23f: {  	[tilespmem:$0x2DD8] =	vst v0  }
0x240: {  	[tilespmem:$0x2DC8] =	vst v0  }
0x241: {  	[tilespmem:$0x2DB8] =	vst v0  }
0x242: {  	[tilespmem:$0x2DA8] =	vst v0  }
0x243: {  	[tilespmem:$0x2D98] =	vst v0  }
0x244: {  	[tilespmem:$0x2D88] =	vst v0  }
0x245: {  	[tilespmem:$0x2D78] =	vst v0  }
0x246: {  	[tilespmem:$0x2D68] =	vst v0  }
0x247: {  	[tilespmem:$0x2D58] =	vst v0  }
0x248: {  	[tilespmem:$0x2D48] =	vst v0  }
0x249: {  	[tilespmem:$0x2D38] =	vst v0  }
0x24a: {  	[tilespmem:$0x2D28] =	vst v0  }
0x24b: {  	[tilespmem:$0x2D18] =	vst v0  }
0x24c: {  	[tilespmem:$0x2D08] =	vst v0  }
0x24d: {  	[tilespmem:$0x2CF8] =	vst v0  }
0x24e: {  	[tilespmem:$0x2CE8] =	vst v0  }
0x24f: {  	[tilespmem:$0x2CD8] =	vst v0  }
0x250: {  	[tilespmem:$0x2CC8] =	vst v0  }
0x251: {  	[tilespmem:$0x2CB8] =	vst v0  }
0x252: {  	[tilespmem:$0x2CA8] =	vst v0  }
0x253: {  	[tilespmem:$0x2C98] =	vst v0  }
0x254: {  	[tilespmem:$0x2C88] =	vst v0  }
0x255: {  	[tilespmem:$0x2C78] =	vst v0  }
0x256: {  	[tilespmem:$0x2C68] =	vst v0  }
0x257: {  	[tilespmem:$0x2C58] =	vst v0  }
0x258: {  	[tilespmem:$0x2C48] =	vst v0  }
0x259: {  	[tilespmem:$0x2C38] =	vst v0  }
0x25a: {  	[tilespmem:$0x2C28] =	vst v0  }
0x25b: {  	[tilespmem:$0x2C18] =	vst v0  }
0x25c: {  	[tilespmem:$0x2C08] =	vst v0  }
0x25d: {  	[tilespmem:$0x2BF8] =	vst v0  }
0x25e: {  	[tilespmem:$0x2BE8] =	vst v0  }
0x25f: {  	[tilespmem:$0x2BD8] =	vst v0  }
0x260: {  	[tilespmem:$0x2BC8] =	vst v0  }
0x261: {  	[tilespmem:$0x2BB8] =	vst v0  }
0x262: {  	[tilespmem:$0x2BA8] =	vst v0  }
0x263: {  	[tilespmem:$0x2B98] =	vst v0  }
0x264: {  	[tilespmem:$0x2B88] =	vst v0  }
0x265: {  	[tilespmem:$0x2B78] =	vst v0  }
0x266: {  	[tilespmem:$0x2B68] =	vst v0  }
0x267: {  	[tilespmem:$0x2B58] =	vst v0  }
0x268: {  	[tilespmem:$0x2B48] =	vst v0  }
0x269: {  	[tilespmem:$0x2B38] =	vst v0  }
0x26a: {  	[tilespmem:$0x2B28] =	vst v0  }
0x26b: {  	[tilespmem:$0x2B18] =	vst v0  }
0x26c: {  	[tilespmem:$0x2B08] =	vst v0  }
0x26d: {  	[tilespmem:$0x2AF8] =	vst v0  }
0x26e: {  	[tilespmem:$0x2AE8] =	vst v0  }
0x26f: {  	[tilespmem:$0x2AD8] =	vst v0  }
0x270: {  	[tilespmem:$0x2AC8] =	vst v0  }
0x271: {  	[tilespmem:$0x2AB8] =	vst v0  }
0x272: {  	[tilespmem:$0x2AA8] =	vst v0  }
0x273: {  	[tilespmem:$0x2A98] =	vst v0  }
0x274: {  	[tilespmem:$0x2A88] =	vst v0  }
0x275: {  	[tilespmem:$0x2A78] =	vst v0  }
0x276: {  	[tilespmem:$0x2A68] =	vst v0  }
0x277: {  	[tilespmem:$0x2A58] =	vst v0  }
0x278: {  	[tilespmem:$0x2A48] =	vst v0  }
0x279: {  	[tilespmem:$0x2A38] =	vst v0  }
0x27a: {  	[tilespmem:$0x2A28] =	vst v0  }
0x27b: {  	[tilespmem:$0x2A18] =	vst v0  }
0x27c: {  	[tilespmem:$0x2A08] =	vst v0  }
0x27d: {  	[tilespmem:$0x29F8] =	vst v0  }
0x27e: {  	[tilespmem:$0x29E8] =	vst v0  }
0x27f: {  	[tilespmem:$0x29D8] =	vst v0  }
0x280: {  	[tilespmem:$0x29C8] =	vst v0  }
0x281: {  	[tilespmem:$0x29B8] =	vst v0  }
0x282: {  	[tilespmem:$0x29A8] =	vst v0  }
0x283: {  	[tilespmem:$0x2998] =	vst v0  }
0x284: {  	[tilespmem:$0x2988] =	vst v0  }
0x285: {  	[tilespmem:$0x2978] =	vst v0  }
0x286: {  	[tilespmem:$0x2968] =	vst v0  }
0x287: {  	[tilespmem:$0x2958] =	vst v0  }
0x288: {  	[tilespmem:$0x2948] =	vst v0  }
0x289: {  	[tilespmem:$0x2938] =	vst v0  }
0x28a: {  	[tilespmem:$0x2928] =	vst v0  }
0x28b: {  	[tilespmem:$0x2918] =	vst v0  }
0x28c: {  	[tilespmem:$0x2908] =	vst v0  }
0x28d: {  	[tilespmem:$0x28F8] =	vst v0  }
0x28e: {  	[tilespmem:$0x28E8] =	vst v0  }
0x28f: {  	[tilespmem:$0x28D8] =	vst v0  }
0x290: {  	[tilespmem:$0x28C8] =	vst v0  }
0x291: {  	[tilespmem:$0x28B8] =	vst v0  }
0x292: {  	[tilespmem:$0x28A8] =	vst v0  }
0x293: {  	[tilespmem:$0x2898] =	vst v0  }
0x294: {  	[tilespmem:$0x2888] =	vst v0  }
0x295: {  	[tilespmem:$0x2878] =	vst v0  }
0x296: {  	[tilespmem:$0x2868] =	vst v0  }
0x297: {  	[tilespmem:$0x2858] =	vst v0  }
0x298: {  	[tilespmem:$0x2848] =	vst v0  }
0x299: {  	[tilespmem:$0x2838] =	vst v0  }
0x29a: {  	[tilespmem:$0x2828] =	vst v0  }
0x29b: {  	[tilespmem:$0x2818] =	vst v0  }
0x29c: {  	[tilespmem:$0x2808] =	vst v0  }
0x29d: {  	[tilespmem:$0x27F8] =	vst v0  }
0x29e: {  	[tilespmem:$0x27E8] =	vst v0  }
0x29f: {  	[tilespmem:$0x27D8] =	vst v0  }
0x2a0: {  	[tilespmem:$0x27C8] =	vst v0  }
0x2a1: {  	[tilespmem:$0x27B8] =	vst v0  }
0x2a2: {  	[tilespmem:$0x27A8] =	vst v0  }
0x2a3: {  	[tilespmem:$0x2798] =	vst v0  }
0x2a4: {  	[tilespmem:$0x2788] =	vst v0  }
0x2a5: {  	[tilespmem:$0x2778] =	vst v0  }
0x2a6: {  	[tilespmem:$0x2768] =	vst v0  }
0x2a7: {  	[tilespmem:$0x2758] =	vst v0  }
0x2a8: {  	[tilespmem:$0x2748] =	vst v0  }
0x2a9: {  	[tilespmem:$0x2738] =	vst v0  }
0x2aa: {  	[tilespmem:$0x2728] =	vst v0  }
0x2ab: {  	[tilespmem:$0x2718] =	vst v0  }
0x2ac: {  	[tilespmem:$0x2708] =	vst v0  }
0x2ad: {  	[tilespmem:$0x26F8] =	vst v0  }
0x2ae: {  	[tilespmem:$0x26E8] =	vst v0  }
0x2af: {  	[tilespmem:$0x26D8] =	vst v0  }
0x2b0: {  	[tilespmem:$0x26C8] =	vst v0  }
0x2b1: {  	[tilespmem:$0x26B8] =	vst v0  }
0x2b2: {  	[tilespmem:$0x26A8] =	vst v0  }
0x2b3: {  	[tilespmem:$0x2698] =	vst v0  }
0x2b4: {  	[tilespmem:$0x2688] =	vst v0  }
0x2b5: {  	[tilespmem:$0x2678] =	vst v0  }
0x2b6: {  	[tilespmem:$0x2668] =	vst v0  }
0x2b7: {  	[tilespmem:$0x2658] =	vst v0  }
0x2b8: {  	[tilespmem:$0x2648] =	vst v0  }
0x2b9: {  	[tilespmem:$0x2638] =	vst v0  }
0x2ba: {  	[tilespmem:$0x2628] =	vst v0  }
0x2bb: {  	[tilespmem:$0x2618] =	vst v0  }
0x2bc: {  	[tilespmem:$0x2608] =	vst v0  }
0x2bd: {  	[tilespmem:$0x25F8] =	vst v0  }
0x2be: {  	[tilespmem:$0x25E8] =	vst v0  }
0x2bf: {  	[tilespmem:$0x25D8] =	vst v0  }
0x2c0: {  	[tilespmem:$0x25C8] =	vst v0  }
0x2c1: {  	[tilespmem:$0x25B8] =	vst v0  }
0x2c2: {  	[tilespmem:$0x25A8] =	vst v0  }
0x2c3: {  	[tilespmem:$0x2598] =	vst v0  }
0x2c4: {  	[tilespmem:$0x2588] =	vst v0  }
0x2c5: {  	[tilespmem:$0x2578] =	vst v0  }
0x2c6: {  	[tilespmem:$0x2568] =	vst v0  }
0x2c7: {  	[tilespmem:$0x2558] =	vst v0  }
0x2c8: {  	[tilespmem:$0x2548] =	vst v0  }
0x2c9: {  	[tilespmem:$0x2538] =	vst v0  }
0x2ca: {  	[tilespmem:$0x2528] =	vst v0  }
0x2cb: {  	[tilespmem:$0x2518] =	vst v0  }
0x2cc: {  	[tilespmem:$0x2508] =	vst v0  }
0x2cd: {  	[tilespmem:$0x24F8] =	vst v0  }
0x2ce: {  	[tilespmem:$0x24E8] =	vst v0  }
0x2cf: {  	[tilespmem:$0x24D8] =	vst v0  }
0x2d0: {  	[tilespmem:$0x24C8] =	vst v0  }
0x2d1: {  	[tilespmem:$0x24B8] =	vst v0  }
0x2d2: {  	[tilespmem:$0x24A8] =	vst v0  }
0x2d3: {  	[tilespmem:$0x2498] =	vst v0  }
0x2d4: {  	[tilespmem:$0x2488] =	vst v0  }
0x2d5: {  	[tilespmem:$0x2478] =	vst v0  }
0x2d6: {  	[tilespmem:$0x2468] =	vst v0  }
0x2d7: {  	[tilespmem:$0x2458] =	vst v0  }
0x2d8: {  	[tilespmem:$0x2448] =	vst v0  }
0x2d9: {  	[tilespmem:$0x2438] =	vst v0  }
0x2da: {  	[tilespmem:$0x2428] =	vst v0  }
0x2db: {  	[tilespmem:$0x2418] =	vst v0  }
0x2dc: {  	[tilespmem:$0x2408] =	vst v0  }
0x2dd: {  	[tilespmem:$0x23F8] =	vst v0  }
0x2de: {  	[tilespmem:$0x23E8] =	vst v0  }
0x2df: {  	[tilespmem:$0x23D8] =	vst v0  }
0x2e0: {  	[tilespmem:$0x23C8] =	vst v0  }
0x2e1: {  	[tilespmem:$0x23B8] =	vst v0  }
0x2e2: {  	[tilespmem:$0x23A8] =	vst v0  }
0x2e3: {  	[tilespmem:$0x2398] =	vst v0  }
0x2e4: {  	[tilespmem:$0x2388] =	vst v0  }
0x2e5: {  	[tilespmem:$0x2378] =	vst v0  }
0x2e6: {  	[tilespmem:$0x2368] =	vst v0  }
0x2e7: {  	[tilespmem:$0x2358] =	vst v0  }
0x2e8: {  	[tilespmem:$0x2348] =	vst v0  }
0x2e9: {  	[tilespmem:$0x2338] =	vst v0  }
0x2ea: {  	[tilespmem:$0x2328] =	vst v0  }
0x2eb: {  	[tilespmem:$0x2318] =	vst v0  }
0x2ec: {  	[tilespmem:$0x2308] =	vst v0  }
0x2ed: {  	[tilespmem:$0x22F8] =	vst v0  }
0x2ee: {  	[tilespmem:$0x22E8] =	vst v0  }
0x2ef: {  	[tilespmem:$0x22D8] =	vst v0  }
0x2f0: {  	[tilespmem:$0x22C8] =	vst v0  }
0x2f1: {  	[tilespmem:$0x22B8] =	vst v0  }
0x2f2: {  	[tilespmem:$0x22A8] =	vst v0  }
0x2f3: {  	[tilespmem:$0x2298] =	vst v0  }
0x2f4: {  	[tilespmem:$0x2288] =	vst v0  }
0x2f5: {  	s7 =	stileid.u32;
	[tilespmem:$0x2278] =	vst v0  }
0x2f6: {  	s0 =	smul.u32 $0x35, s7;
	[tilespmem:$0x2268] =	vst v0  }
0x2f7: {  	s3 =	smin.u32 s7, $0xC;
	[tilespmem:$0x2258] =	vst v0  }
0x2f8: {  	[tilespmem:$0x2248] =	vst v0;
	s0 =	sadd.s32 s3, s0  }
0x2f9: {  	p0 =	slt.u32 s7, $0xC;
	[tilespmem:$0x2238] =	vst v0;
	s3 =	simm.s32 $0x5100;
	s4 =	smul.u32 $0x180, s0  }
0x2fa: {  	s3 =	simm.s32 @!p0 $0x4F80;
	[tilespmem:$0x2208] =	vst v0  }
0x2fb: {  	[tilespmem:$0x2218] =	vst v0;
	s0 =	sadd.s32 s3, s4  }
0x2fc: {  	[tilespmem:$0x21F8] =	vst v0;
	s5 =	smin.u32 s0, $0x50910  }
0x2fd: {  	[tilespmem:$0x2188] =	vst v0;
	s0 =	ssub.s32 s5, s4  }
0x2fe: {  	[tilespmem:$0x21E8] =	vst v0;
	p0 =	sgt.s32 s0, $0x0  }
0x2ff: {  	s6 =	simm.s32 $0x2;
	s10 =	simm.s32 $0x7;
	[tilespmem:$0x21D8] =	vst v0;
	s0 =	simm.s32 @!p0 $0x0  }
0x300: {  	s31 =	simm.s32 $0x8;
	s15 =	simm.s32 $0x0;
	[tilespmem:$0x21C8] =	vst v0;
	s29 =	smulhi.u32 $0x2AAAAAAB, s0  }
0x301: {  	p1 =	por $0x0, $0x0;
	s16 =	simm.s32 $0xA;
	s20 =	simm.s32 $0x0;
	[tilespmem:$0x21B8] =	vst v0  }
0x302: {  	s17 =	simm.s32 $0x0;
	s19 =	simm.s32 $0x0;
	[tilespmem:$0x21A8] =	vst v0;
	s3 =	sshrl.u32 s29, $0x6  }
0x303: {  	s8 =	sadd.s32 $0xA0400, s1;
	s9 =	sadd.s32 $0xB4800, s1;
	[tilespmem:$0x2198] =	vst v0;
	s30 =	smul.u32 $0x180, s3  }
.Ltmp0:
0x304: {  	s11 =	sadd.s32 $0xAA600, s1;
	[tilespmem:$0x2178] =	vst v0;
	[sflag:s6] =	ssyncpa.u1 $0x0;
	v0 =	vimm.s32 $0xFFFFFFFF;
	(pc) =	sbr.rel .LBB2_1-.Ltmp0, $4  }
0x305: {  	[tilespmem:$0x6088] =	vst v0;
	[sflag:s10] =	ssyncpa.u1 $0x0;
	p0 =	sne.s32 s0, s30;
	s0 =	simm.s32 $0x1  }
0x306: {  	s10 =	simm.s32 $0x9;
	[sflag:s31] =	ssyncpa.u1 $0x0;
	s0 =	simm.s32 @!p0 $0x0  }
0x307: {  	s13 =	sshll.u32 s7, $0x6;
	[sflag:s10] =	ssyncpa.u1 $0x0;
	s12 =	sadd.s32 s0, s3  }
0x308: {  	v0 =	vlaneseq.u32;
	s18 =	smov.u32 s4;
	p0 =	por $0x1, $0x1;
	s14 =	sadd.s32 $0x1, s12  }
.LBB2_22:
0x309: {  	s0 =	sshrl.u32 s29, $0x2  }
.LBB2_24:
0x30a: {  	_ =	swait.ge [sflag:s16], s0  }
0x30b: {  	s31 =	ssub.s32 $0x0, s0;
	v1 =	vmov s22;
	vm0 =	veq.s32 v0, $0x0;
	[sflag:s16] =	ssyncset.done $0x0  }
0x30c: {  	vm15 =	veq.s32 v0, $0x2;
	v1 =	vsel vm0, s28, v1;
	[sflag:s16] =	ssyncadd.s32 s31  }
0x30d: {  	v1 =	vsel vm15, s20, v1;
	[sflag:s16] =	ssyncpa.u1 $0x1  }
0x30e: {  	[tilespmem:$0x6088] =	vst v1  }
.LBB2_25:
0x30f: {  	s0 =	sadd.s32 $0x180, s18  }
0x310: {  	s3 =	smov.u32 s4;
	p2 =	slt.s32 s0, s5  }
0x311: {  	s3 =	smov.u32 @p2 s0;
	p2 =	sne.s32 s19, s14  }
.Ltmp1:
0x312: {  	_ = 	snop;
	(pc) =	sbr.rel @!p2 .LBB2_26-.Ltmp1, $4  }
0x313: {  	_ = 	snop  }
0x314: {  	s20 =	smov.u32 s17  }
0x315: {  	s31 =	sadd.s32 $0x1, s19;
	s17 =	smov.u32 s18;
	p0 =	por !p0, !p0  }
0x316: {  	p1 =	por !p1, !p1;
	s19 =	smov.u32 s31;
	s18 =	smov.u32 s3  }
.LBB2_1:
0x317: {  	p2 =	sge.u32 s19, s12  }
0x318: {  	s0 =	smulhi.u32 @!p2 $0xAAAAAAAB, s19  }
0x319: {  	s3 =	smov.u32 s18;
	p3 =	sgt.s32 @!p2 s18, $0x50790  }
0x31a: {  	s6 =	sshra.s32 @!p2 s18, $0x1F;
	p3 =	por !p3, p2;
	s0 =	sshrl.u32 @!p2 s0, $0x1  }
0x31b: {  	s6 =	sand.u32 @!p2 s6, s18;
	s3 =	simm.s32 @p3 $0x50790;
	s0 =	smul.u32 @!p2 $0x3, s0  }
0x31c: {  	s3 =	ssub.s32 @!p2 s3, s6  }
0x31d: {  	s22 =	sadd.s32 $0xFFFFFFFF, s19;
	s3 =	sadd.s32 @!p2 $0xFFFAF870, s3;
	s0 =	ssub.s32 @!p2 s19, s0  }
0x31e: {  	s6 =	sshll.u32 @!p2 s3, $0x2;
	p3 =	sgt.s32 @!p2 s3, $0x17F;
	s0 =	smul.u32 @!p2 $0x600, s0  }
0x31f: {  	s21 =	sand.u32 @!p2 $0x7, s18;
	s3 =	ssub.s32 @!p2 $0x600, s6;
	p3 =	por !p3, p2  }
0x320: {  	s6 =	sshrl.u32 @!p2 s18, $0x3;
	s3 =	sshrl.u32 @!p2 s3, $0x2;
	s0 =	sshrl.u32 @!p2 s0, $0x2  }
0x321: {  	s6 =	sadd.s32 @!p2 s11, s6;
	s3 =	simm.s32 @!p3 $0x0;
	s0 =	sadd.s32 @!p2 $0x64B8, s0  }
0x322: {  	[tilespmem:s0], [sflag:$0x8] =	stream.linear.gather @!p2 [hbm4b:s6+s21], s3, $0x38;
	[tilespmem:$0x1EC38] =	vst v63  }
0x323: {  	p2 =	sge.u32 s22, s12  }
0x324: {  	p3 =	sgt.s32 @!p2 s17, $0x50790  }
0x325: {  	s0 =	smov.u32 s17;
	s3 =	sshra.s32 @!p2 s17, $0x1F;
	p3 =	por !p3, p2  }
0x326: {  	s3 =	sand.u32 @!p2 s3, s17;
	s0 =	simm.s32 @p3 $0x50790  }
0x327: {  	s0 =	ssub.s32 @!p2 s0, s3  }
0x328: {  	s0 =	sadd.s32 @!p2 $0xFFFAF870, s0  }
0x329: {  	s3 =	sshll.u32 @!p2 s0, $0x2  }
0x32a: {  	p3 =	sgt.s32 @!p2 s0, $0x17F;
	s0 =	ssub.s32 @!p2 $0x600, s3  }
0x32b: {  	p3 =	por !p3, p2;
	s0 =	sshrl.u32 @!p2 s0, $0x2  }
0x32c: {  	s6 =	simm.s32 @!p2 $0x8;
	s3 =	sand.u32 @!p2 $0x1, s22;
	s0 =	simm.s32 @!p3 $0x0  }
0x32d: {  	s3 =	smul.u32 @!p2 $0x600, s3;
	_ =	swait.ge @!p2 [sflag:s6], s0  }
0x32e: {  	s21 =	ssub.s32 @!p2 $0x0, s0;
	[sflag:s6] =	ssyncset.done @!p2 $0x0  }
0x32f: {  	s3 =	sshrl.u32 @!p2 s3, $0x2;
	[sflag:s6] =	ssyncadd.s32 @!p2 s21;
	s6 =	sshrl.u32 @!p2 s17, $0x3  }
0x330: {  	s3 =	sadd.s32 @!p2 $0x6938, s3;
	s21 =	sand.u32 @!p2 $0x7, s17;
	s6 =	sadd.s32 @!p2 s8, s6  }
0x331: {  	[tilespmem:s3], [sflag:$0x9] =	stream.linear.gather @!p2 [hbm4b:s6+s21], s0, $0x38;
	[tilespmem:$0x1EC38] =	vst v63  }
0x332: {  	s21 =	ssub.s32 @!p2 $0x50910, s17  }
0x333: {  	p3 =	slt.s32 @!p2 s21, $0x1  }
0x334: {  	p3 =	por p2, p3  }
.Ltmp2:
0x335: {  	_ = 	snop;
	(pc) =	sbr.rel @p3 .LBB2_7-.Ltmp2, $1  }
0x336: {  	_ =	sdelay $0x3  }
0x337: {  	s0 =	smulhi.u32 $0xAAAAAAAB, s22;
	_ =	sdelay $0x1  }
0x338: {  	s0 =	sshrl.u32 s0, $0x1  }
0x339: {  	s0 =	smul.u32 $0x3, s0;
	_ =	sdelay $0x1  }
0x33a: {  	s0 =	ssub.s32 s22, s0  }
0x33b: {  	s3 =	simm.s32 $0x1;
	s0 =	smul.u32 $0x600, s0  }
.Ltmp3:
0x33c: {  	s3 =	simm.s32 @!p0 $0x0;
	(pc) =	sbr.rel .LBB2_4-.Ltmp3, $4  }
0x33d: {  	s3 =	smul.u32 $0x30000, s3  }
0x33e: {  	p3 =	slt.s32 @!p2 s21, $0x180;
	s0 =	sshrl.u32 s0, $0x2  }
0x33f: {  	p2 =	por !p3, p2;
	s3 =	sshrl.u32 s3, $0x2;
	s0 =	sadd.s32 $0x64B8, s0  }
0x340: {  	s23 =	simm.s32 $0x0;
	s21 =	simm.s32 @p2 $0x180;
	s22 =	sadd.s32 $0x6C38, s3;
	v1 =	vmov s0  }
.LBB2_3:
0x341: {  	p2 =	sge.s32 s23, s21  }
.Ltmp4:
0x342: {  	_ = 	snop;
	(pc) =	sbr.rel @p2 .LBB2_7-.Ltmp4, $2  }
0x343: {  	_ =	sdelay $0x2  }
0x344: {  	s22 =	sadd.s32 $0x800, s22  }
.LBB2_4:
0x345: {  	p2 =	sle.s32 s21, s23  }
.Ltmp5:
0x346: {  	_ = 	snop;
	(pc) =	sbr.rel @p2 .LBB2_3-.Ltmp5, $2  }
0x347: {  	_ =	sdelay $0x2  }
0x348: {  	s24 =	smov.u32 s23;
	s23 =	sadd.s32 $0x10, s23  }
0x349: {  	s0 =	ssub.s32 s21, s24  }
0x34a: {  	p2 =	slt.s32 s0, $0x10  }
0x34b: {  	s0 =	simm.s32 @!p2 $0x10  }
0x34c: {  	v2 =	vmov s0  }
0x34d: {  	vm0 =	vgt.s32 v2, v0;
	_ =	sdelay $0x5  }
0x34e: {  	v2 =	vld.idx.msk [tilespmem:v1+s24+$0x0 ss:$0x1], vm0;
	_ =	sdelay $0x2  }
0x34f: {  	p2 =	slt.s32 s23, s21;
	s0 =	smov.u32 s21  }
0x350: {  	s3 =	smov.u32 s22;
	s25 =	simm.s32 $0x0;
	s0 =	smov.u32 @p2 s23  }
.LBB2_6:
0x351: {  	(v2sf) =	vpush v2, s25;
	_ =	sdelay $0xc  }
0x352: {  	s25 =	sadd.s32 $0x1, s25  }
0x353: {  	s31 =	sadd.s32 s25, s24  }
0x354: {  	p2 =	slt.s32 s31, s0;
	s6 =	spop (v2sf)  }
.Ltmp6:
0x355: {  	s6 =	sshll.u32 s6, $0x4;
	(pc) =	sbr.rel @p2 .LBB2_6-.Ltmp6, $4  }
0x356: {  	s6 =	sand.u32 $0x1FFFFFF0, s6  }
0x357: {  	s6 =	sadd.s32 s9, s6  }
0x358: {  	[tilespmem:s3], [sflag:$0x7] =	stream.linear.gather [hbm4b:s6+s15], $0x20, $0x38;
	[tilespmem:$0x1EC38] =	vst v63  }
0x359: {  	s3 =	sadd.s32 $0x80, s3  }
.Ltmp7:
0x35a: {  	_ = 	snop;
	(pc) =	sbr.rel .LBB2_3-.Ltmp7, $1  }
0x35b: {  	_ =	sdelay $0x3  }
.LBB2_7:
0x35c: {  	p2 =	slt.u32 s19, $0x2  }
.Ltmp8:
0x35d: {  	_ = 	snop;
	(pc) =	sbr.rel @p2 .LBB2_25-.Ltmp8, $1  }
0x35e: {  	_ =	sdelay $0x3  }
0x35f: {  	p2 =	sgt.s32 s20, $0x50790;
	s0 =	smov.u32 s20  }
0x360: {  	s3 =	sshra.s32 s20, $0x1F;
	s6 =	ssub.s32 $0x50910, s20;
	s0 =	simm.s32 @!p2 $0x50790  }
0x361: {  	s3 =	sand.u32 s3, s20;
	p2 =	slt.s32 s6, $0x180;
	s21 =	smov.u32 s6  }
0x362: {  	s0 =	ssub.s32 s0, s3;
	s21 =	simm.s32 @!p2 $0x180  }
0x363: {  	s0 =	sadd.s32 $0xFFFAF870, s0;
	s26 =	sshll.u32 s21, $0x5  }
0x364: {  	s7 =	simm.s32 $0x7;
	s29 =	sshll.u32 s0, $0x2;
	s3 =	sand.u32 $0x3FFFFFE0, s26  }
0x365: {  	p2 =	sgt.s32 s0, $0x17F;
	s30 =	ssub.s32 $0x600, s29;
	_ =	swait.ge [sflag:s7], s3  }
0x366: {  	s3 =	ssub.s32 $0x0, s3;
	[sflag:s7] =	ssyncset.done $0x0;
	s0 =	sshrl.u32 s30, $0x2  }
0x367: {  	[sflag:s7] =	ssyncadd.s32 s3;
	s0 =	simm.s32 @p2 $0x0  }
0x368: {  	_ =	swait.ge [sflag:s10], s0  }
0x369: {  	s0 =	ssub.s32 $0x0, s0;
	[sflag:s10] =	ssyncset.done $0x0  }
0x36a: {  	[sflag:s10] =	ssyncadd.s32 s0  }
0x36b: {  	v1 =	vld [tilespmem:$0x6088];
	_ =	sdelay $0x4  }
0x36c: {  	(v2sf) =	vpush v1, $0x0  }
0x36d: {  	(v2sf) =	vpush v1, $0x1  }
0x36e: {  	(v2sf) =	vpush v1, $0x2;
	_ =	sdelay $0x3  }
0x36f: {  	s0 =	sadd.s32 $0x180, s20  }
0x370: {  	p2 =	slt.s32 s5, s0  }
0x371: {  	s0 =	smov.u32 @p2 s5;
	p2 =	sgt.s32 s6, $0x0  }
0x372: {  	s24 =	ssub.s32 s0, s20;
	s6 =	simm.s32 @!p2 $0x0  }
0x373: {  	p2 =	slt.s32 s6, s24  }
0x374: {  	s24 =	smov.u32 @p2 s6  }
0x375: {  	s23 =	simm.s32 $0x1;
	p2 =	slt.s32 s24, $0x1  }
.Ltmp9:
0x376: {  	s23 =	simm.s32 @!p1 $0x0;
	(pc) =	sbr.rel @p2 .LBB2_12-.Ltmp9, $4  }
0x377: {  	s31 =	smul.u32 $0x600, s23  }
0x378: {  	s25 =	spop (v2sf)  }
0x379: {  	s0 =	sshrl.u32 s31, $0x2;
	s28 =	spop (v2sf)  }
0x37a: {  	s21 =	sadd.s32 $0x6938, s0;
	s20 =	spop (v2sf)  }
0x37b: {  	s0 =	smin.u32 s24, $0x10  }
0x37c: {  	v1 =	vmov s0  }
0x37d: {  	p3 =	sgt.s32 s24, $0x10;
	vm1 =	vgt.u32 v1, v0  }
.Ltmp10:
0x37e: {  	_ = 	snop;
	(pc) =	sbr.rel @!p3 .LBB2_11-.Ltmp10, $2  }
0x37f: {  	_ =	sdelay $0x2  }
0x380: {  	s26 =	simm.s32 $0x10;
	s29 =	sadd.s32 $0xFFFFFFF0, s24;
	s22 =	smov.u32 s21;
	vm0 =	vmmov vm1  }
.LBB2_10:
0x381: {  	s0 =	smin.u32 s29, $0x10;
	s26 =	sadd.s32 $0x10, s26;
	v1 =	vld.msk [tilespmem:s22+$0x0 ss:$0x1], vm1  }
0x382: {  	v2 =	vmov s0;
	p3 =	slt.s32 s26, s24  }
0x383: {  	vm1 =	vgt.u32 v2, v0  }
.Ltmp11:
0x384: {  	(pc) =	sbr.rel @p3 .LBB2_10-.Ltmp11, $3  }
0x385: {  	_ =	sdelay $0x1  }
0x386: {  	v1 =	vshll.u32 v1, $0x4  }
0x387: {  	s29 =	sadd.s32 $0xFFFFFFF0, s29;
	[tilespmem:s22+$0x0] =	vst.msk vm0, v1;
	s22 =	sadd.s32 $0x10, s22;
	vm0 =	vmmov vm1  }
.LBB2_11:
0x388: {  	_ =	sdelay $0x4  }
0x389: {  	v1 =	vld.msk [tilespmem:s22+$0x0 ss:$0x1], vm1;
	_ =	sdelay $0x4  }
0x38a: {  	v1 =	vshll.u32 v1, $0x4  }
0x38b: {  	[tilespmem:s22+$0x0] =	vst.msk vm0, v1  }
.LBB2_12:
0x38c: {  	s0 =	sand.u32 $0x1, s19  }
0x38d: {  	s0 =	smul.u32 $0x180, s0  }
0x38e: {  	p3 =	sne.s32 s28, $0xFFFFFFFF  }
0x38f: {  	v1 =	vld.msk @!p3 [tilespmem:s0+$0x6938], $0x1;
	_ =	sdelay $0x4  }
0x390: {  	(v2sf) =	vpush @!p3 v1, $0x0;
	_ =	sdelay $0xc  }
.Ltmp12:
0x391: {  	_ = 	snop;
	(pc) =	sbr.rel @p2 .LBB2_23-.Ltmp12, $4  }
0x392: {  	_ = 	snop  }
0x393: {  	s26 =	spop @!p3 (v2sf)  }
0x394: {  	s20 =	simm.s32 @!p3 $0x0;
	s22 =	smov.u32 s26  }
0x395: {  	[sflag:s16] =	ssyncpa.u1 $0x0;
	s26 =	smov.u32 @p3 s25;
	s22 =	smov.u32 @p3 s28  }
0x396: {  	v1 =	vld.msk [tilespmem:s21+$0x0], $0x1;
	_ =	sdelay $0x4  }
0x397: {  	(v2sf) =	vpush v1, $0x0;
	_ =	sdelay $0xe  }
0x398: {  	s0 =	smul.u32 $0x30000, s23;
	s30 =	spop (v2sf)  }
0x399: {  	s24 =	ssub.s32 $0x0, s24;
	p2 =	seq.s32 s26, s30  }
0x39a: {  	s28 =	sadd.s32 $0x1, s24;
	s0 =	sshrl.u32 s0, $0x2;
	p3 =	sgt.s32 @!p2 s26, $0x0  }
0x39b: {  	s23 =	sadd.s32 $0x6C48, s0;
	s0 =	smov.u32 s26;
	p3 =	por !p3, p2  }
0x39c: {  	s0 =	simm.s32 @p3 $0x0;
	p3 =	seq.s32 s28, $0x0  }
.Ltmp13:
0x39d: {  	_ = 	snop;
	(pc) =	sbr.rel @p3 .LBB2_15-.Ltmp13, $4  }
0x39e: {  	_ = 	snop  }
0x39f: {  	s25 =	simm.s32 $0x0;
	s31 =	simm.s32 @!p2 $0x1;
	s3 =	smin.u32 @!p2 s0, $0x27FFC  }
0x3a0: {  	s29 =	sadd.s32 $0x1, s21;
	s31 =	smov.u32 @p2 s25;
	s6 =	sand.u32 @!p2 $0x3FFF8, s3  }
0x3a1: {  	s0 =	simm.s32 @!p2 $0x3068;
	s3 =	sand.u32 @!p2 $0x7, s3;
	s6 =	sadd.s32 @!p2 s1, s6  }
.LBB2_14:
0x3a2: {  	s7 =	smov.u32 s31  }
0x3a3: {  	[tilespmem:s0], [sflag:$0x2] =	stream.linear.gather @!p2 [hbm4b:s6+s3], $0x20, $0x38;
	[tilespmem:$0x1EC38] =	vst v63  }
0x3a4: {  	s28 =	sadd.s32 $0x1, s28;
	s3 =	smov.u32 s30;
	v1 =	vld.msk [tilespmem:s29+$0x0], $0x1  }
0x3a5: {  	p3 =	seq.s32 s28, $0x0;
	_ =	sdelay $0x3  }
0x3a6: {  	(v2sf) =	vpush v1, $0x0;
	_ =	sdelay $0xe  }
0x3a7: {  	s30 =	spop (v2sf)  }
0x3a8: {  	p2 =	seq.s32 s3, s30  }
0x3a9: {  	p4 =	sgt.s32 @!p2 s3, $0x0;
	s0 =	sshll.u32 @!p2 s31, $0x7;
	s31 =	sadd.s32 @!p2 $0x1, s31  }
.Ltmp14:
0x3aa: {  	p4 =	por !p4, p2;
	s0 =	sshra.s32 @!p2 s0, $0x2;
	(pc) =	sbr.rel @!p3 .LBB2_14-.Ltmp14, $4  }
0x3ab: {  	s31 =	smov.u32 @p2 s7;
	s3 =	simm.s32 @p4 $0x0;
	s0 =	sadd.s32 @!p2 $0x3068, s0  }
0x3ac: {  	s3 =	smin.u32 @!p2 s3, $0x27FFC  }
0x3ad: {  	s6 =	sand.u32 @!p2 $0x3FFF8, s3;
	s3 =	sand.u32 @!p2 $0x7, s3  }
0x3ae: {  	s29 =	sadd.s32 $0x1, s29;
	s6 =	sadd.s32 @!p2 s1, s6  }
.LBB2_15:
0x3af: {  	[tilespmem:s0], [sflag:$0x2] =	stream.linear.gather @!p2 [hbm4b:s6+s3], $0x20, $0x38;
	[tilespmem:$0x1EC38] =	vst v63  }
.Ltmp15:
0x3b0: {  	s30 =	sshll.u32 s31, $0x5;
	(pc) =	sbr.rel .LBB2_16-.Ltmp15, $4  }
0x3b1: {  	s31 =	simm.s32 $0x2;
	s0 =	sand.u32 $0x3FFFFFE0, s30  }
0x3b2: {  	_ =	swait.ge [sflag:s31], s0  }
0x3b3: {  	s0 =	ssub.s32 $0x0, s0;
	[sflag:s31] =	ssyncset.done $0x0  }
0x3b4: {  	s29 =	simm.s32 $0x0;
	[sflag:s31] =	ssyncadd.s32 s0  }
.LBB2_17:
0x3b5: {  	v1 =	vld [tilespmem:s23+$0xFFFFFFF0];
	_ =	sdelay $0x4  }
0x3b6: {  	[tilespmem:s0+$0x48] =	vst.add.f32.msk $0xffff, v1  }
0x3b7: {  	v1 =	vld [tilespmem:s23+$0x0];
	_ =	sdelay $0x4  }
0x3b8: {  	[tilespmem:s0+$0x58] =	vst.add.f32.msk $0xffff, v1  }
.LBB2_21:
0x3b9: {  	s24 =	sadd.s32 $0x1, s24  }
0x3ba: {  	p2 =	seq.s32 s24, $0x0  }
.Ltmp16:
0x3bb: {  	_ = 	snop;
	(pc) =	sbr.rel @p2 .LBB2_22-.Ltmp16, $2  }
0x3bc: {  	_ =	sdelay $0x2  }
0x3bd: {  	s23 =	sadd.s32 $0x80, s23;
	s21 =	sadd.s32 $0x1, s21;
	s26 =	smov.u32 s28  }
.LBB2_16:
0x3be: {  	v1 =	vld.msk [tilespmem:s21+$0x0], $0x1;
	_ =	sdelay $0x4  }
0x3bf: {  	(v2sf) =	vpush v1, $0x0;
	_ =	sdelay $0xe  }
0x3c0: {  	s28 =	spop (v2sf)  }
0x3c1: {  	p2 =	sne.s32 s26, s28  }
.Ltmp17:
0x3c2: {  	_ = 	snop;
	(pc) =	sbr.rel @!p2 .LBB2_17-.Ltmp17, $3  }
0x3c3: {  	_ =	sdelay $0x1  }
0x3c4: {  	s0 =	sshll.u32 s20, $0x7  }
0x3c5: {  	s0 =	sshra.s32 s0, $0x2  }
0x3c6: {  	p2 =	seq.s32 s26, s22  }
.Ltmp18:
0x3c7: {  	_ = 	snop;
	(pc) =	sbr.rel @!p2 .LBB2_19-.Ltmp18, $1  }
0x3c8: {  	_ =	sdelay $0x3  }
.Ltmp19:
0x3c9: {  	s0 =	sadd.s32 $0x48, s0;
	(pc) =	sbr.rel .LBB2_20-.Ltmp19, $4  }
0x3ca: {  	[spmem:s13] =	stream.linear.scatter [tilespmem:s0], [sflag:$0x1], $0x20, $0x38;
	[tilespmem:$0x1EC38] =	vst v63  }
0x3cb: {  	_ =	swait.ge [sflag:s2], $0x20  }
0x3cc: {  	[sflag:s2] =	ssyncset.done $0x0  }
0x3cd: {  	[sflag:s2] =	ssyncadd.s32 $0xFFFFFFE0  }
.LBB2_19:
0x3ce: {  	s3 =	sshll.u32 s25, $0x7  }
0x3cf: {  	s3 =	sshra.s32 s3, $0x2  }
0x3d0: {  	v1 =	vld [tilespmem:s3+$0x3068];
	_ =	sdelay $0x4  }
0x3d1: {  	[tilespmem:s0+$0x48] =	vst.add.f32.msk $0xffff, v1  }
0x3d2: {  	v1 =	vld [tilespmem:s3+$0x3078];
	_ =	sdelay $0x2  }
0x3d3: {  	p2 =	sgt.u32 s26, $0x27FFC  }
0x3d4: {  	s3 =	sand.u32 @!p2 $0x3FFF8, s26  }
0x3d5: {  	s6 =	sadd.s32 $0x48, s0;
	[tilespmem:s0+$0x58] =	vst.add.f32.msk $0xffff, v1;
	s0 =	sadd.s32 @!p2 s1, s3;
	s3 =	sand.u32 @!p2 $0x7, s26  }
0x3d6: {  	[hbm4b:s0+s3] =	stream.linear.scatter @!p2 [tilespmem:s6], [sflag:$0xA], $0x20, $0x38;
	[tilespmem:$0x1EC38] =	vst v63  }
0x3d7: {  	s0 =	simm.s32 $0x0  }
0x3d8: {  	s0 =	simm.s32 @!p2 $0x80  }
0x3d9: {  	s29 =	sadd.s32 s0, s29  }
.LBB2_20:
0x3da: {  	s0 =	sadd.s32 $0x1, s20  }
0x3db: {  	s3 =	smulhi.u32 $0xAAAAAAAB, s0;
	_ =	sdelay $0x1  }
0x3dc: {  	v1 =	vld [tilespmem:s23+$0xFFFFFFF0];
	s3 =	sshrl.u32 s3, $0x8  }
0x3dd: {  	s3 =	smul.u32 $0x180, s3;
	_ =	sdelay $0x1  }
0x3de: {  	s20 =	ssub.s32 s0, s3  }
0x3df: {  	s0 =	sshll.u32 s20, $0x5  }
0x3e0: {  	[tilespmem:s0+$0x48] =	vst v1  }
0x3e1: {  	v1 =	vld [tilespmem:s23+$0x0]  }
.Ltmp20:
0x3e2: {  	_ = 	snop;
	(pc) =	sbr.rel .LBB2_21-.Ltmp20, $2  }
0x3e3: {  	_ =	sdelay $0x2  }
0x3e4: {  	s25 =	sadd.s32 $0x1, s25;
	[tilespmem:s0+$0x58] =	vst v1  }
.LBB2_23:
.Ltmp21:
0x3e5: {  	(pc) =	sbr.rel .LBB2_24-.Ltmp21, $4  }
0x3e6: {  	_ = 	snop  }
0x3e7: {  	s0 =	simm.s32 $0x2  }
0x3e8: {  	_ =	swait.ge [sflag:s0], $0x0  }
0x3e9: {  	s28 =	smov.u32 s26;
	[sflag:s0] =	ssyncset.done $0x0;
	s0 =	simm.s32 $0x0  }
.LBB2_26:
0x3ea: {  	_ =	sfence.sel $0x180000  }
0x3eb: {  	s0 =	simm.s32 $0x7;
	[bflag:$0x0] =	sbarrier.arrive $0xFFFF  }
0x3ec: {  	s25 =	simm.s32 $0x8;
	[sflag:s0] =	ssyncpa.u1 $0x1  }
0x3ed: {  	s26 =	simm.s32 $0x9;
	[sflag:s25] =	ssyncpa.u1 $0x1  }
0x3ee: {  	s28 =	simm.s32 $0x2;
	[sflag:s26] =	ssyncpa.u1 $0x1  }
0x3ef: {  	[sflag:s28] =	ssyncpa.u1 $0x1  }
0x3f0: {  	v0 =	vld [tilespmem:$0x6088];
	_ =	sdelay $0x4  }
0x3f1: {  	(v2sf) =	vpush v0, $0x0  }
0x3f2: {  	(v2sf) =	vpush v0, $0x1;
	_ =	sdelay $0x1  }
0x3f3: {  	(v2sf) =	vpush v0, $0x2;
	_ =	sdelay $0xb  }
0x3f4: {  	s0 =	spop (v2sf)  }
0x3f5: {  	s2 =	spop (v2sf)  }
0x3f6: {  	s3 =	smov.u32 s0;
	p0 =	sne.s32 s0, s2  }
0x3f7: {  	s4 =	spop (v2sf);
	s3 =	simm.s32 @!p0 $0xFFFFFFFF  }
0x3f8: {  	v2 =	vimm.s32 $0x1;
	v3 =	vlaneseq.u32;
	p0 =	seq.s32 s4, $0xFFFFFFFF;
	v1 =	vmov s3  }
0x3f9: {  	s7 =	stileid.u32;
	v0 =	vperm.xlane v0, v2;
	p1 =	sne.s32 @!p0 s0, s2;
	v1 =	vperm.xlane v1, v3  }
0x3fa: {  	vm0 =	vcmask $0x3F04;
	s6 =	simm.s32 $0x6088;
	s0 =	simm.s32 @!p0 $0x1;
	p1 =	por !p1, p0  }
0x3fb: {  	s3 =	sshll.u32 s7, $0x1;
	s2 =	sshll.u32 @!p0 s4, $0x7;
	s0 =	simm.s32 @p1 $0x0;
	v0 =	vsel vm0, v1, v0  }
0x3fc: {  	s5 =	sor.u32 $0x400, s3;
	s2 =	sshra.s32 @!p0 s2, $0x2;
	s0 =	sor.u32 @!p0 s0, s3;
	[tilespmem:$0x6088] =	vst v0  }
0x3fd: {  	[spmem:s5] =	stream.linear.scatter [tilespmem:s6], [sflag:$0x1], $0x2, $0x38;
	[tilespmem:$0x1EC38] =	vst v63  }
0x3fe: {  	s2 =	sadd.s32 @!p0 $0x48, s2;
	s0 =	sshll.u32 @!p0 s0, $0x5  }
0x3ff: {  	[spmem:s0] =	stream.linear.scatter @!p0 [tilespmem:s2], [sflag:$0x1], $0x20, $0x38;
	[tilespmem:$0x1EC38] =	vst v63  }
0x400: {  	s2 =	simm.s32 @!p0 $0x22  }
0x401: {  	s0 =	simm.s32 $0x1;
	s2 =	simm.s32 @p0 $0x2  }
0x402: {  	_ =	swait.ge [sflag:s0], s2  }
0x403: {  	s2 =	ssub.s32 $0x0, s2;
	[sflag:s0] =	ssyncset.done $0x0  }
0x404: {  	[sflag:s0] =	ssyncadd.s32 s2  }
0x405: {  	_ =	sfence.stream.spmem  }
0x406: {  	s29 =	simm.s32 $0x3;
	[bflag:$0x0] =	sbarrier.arrive $0xFFFF  }
0x407: {  	s30 =	simm.s32 $0x4;
	[sflag:s29] =	ssyncpa.u1 $0x1  }
0x408: {  	s31 =	simm.s32 $0x3C;
	[sflag:s30] =	ssyncpa.u1 $0x1  }
0x409: {  	p0 =	sne.s32 s7, $0x0;
	[sflag:s31] =	ssyncpa.u1 $0x1  }
0x40a: {  	_ =	sfence @p0  }
0x40b: {  	[sflag:s0] =	ssyncpa.u1 @p0 $0x1  }
0x40c: {  	_ =	strace @p0 $0x90000053  }
0x40d: {  	[bflag:$0x2] =	sbarrier.arrive @p0 $0xFFFF  }
0x40e: {  	_ =	shalt @p0  }
.LBB2_27:
0x40f: {  	_ =	sfence.stream.spmem;
	s0 =	simm.s32 $0x5  }
0x410: {  	s2 =	simm.s32 $0x400;
	s3 =	simm.s32 $0x6098;
	[sflag:s0] =	ssyncpa.u1 $0x0  }
0x411: {  	[tilespmem:s3], [sflag:$0x5] =	stream.linear.gather [spmem:s2], $0x20, $0x38;
	[tilespmem:$0x1EC38] =	vst v63  }
0x412: {  	s30 =	simm.s32 $0x60B8;
	s2 =	simm.s32 $0x0  }
0x413: {  	[tilespmem:s30], [sflag:$0x5] =	stream.linear.gather [spmem:s2], $0x400, $0x38;
	[tilespmem:$0x1EC38] =	vst v63  }
.Ltmp22:
0x414: {  	_ = 	snop;
	(pc) =	sbr.rel .LBB2_28-.Ltmp22, $4  }
0x415: {  	_ =	swait.ge [sflag:s0], $0x420  }
0x416: {  	[sflag:s0] =	ssyncset.done $0x0  }
0x417: {  	s31 =	simm.s32 $0x6;
	[sflag:s0] =	ssyncadd.s32 $0xFFFFFBE0  }
0x418: {  	s3 =	simm.s32 $0x0;
	[sflag:s31] =	ssyncpa.u1 $0x0  }
.LBB2_34:
0x419: {  	p0 =	slt.u32 s4, $0x27FFD  }
0x41a: {  	s0 =	sand.u32 @p0 $0x3FFF8, s4  }
0x41b: {  	s4 =	sand.u32 @p0 $0x7, s4;
	s5 =	simm.s32 @p0 $0x6068;
	s0 =	sadd.s32 @p0 s1, s0  }
0x41c: {  	[tilespmem:s5], [sflag:$0x6] =	stream.linear.gather @p0 [hbm4b:s0+s4], $0x20, $0x38;
	[tilespmem:$0x1EC38] =	vst v63  }
0x41d: {  	s0 =	simm.s32 @p0 $0x6  }
0x41e: {  	_ =	swait.ge @p0 [sflag:s0], $0x20  }
0x41f: {  	[sflag:s0] =	ssyncset.done @p0 $0x0  }
0x420: {  	[sflag:s0] =	ssyncadd.s32 @p0 $0xFFFFFFE0  }
0x421: {  	v1 =	vld @p0 [tilespmem:$0x6068];
	_ =	sdelay $0x2  }
0x422: {  	s0 =	sshll.u32 @p0 s3, $0x7  }
0x423: {  	s4 =	sshrl.u32 @p0 s0, $0x2  }
0x424: {  	[tilespmem:s4+$0x60B8] =	vst.add.f32.msk @p0 $0xffff, v1  }
0x425: {  	v1 =	vld @p0 [tilespmem:$0x6078];
	_ =	sdelay $0x3  }
0x426: {  	s5 =	sshll.u32 @!p0 s3, $0x7  }
0x427: {  	s5 =	smov.u32 @p0 s0;
	[tilespmem:s4+$0x60C8] =	vst.add.f32.msk @p0 $0xffff, v1  }
0x428: {  	s0 =	sshrl.u32 s5, $0x2;
	[tilespmem:s2+$0x6098] =	vst.msk $0x1, v0  }
0x429: {  	v0 =	vld [tilespmem:s0+$0x60B8];
	_ =	sdelay $0x2  }
0x42a: {  	s31 =	sshll.u32 s2, $0x7  }
0x42b: {  	s4 =	sshra.s32 s31, $0x2  }
0x42c: {  	[tilespmem:s4+$0x60B8] =	vst v0  }
0x42d: {  	v0 =	vld [tilespmem:s0+$0x60C8];
	_ =	sdelay $0x4  }
0x42e: {  	s2 =	sadd.s32 $0x1, s2;
	[tilespmem:s4+$0x60C8] =	vst v0  }
.LBB2_35:
0x42f: {  	s3 =	sadd.s32 $0x1, s3  }
0x430: {  	p0 =	sne.s32 s3, $0x20  }
.Ltmp23:
0x431: {  	_ = 	snop;
	(pc) =	sbr.rel @!p0 .LBB2_36-.Ltmp23, $1  }
0x432: {  	_ =	sdelay $0x3  }
.LBB2_28:
0x433: {  	v0 =	vld.msk [tilespmem:s3+$0x6098], $0x1;
	_ =	sdelay $0x4  }
0x434: {  	(v2sf) =	vpush v0, $0x0;
	_ =	sdelay $0xe  }
0x435: {  	s4 =	spop (v2sf)  }
0x436: {  	p0 =	seq.s32 s4, $0xFFFFFFFF  }
.Ltmp24:
0x437: {  	_ = 	snop;
	(pc) =	sbr.rel @p0 .LBB2_35-.Ltmp24, $1  }
0x438: {  	_ =	sdelay $0x3  }
0x439: {  	p0 =	slt.s32 s2, $0x1  }
.Ltmp25:
0x43a: {  	_ = 	snop;
	(pc) =	sbr.rel @p0 .LBB2_34-.Ltmp25, $1  }
0x43b: {  	_ =	sdelay $0x3  }
0x43c: {  	s5 =	simm.s32 $0x6098;
	p0 =	por $0x0, $0x0  }
0x43d: {  	v1 =	vld.msk @!p0 [tilespmem:s5+$0x0], $0x1;
	_ =	sdelay $0x4  }
0x43e: {  	(v2sf) =	vpush @!p0 v1, $0x0;
	_ =	sdelay $0xd  }
0x43f: {  	p2 =	sne.s32 s2, $0x1  }
.Ltmp26:
0x440: {  	s0 =	spop @!p0 (v2sf);
	(pc) =	sbr.rel @!p2 .LBB2_32-.Ltmp26, $4  }
0x441: {  	p1 =	seq.s32 @!p0 s4, s0  }
0x442: {  	s6 =	simm.s32 $0x0;
	p1 =	por !p1, p0  }
0x443: {  	s0 =	simm.s32 $0xFFFFFFFF;
	s6 =	simm.s32 @p1 $0xFFFFFFFF  }
0x444: {  	s7 =	simm.s32 $0x1;
	s6 =	smov.u32 @p0 s0  }
.LBB2_31:
0x445: {  	s0 =	smov.u32 s6;
	p0 =	sne.s32 s6, $0xFFFFFFFF  }
0x446: {  	s5 =	sadd.s32 $0x1, s5;
	s6 =	smov.u32 s7;
	s7 =	sadd.s32 $0x1, s7  }
0x447: {  	p1 =	sne.s32 s2, s7;
	v1 =	vld.msk @!p0 [tilespmem:s5+$0x0], $0x1;
	_ =	sdelay $0x4  }
0x448: {  	(v2sf) =	vpush @!p0 v1, $0x0;
	_ =	sdelay $0xe  }
.Ltmp27:
0x449: {  	s8 =	spop @!p0 (v2sf);
	(pc) =	sbr.rel @p1 .LBB2_31-.Ltmp27, $4  }
0x44a: {  	p2 =	seq.s32 @!p0 s4, s8  }
0x44b: {  	p2 =	por !p2, p0  }
0x44c: {  	s6 =	simm.s32 @p2 $0xFFFFFFFF  }
0x44d: {  	s6 =	smov.u32 @p0 s0  }
.LBB2_32:
0x44e: {  	p0 =	seq.s32 s6, $0xFFFFFFFF  }
.Ltmp28:
0x44f: {  	_ = 	snop;
	(pc) =	sbr.rel @p0 .LBB2_34-.Ltmp28, $1  }
0x450: {  	_ =	sdelay $0x3  }
0x451: {  	s0 =	sshll.u32 s3, $0x5  }
0x452: {  	s0 =	sand.u32 $0x3FFFFFE0, s0  }
0x453: {  	v0 =	vld [tilespmem:s0+$0x60B8];
	_ =	sdelay $0x2  }
0x454: {  	s4 =	sshll.u32 s6, $0x7  }
0x455: {  	s4 =	sshra.s32 s4, $0x2  }
0x456: {  	[tilespmem:s4+$0x60B8] =	vst.add.f32.msk $0xffff, v0  }
0x457: {  	v0 =	vld [tilespmem:s0+$0x60C8]  }
.Ltmp29:
0x458: {  	_ = 	snop;
	(pc) =	sbr.rel .LBB2_35-.Ltmp29, $2  }
0x459: {  	_ =	sdelay $0x2  }
0x45a: {  	[tilespmem:s4+$0x60C8] =	vst.add.f32.msk $0xffff, v0  }
.LBB2_36:
0x45b: {  	p0 =	slt.s32 s2, $0x1  }
.Ltmp30:
0x45c: {  	_ = 	snop;
	(pc) =	sbr.rel @p0 .LBB2_40-.Ltmp30, $3  }
0x45d: {  	_ =	sdelay $0x1  }
0x45e: {  	s0 =	simm.s32 $0x6  }
0x45f: {  	s3 =	simm.s32 $0x0;
	[sflag:s0] =	ssyncpa.u1 $0x1  }
0x460: {  	s0 =	simm.s32 $0x6098  }
0x461: {  	v0 =	vld.msk [tilespmem:s0+$0x0], $0x1;
	_ =	sdelay $0x4  }
0x462: {  	(v2sf) =	vpush v0, $0x0;
	_ =	sdelay $0xe  }
0x463: {  	s2 =	sadd.s32 $0xFFFFFFFF, s2;
	s0 =	spop (v2sf)  }
0x464: {  	p1 =	sne.s32 s2, $0x0;
	p0 =	sgt.u32 s0, $0x27FFC  }
.Ltmp31:
0x465: {  	s5 =	sand.u32 @!p0 $0x3FFF8, s0;
	(pc) =	sbr.rel @!p1 .LBB2_39-.Ltmp31, $4  }
0x466: {  	s4 =	simm.s32 $0x60B8;
	s0 =	sand.u32 @!p0 $0x7, s0;
	s5 =	sadd.s32 @!p0 s1, s5  }
0x467: {  	[hbm4b:s5+s0] =	stream.linear.scatter @!p0 [tilespmem:s4], [sflag:$0x5], $0x20, $0x38;
	[tilespmem:$0x1EC38] =	vst v63  }
0x468: {  	s0 =	simm.s32 $0x0  }
0x469: {  	s5 =	simm.s32 $0x6099;
	s0 =	simm.s32 @!p0 $0x80  }
.LBB2_38:
0x46a: {  	v0 =	vld.msk [tilespmem:s5+$0x0], $0x1;
	s2 =	sadd.s32 $0xFFFFFFFF, s2;
	s3 =	sadd.s32 s3, s0  }
0x46b: {  	p0 =	sne.s32 s2, $0x0;
	_ =	sdelay $0x3  }
0x46c: {  	(v2sf) =	vpush v0, $0x0;
	_ =	sdelay $0xe  }
.Ltmp32:
0x46d: {  	s6 =	spop (v2sf);
	(pc) =	sbr.rel @p0 .LBB2_38-.Ltmp32, $4  }
0x46e: {  	s0 =	simm.s32 $0x0;
	p1 =	sgt.u32 s6, $0x27FFC  }
0x46f: {  	s4 =	sadd.s32 $0x20, s4;
	s0 =	simm.s32 @!p1 $0x80;
	s7 =	sand.u32 @!p1 $0x3FFF8, s6  }
0x470: {  	s5 =	sadd.s32 $0x1, s5;
	s6 =	sand.u32 @!p1 $0x7, s6;
	s7 =	sadd.s32 @!p1 s1, s7  }
0x471: {  	[hbm4b:s7+s6] =	stream.linear.scatter @!p1 [tilespmem:s4], [sflag:$0x5], $0x20, $0x38;
	[tilespmem:$0x1EC38] =	vst v63  }
.LBB2_39:
0x472: {  	s0 =	sadd.s32 s3, s0  }
0x473: {  	s3 =	sshrl.u32 s0, $0x2  }
.LBB2_40:
0x474: {  	s0 =	simm.s32 $0x5  }
0x475: {  	_ =	swait.ge [sflag:s0], s3  }
0x476: {  	s1 =	ssub.s32 $0x0, s3;
	[sflag:s0] =	ssyncset.done $0x0  }
0x477: {  	[sflag:s0] =	ssyncadd.s32 s1  }
0x478: {  	[sflag:s0] =	ssyncpa.u1 $0x1  }
0x479: {  	s30 =	simm.s32 $0x1;
	_ =	sfence  }
0x47a: {  	[sflag:s30] =	ssyncpa.u1 $0x1  }
0x47b: {  	_ =	strace $0x90000053  }
0x47c: {  	[bflag:$0x2] =	sbarrier.arrive $0xFFFF  }
0x47d: {  	s31 =	rddreg [dreg:$0x1]  }
0x47e: {  	s0 =	sadd.s32 $0x100000, s31  }
0x47f: {  	[sflag:s0] =	ssyncadd.tile.s32 $0x1;
	_ =	shalt  }
.Lfunc_end2:
_tile_overlayer_lowered:
.L_overlay_start_2:
0x480: {  	(tag) =	ssettag $0x2  }
0x481: {  	s0 =	rddreg [dreg:$0x0];
	s2 =	stileid.u32  }
0x482: {  	s1 =	rddreg [dreg:$0x1];
	p0 =	sne.s32 s2, $0x0  }
0x483: {  	s3 =	rddreg [dreg:$0x2];
	[bflag:$0x3] =	sbarrier.arrive $0xFFFF;
	s2 =	simm.s32 @!p0 $0x1C01  }
0x484: {  	[timem:s3], [sflag:s2] =	dma.local @!p0 [hbm:s0], s1  }
0x485: {  	s0 =	simm.s32 @!p0 $0x1  }
0x486: {  	_ =	swait.ge @!p0 [sflag:s0], s1  }
0x487: {  	s1 =	ssub.s32 @!p0 $0x0, s1;
	[sflag:s0] =	ssyncset.done @!p0 $0x0  }
0x488: {  	[sflag:s0] =	ssyncadd.s32 @!p0 s1  }
0x489: {  	[bflag:$0x3] =	sbarrier.arrive $0xFFFF  }
0x48a: {  	_ =	shalt  }

// kernel: scatter_offload_async_start
scs
__scs_entry_jumppad:
0x0: {  	(pc) =	sbr.rel $0x88, $3  }
0x1: {  	(tag) =	ssettag $0x0;
	lr =	simm.s32 $0x1  }
0x2: {  	[smem:$0x3F8E] =	sst lr;
	_ =	strace $0xD0000000  }
0x3: {  	_ = 	snop  }
0x4: {  	_ = 	snop  }
0x5: {  	_ = 	snop  }
0x6: {  	_ = 	snop  }
0x7: {  	_ = 	snop  }
__scs_overlays_trampoline_lowered:
0x8: {  	[smem:$0x3F9D] =	sst s0  }
0x9: {  	[smem:$0x3F9E] =	sst s1  }
0xa: {  	[smem:$0x3F9F] =	sst s2  }
0xb: {  	[smem:$0x3FA0] =	sst s3  }
0xc: {  	[smem:$0x3FA1] =	sst s4  }
0xd: {  	[smem:$0x3FA2] =	sst s5  }
0xe: {  	[smem:$0x3FA3] =	sst s6  }
0xf: {  	[smem:$0x3FA4] =	sst s7  }
0x10: {  	[smem:$0x3FA5] =	sst s8  }
0x11: {  	[smem:$0x3FA6] =	sst s9;
	s0 =	simm.s32 @!p0 $0x0  }
0x12: {  	s1 =	sld [smem:$0x3F8C];
	s0 =	simm.s32 @p0 $0x1  }
0x13: {  	[smem:$0x3FA7] =	sst s0;
	s0 =	simm.s32 @!p1 $0x0  }
0x14: {  	s2 =	sld [smem:$0x3F8B];
	s0 =	simm.s32 @p1 $0x1  }
0x15: {  	[smem:$0x3FA8] =	sst s0;
	s0 =	simm.s32 @!p2 $0x0  }
0x16: {  	s3 =	sld [smem:$0x3FDB];
	s0 =	simm.s32 @p2 $0x1  }
0x17: {  	s4 =	simm.s32 $0x1BF5;
	[smem:$0x3FAA] =	sst s0  }
0x18: {  	s0 =	sld [smem:$0x3F8D];
	_ =	swait.ge [sflag:s4], $0x0  }
0x19: {  	s7 =	sld [smem:$0x3F8E]  }
0x1a: {  	s8 =	sadd.s32 $0xFFFFE003, lr  }
0x1b: {  	s9 =	sadd.s32 $0xFFFFFEF7, lr;
	s5 =	simm.s32 $0xFFFFFFFF;
	p2 =	slt.u32 s8, $0xFFFFF086  }
0x1c: {  	p1 =	slt.u32 s9, $0xF7A;
	s5 =	simm.s32 @!p2 $0x0  }
0x1d: {  	s5 =	simm.s32 @p1 $0x1;
	p0 =	seq.s32 s7, s2  }
0x1e: {  	s7 =	smul.u32 @!p0 $0xF7A, s2;
	p2 =	seq.s32 @!p0 s5, $0x0  }
0x1f: {  	s9 =	smul.u32 $0xF7A, s1;
	s8 =	simm.s32 @!p0 $0x1BF5;
	p2 =	por !p2, p0  }
0x20: {  	[sflag:s8] =	ssyncset.s32 @!p0 $0xFFFFF086;
	s6 =	sadd.s32 @!p0 s3, s7;
	s7 =	simm.s32 @!p0 $0x108  }
0x21: {  	s3 =	sadd.s32 s3, s9;
	s6 =	sadd.s32 @!p0 $0x88, s6;
	s7 =	simm.s32 @p2 $0x1082  }
0x22: {  	[simem:s7], [sflag:s8] =	dma.local @!p0 [hbm:s6], $0xF7A  }
0x23: {  	s9 =	sor.u32 $0xD0000000, s2;
	s6 =	simm.s32 $0x108;
	_ =	swait.ge @!p0 [sflag:s8], $0x0  }
0x24: {  	s3 =	sadd.s32 $0x88, s3;
	s6 =	simm.s32 @!p1 $0x1082;
	[sflag:s4] =	ssyncset.s32 $0xFFFFF086  }
0x25: {  	[simem:s6], [sflag:s4] =	dma.local [hbm:s3], $0xF7A  }
0x26: {  	[smem:$0x3F8E] =	sst s1;
	(tag) =	ssettag s2;
	_ =	strace s9  }
0x27: {  	s1 =	sld [smem:$0x3F9E]  }
0x28: {  	s2 =	sld [smem:$0x3F9F]  }
0x29: {  	s4 =	sld [smem:$0x3FA1]  }
0x2a: {  	p0 =	seq.s32 s5, $0x0;
	s5 =	sld [smem:$0x3FA2]  }
0x2b: {  	s6 =	sld [smem:$0x3FA3]  }
0x2c: {  	s7 =	sld [smem:$0x3FA4]  }
0x2d: {  	s3 =	simm.s32 $0x108;
	s8 =	sld [smem:$0x3FA5]  }
0x2e: {  	s3 =	simm.s32 @!p0 $0x1082;
	s9 =	sld [smem:$0x3FA6]  }
0x2f: {  	lr =	sadd.s32 s0, s3;
	s0 =	sld [smem:$0x3F9D]  }
0x30: {  	s3 =	sld [smem:$0x3FA0]  }
0x31: {  	[smem:$0x3FA9] =	sst s10  }
0x32: {  	s10 =	sld [smem:$0x3FA7];
	_ =	sdelay $0x3  }
0x33: {  	p0 =	seq.s32 s10, $0x1;
	s10 =	sld [smem:$0x3FA9];
	_ =	sdelay $0x3  }
0x34: {  	[smem:$0x3FA9] =	sst s10  }
0x35: {  	s10 =	sld [smem:$0x3FA8];
	_ =	sdelay $0x3  }
0x36: {  	p1 =	seq.s32 s10, $0x1;
	s10 =	sld [smem:$0x3FA9];
	_ =	sdelay $0x3  }
0x37: {  	[smem:$0x3FA9] =	sst s10  }
0x38: {  	s10 =	sld [smem:$0x3FAA]  }
0x39: {  	_ = 	snop;
	(pc) =	sbr.ind lr, $3  }
0x3a: {  	_ = 	snop  }
0x3b: {  	_ = 	snop  }
0x3c: {  	p2 =	seq.s32 s10, $0x1;
	s10 =	sld [smem:$0x3FA9]  }
0x3d: {  	_ =	shalt  }
0x3e: {  	_ =	shalt  }
0x3f: {  	_ =	shalt  }
0x40: {  	_ =	shalt  }
0x41: {  	_ =	shalt  }
0x42: {  	_ =	shalt  }
0x43: {  	_ =	shalt  }
0x44: {  	_ =	shalt  }
0x45: {  	_ =	shalt  }
0x46: {  	_ =	shalt  }
0x47: {  	_ =	shalt  }
0x48: {  	_ =	shalt  }
0x49: {  	_ =	shalt  }
0x4a: {  	_ =	shalt  }
0x4b: {  	_ =	shalt  }
0x4c: {  	_ =	shalt  }
0x4d: {  	_ =	shalt  }
0x4e: {  	_ =	shalt  }
0x4f: {  	_ =	shalt  }
0x50: {  	_ =	shalt  }
0x51: {  	_ =	shalt  }
0x52: {  	_ =	shalt  }
0x53: {  	_ =	shalt  }
0x54: {  	_ =	shalt  }
0x55: {  	_ =	shalt  }
0x56: {  	_ =	shalt  }
0x57: {  	_ =	shalt  }
0x58: {  	_ =	shalt  }
0x59: {  	_ =	shalt  }
0x5a: {  	_ =	shalt  }
0x5b: {  	_ =	shalt  }
0x5c: {  	_ =	shalt  }
0x5d: {  	_ =	shalt  }
0x5e: {  	_ =	shalt  }
0x5f: {  	_ =	shalt  }
0x60: {  	_ =	shalt  }
0x61: {  	_ =	shalt  }
0x62: {  	_ =	shalt  }
0x63: {  	_ =	shalt  }
0x64: {  	_ =	shalt  }
0x65: {  	_ =	shalt  }
0x66: {  	_ =	shalt  }
0x67: {  	_ =	shalt  }
0x68: {  	_ =	shalt  }
0x69: {  	_ =	shalt  }
0x6a: {  	_ =	shalt  }
0x6b: {  	_ =	shalt  }
0x6c: {  	_ =	shalt  }
0x6d: {  	_ =	shalt  }
0x6e: {  	_ =	shalt  }
0x6f: {  	_ =	shalt  }
0x70: {  	_ =	shalt  }
0x71: {  	_ =	shalt  }
0x72: {  	_ =	shalt  }
0x73: {  	_ =	shalt  }
0x74: {  	_ =	shalt  }
0x75: {  	_ =	shalt  }
0x76: {  	_ =	shalt  }
0x77: {  	_ =	shalt  }
0x78: {  	_ =	shalt  }
0x79: {  	_ =	shalt  }
0x7a: {  	_ =	shalt  }
0x7b: {  	_ =	shalt  }
0x7c: {  	_ =	shalt  }
0x7d: {  	_ =	shalt  }
0x7e: {  	_ =	shalt  }
0x7f: {  	_ =	shalt  }
0x80: {  	_ =	shalt  }
0x81: {  	_ =	shalt  }
0x82: {  	_ =	shalt  }
0x83: {  	_ =	shalt  }
0x84: {  	_ =	shalt  }
0x85: {  	_ =	shalt  }
0x86: {  	_ =	shalt  }
0x87: {  	_ =	shalt  }
.Lfunc_end0:
.L_simem_size_0:
called_computation_lowered:
.L_overlay_start_0:
0x88: {  	s0 =	sld [smem:$0x3FD9]  }
0x89: {  	s1 =	sld [smem:$0x3FFE];
	_ =	sdelay $0x3  }
0x8a: {  	s0 =	sadd.s32 s1, s0  }
0x8b: {  	[smem:$0x3FB5] =	sst s0  }
0x8c: {  	_ = 	snop  }
0x8d: {  	(tm) =	ssettm $0x1  }
0x8e: {  	s14 =	sld [smem:$0x3FFB];
	_ =	sdelay $0x3  }
0x8f: {  	_ =	strace s14  }
0x90: {  	s0 =	sld [smem:$0x3FFC];
	_ =	sdelay $0x3  }
0x91: {  	_ =	strace s0  }
0x92: {  	s0 =	sld [smem:$0x3FFD];
	_ =	sdelay $0x3  }
0x93: {  	_ =	strace s0  }
0x94: {  	_ =	strace $0x8FFFFFFF  }
0x95: {  	s15 =	sld [smem:$0x3FDB];
	_ =	sdelay $0x1  }
0x96: {  	s16 =	simm.s32 $_scs_section_size  }
0x97: {  	s2 =	simm.s32 $_size__tile_overlayer_lowered;
	s3 =	simm.s32 $_tile_overlayer_lowered  }
0x98: {  	s4 =	simm.s32 $0x1BFF;
	s17 =	sshll.u32 s3, $0x1;
	s1 =	sadd.s32 s16, s15  }
0x99: {  	s18 =	simm.s32 $0x0;
	s2 =	sshll.u32 s2, $0x1;
	s3 =	sadd.s32 s17, s1  }
0x9a: {  	[timem:s18], [sflag:s4] =	dma.local [hbm:s3], s2  }
0x9b: {  	_ =	swait.ge [sflag:s4], s2  }
0x9c: {  	s2 =	ssub.s32 $0x0, s2;
	[sflag:s4] =	ssyncset.done $0x0  }
0x9d: {  	[sflag:s4] =	ssyncadd.s32 s2;
	_ =	sdelay $0x1  }
0x9e: {  	s19 =	simm.s32 $0x1B8B  }
0x9f: {  	_ =	swait.ge [sflag:s19], $0x1  }
0xa0: {  	[sflag:s19] =	ssyncset.done $0x0  }
0xa1: {  	s21 =	simm.s32 $0x1B8E;
	s20 =	sld [smem:$0x3FFE];
	[sflag:s19] =	ssyncadd.s32 $0xFFFFFFFF  }
0xa2: {  	s22 =	simm.s32 $execute0_lowered;
	[smem:$0x3FD2] =	sst s21  }
0xa3: {  	s3 =	sshll.u32 s22, $0x1;
	_ =	strace $0x80000046;
	[dreg:$0x1] =	wrdreg $0xFFFFFFFF  }
0xa4: {  	s23 =	simm.s32 $_size_execute0_lowered;
	s3 =	sadd.s32 s1, s3;
	[dreg:$0x0] =	wrdreg $0x0  }
0xa5: {  	s4 =	sshll.u32 s23, $0x1;
	[dreg:$0x2] =	wrdreg s3  }
0xa6: {  	[dreg:$0x3] =	wrdreg s4  }
0xa7: {  	[dreg:$0x4] =	wrdreg $0xC0  }
0xa8: {  	s24 =	simm.s32 $execute1_lowered;
	_ =	task [dreg:s18], $0x5FFFF  }
0xa9: {  	s3 =	sshll.u32 s24, $0x1;
	[dreg:$0x1] =	wrdreg $0xFFFFFFFF  }
0xaa: {  	s1 =	sadd.s32 s1, s3;
	[dreg:$0x0] =	wrdreg $0x60  }
0xab: {  	[dreg:$0x2] =	wrdreg s1  }
0xac: {  	[dreg:$0x3] =	wrdreg s20  }
0xad: {  	[dreg:$0x4] =	wrdreg $0x9  }
0xae: {  	_ =	task.clear_ibuf [dreg:s18], $0x5FFFF;
	_ =	strace $0x90000046  }
0xaf: {  	s25 =	simm.s32 $0x9;
	_ =	strace $0x80000048  }
0xb0: {  	_ =	swait.ge [sflag:s25], $0x1  }
0xb1: {  	[sflag:s25] =	ssyncadd.s32 $0xFFFFFFFF  }
0xb2: {  	_ =	strace $0x90000048  }
0xb3: {  	_ =	strace $0x80000049;
	[dreg:$0x1] =	wrdreg $0xFFFFFFFF  }
0xb4: {  	[dreg:$0x0] =	wrdreg $0x2030  }
0xb5: {  	[dreg:$0x2] =	wrdreg s20  }
0xb6: {  	[dreg:$0x3] =	wrdreg $0xA  }
0xb7: {  	_ =	task.clear_ibuf [dreg:s18], $0x4FFFF;
	_ =	strace $0x90000049  }
0xb8: {  	s26 =	simm.s32 $0xA;
	_ =	strace $0x8000004B  }
0xb9: {  	_ =	swait.ge [sflag:s26], $0x1  }
0xba: {  	[sflag:s26] =	ssyncadd.s32 $0xFFFFFFFF  }
0xbb: {  	_ =	strace $0x9000004B  }
0xbc: {  	_ =	sfence  }
0xbd: {  	s28 =	sld [smem:$0x0];
	_ =	sdelay $0x1  }
0xbe: {  	s29 =	srdreg.scid  }
0xbf: {  	s30 =	sshll.u32 s29, $0xD;
	s31 =	sshrl.u32 s29, $0x2  }
0xc0: {  	s2 =	sand.u32 $0x1, s29;
	s3 =	sand.u32 $0x4000, s30;
	s1 =	sadd.s32 s31, s28  }
0xc1: {  	s2 =	sor.u32 s3, s2;
	s1 =	sshll.u32 s1, $0x11  }
0xc2: {  	s1 =	sor.u32 s1, s2  }
0xc3: {  	s1 =	sadd.s32 $0x8F2B, s1  }
0xc4: {  	[sflag:s1] =	ssyncadd.remote.s32 $0x1  }
0xc5: {  	_ =	sfence.sel $0xFFFF  }
0xc6: {  	[dreg:$0x0] =	wrdreg $0xFFFFFFFF;
	(pc) =	sbr.abs _section_cstart, $3  }
0xc7: {  	[dreg:$0x1] =	wrdreg $0xFFFFFFFF  }
0xc8: {  	_ =	task.clear_ibuf [dreg:s18], $0x2FFFF;
	_ =	strace $0x9FFFFFFF  }
0xc9: {  	(tm) =	ssettm $0x7FFFFFFF  }
tec
execute0_lowered:
.L_overlay_start_1:
0x0: {  	(tag) =	ssettag $0x1  }
0x1: {  	s2 =	rddreg [dreg:$0x0]  }
0x2: {  	s5 =	rddreg [dreg:$0x1]  }
0x3: {  	s0 =	rddreg [dreg:$0x2]  }
0x4: {  	s3 =	stileid.u32;
	[bflag:$0x3] =	sbarrier.arrive $0xFFFF;
	s1 =	simm.s32 $_size_execute1_lowered  }
0x5: {  	s8 =	simm.s32 $0x2;
	s13 =	simm.s32 $0x0;
	p0 =	sne.s32 s3, $0x0  }
0x6: {  	s1 =	sshll.u32 s1, $0x1;
	s4 =	simm.s32 @!p0 $0x1C3F;
	s6 =	simm.s32 @!p0 $0x4060  }
0x7: {  	[timem:s6], [sflag:s4] =	dma.local @!p0 [hbm:s2], s1  }
0x8: {  	s9 =	simm.s32 $0x80;
	s10 =	simm.s32 $0x0;
	s2 =	sshll.u32 s3, $0x9  }
0x9: {  	s12 =	simm.s32 $0x0;
	s3 =	sadd.s32 $0x5C7400, s5;
	s31 =	ssub.s32 $0x2800, s2  }
.Ltmp0:
0xa: {  	s4 =	simm.s32 $0x1;
	s7 =	sand.u32 $0x1E00, s31;
	(pc) =	sbr.rel .LBB2_1-.Ltmp0, $4  }
0xb: {  	s5 =	sadd.s32 $0x5EF400, s5;
	p1 =	sne.s32 s7, $0x0;
	s7 =	simm.s32 $0x1  }
0xc: {  	_ =	strace $0x80000047;
	s6 =	sshrl.u32 s31, $0xD;
	s7 =	simm.s32 @!p1 $0x0  }
0xd: {  	s11 =	smov.u32 s2;
	[sflag:s4] =	ssyncpa.u1 $0x0;
	s6 =	sadd.s32 s7, s6  }
0xe: {  	[sflag:s8] =	ssyncpa.u1 $0x0;
	s8 =	simm.s32 $0x20;
	s7 =	sadd.s32 $0x1, s6  }
.LBB2_4:
0xf: {  	s13 =	sand.u32 $0x1FFFFFF, s13  }
0x10: {  	s16 =	smulhi.u32 $0xCCCCCD, s13;
	_ =	sdelay $0x1  }
0x11: {  	s16 =	sshrl.u32 s16, $0x5  }
0x12: {  	s16 =	smul.u32 $0x2800, s16;
	_ =	sdelay $0x1  }
0x13: {  	s13 =	ssub.s32 s13, s16  }
0x14: {  	[tilespmem:v1+s14+$0x0 ss:$0x1] =	vst.idx.msk $0xffff, v2;
	s13 =	sshll.u32 s13, $0x4  }
0x15: {  	[tilespmem:v1+s14+$0xFFFFFFF0 ss:$0x1] =	vst.idx.msk $0xffff, v3;
	s13 =	sadd.s32 s5, s13  }
0x16: {  	[hbm4b:s13+s8] =	stream.strided.scatter [tilespmem:s15], [sflag:$0x2], $0x4000, s9, s8, $0x38;
	[tilespmem:$0x10000] =	vst v63  }
.LBB2_5:
0x17: {  	s15 =	sadd.s32 $0x2000, s11  }
0x18: {  	p2 =	sgt.s32 s15, $0x27FF  }
0x19: {  	s15 =	smov.u32 @p2 s2;
	p2 =	sne.s32 s12, s7  }
.Ltmp1:
0x1a: {  	p1 =	slt.u32 s12, $0x2;
	(pc) =	sbr.rel @!p2 .LBB2_6-.Ltmp1, $4  }
0x1b: {  	s14 =	simm.s32 @!p1 $0x2  }
0x1c: {  	s16 =	sadd.s32 $0x1, s12;
	_ =	swait.ge @!p1 [sflag:s14], $0x4000  }
0x1d: {  	s13 =	smov.u32 s11;
	s10 =	sadd.s32 $0x4000, s10;
	[sflag:s14] =	ssyncset.done @!p1 $0x0  }
0x1e: {  	s12 =	smov.u32 s16;
	s11 =	smov.u32 s15;
	[sflag:s14] =	ssyncadd.s32 @!p1 $0xFFFFC000  }
.LBB2_1:
0x1f: {  	p1 =	sge.u32 s12, s6  }
0x20: {  	s14 =	sand.u32 @!p1 $0x1FFFFFF, s11  }
0x21: {  	s15 =	smulhi.u32 @!p1 $0xCCCCCD, s14;
	_ =	sdelay $0x1  }
0x22: {  	s15 =	sshrl.u32 @!p1 s15, $0x5  }
0x23: {  	s15 =	smul.u32 @!p1 $0x2800, s15;
	_ =	sdelay $0x1  }
0x24: {  	s31 =	sadd.s32 $0xFFFFFFFF, s12;
	s16 =	sxor.u32 @!p1 $0xFFFFFFFF, s12;
	s14 =	ssub.s32 @!p1 s14, s15  }
0x25: {  	s17 =	simm.s32 @!p1 $0x80;
	s16 =	sshll.u32 @!p1 s16, $0xE;
	s14 =	sshll.u32 @!p1 s14, $0x4  }
0x26: {  	s15 =	sand.u32 @!p1 $0x4000, s16;
	s16 =	simm.s32 @!p1 $0x20;
	s14 =	sadd.s32 @!p1 s3, s14  }
0x27: {  	[tilespmem:s15], [sflag:$0x1] =	stream.strided.gather @!p1 [hbm4b:s14+s16], $0x4000, s17, s16, $0x38;
	[tilespmem:$0x10000] =	vst v63  }
0x28: {  	p1 =	sge.u32 s31, s6  }
.Ltmp2:
0x29: {  	_ = 	snop;
	(pc) =	sbr.rel @p1 .LBB2_5-.Ltmp2, $1  }
0x2a: {  	_ =	sdelay $0x3  }
0x2b: {  	s15 =	sand.u32 $0x4000, s10  }
0x2c: {  	s14 =	sor.u32 $0x10, s15  }
0x2d: {  	v0 =	vmov s14;
	_ =	sdelay $0x1  }
0x2e: {  	_ =	swait.ge [sflag:s4], $0x4000  }
0x2f: {  	[sflag:s4] =	ssyncset.done $0x0  }
0x30: {  	s16 =	sshll.u32 s12, $0xE;
	[sflag:s4] =	ssyncadd.s32 $0xFFFFC000;
	s14 =	simm.s32 $0x0  }
0x31: {  	s17 =	sor.u32 $0x8010, s15;
	s31 =	sand.u32 $0x4000, s16;
	v2 =	vld.idx.msk [tilespmem:v0+s14+$0x0 ss:$0x1], $0xffff  }
0x32: {  	s16 =	simm.s32 $0x80;
	s15 =	sor.u32 $0x8000, s31;
	v1 =	vmov s17;
	v3 =	vld.idx.msk [tilespmem:v0+s14+$0xFFFFFFF0 ss:$0x1], $0xffff  }
.LBB2_3:
0x33: {  	p1 =	sne.s32 s16, $0xFF80  }
.Ltmp3:
0x34: {  	_ = 	snop;
	(pc) =	sbr.rel @p1 .LBB2_3-.Ltmp3, $4  }
0x35: {  	_ = 	snop  }
0x36: {  	s17 =	sshra.s32 s16, $0x2;
	s16 =	sadd.s32 $0x80, s16  }
0x37: {  	[tilespmem:v1+s14+$0x0 ss:$0x1] =	vst.idx.msk $0xffff, v2;
	v2 =	vld.idx.msk [tilespmem:v0+s17+$0x0 ss:$0x1], $0xffff  }
0x38: {  	[tilespmem:v1+s14+$0xFFFFFFF0 ss:$0x1] =	vst.idx.msk $0xffff, v3;
	v3 =	vld.idx.msk [tilespmem:v0+s17+$0xFFFFFFF0 ss:$0x1], $0xffff;
	s14 =	smov.u32 s17  }
.Ltmp4:
0x39: {  	_ = 	snop;
	(pc) =	sbr.rel .LBB2_4-.Ltmp4, $1  }
0x3a: {  	_ =	sdelay $0x3  }
.LBB2_6:
0x3b: {  	_ =	sfence.sel $0x180000  }
0x3c: {  	s2 =	simm.s32 $0x1;
	[bflag:$0x0] =	sbarrier.arrive $0xFFFF  }
0x3d: {  	s31 =	simm.s32 $0x2;
	[sflag:s2] =	ssyncpa.u1 $0x1  }
0x3e: {  	[sflag:s31] =	ssyncpa.u1 $0x1  }
0x3f: {  	_ =	strace $0x90000047  }
0x40: {  	s0 =	sadd.s32 @!p0 $0x100000, s0;
	[bflag:$0x2] =	sbarrier.arrive $0xFFFF  }
0x41: {  	[sflag:s0] =	ssyncadd.tile.s32 @!p0 $0x1;
	s0 =	simm.s32 @!p0 $0x3F  }
0x42: {  	_ =	swait.ge @!p0 [sflag:s0], s1  }
0x43: {  	s1 =	ssub.s32 @!p0 $0x0, s1;
	[sflag:s0] =	ssyncset.done @!p0 $0x0  }
0x44: {  	[sflag:s0] =	ssyncadd.s32 @!p0 s1  }
0x45: {  	[bflag:$0x3] =	sbarrier.arrive $0xFFFF  }
0x46: {  	_ =	shalt  }
.Lfunc_end2:
execute1_lowered:
.L_overlay_start_2:
0x47: {  	(tag) =	ssettag $0x2  }
0x48: {  	s8 =	rddreg [dreg:$0x0];
	_ =	strace $0x8000004A;
	s11 =	simm.s32 $0x1  }
0x49: {  	v0 =	vimm.s32 $0x0;
	[sflag:s11] =	ssyncpa.u1 $0x0  }
0x4a: {  	[tilespmem:$0x28] =	vst v0  }
0x4b: {  	[tilespmem:$0x38] =	vst v0  }
0x4c: {  	[tilespmem:$0x48] =	vst v0  }
0x4d: {  	[tilespmem:$0x58] =	vst v0  }
0x4e: {  	[tilespmem:$0x68] =	vst v0  }
0x4f: {  	[tilespmem:$0x78] =	vst v0  }
0x50: {  	[tilespmem:$0x88] =	vst v0  }
0x51: {  	[tilespmem:$0x98] =	vst v0  }
0x52: {  	[tilespmem:$0xA8] =	vst v0  }
0x53: {  	[tilespmem:$0xB8] =	vst v0  }
0x54: {  	[tilespmem:$0xC8] =	vst v0  }
0x55: {  	[tilespmem:$0xD8] =	vst v0  }
0x56: {  	[tilespmem:$0xE8] =	vst v0  }
0x57: {  	[tilespmem:$0xF8] =	vst v0  }
0x58: {  	[tilespmem:$0x108] =	vst v0  }
0x59: {  	[tilespmem:$0x118] =	vst v0  }
0x5a: {  	[tilespmem:$0x128] =	vst v0  }
0x5b: {  	[tilespmem:$0x138] =	vst v0  }
0x5c: {  	[tilespmem:$0x148] =	vst v0  }
0x5d: {  	[tilespmem:$0x158] =	vst v0  }
0x5e: {  	[tilespmem:$0x168] =	vst v0  }
0x5f: {  	[tilespmem:$0x178] =	vst v0  }
0x60: {  	[tilespmem:$0x188] =	vst v0  }
0x61: {  	[tilespmem:$0x198] =	vst v0  }
0x62: {  	[tilespmem:$0x1A8] =	vst v0  }
0x63: {  	[tilespmem:$0x1B8] =	vst v0  }
0x64: {  	[tilespmem:$0x1C8] =	vst v0  }
0x65: {  	[tilespmem:$0x1D8] =	vst v0  }
0x66: {  	[tilespmem:$0x1E8] =	vst v0  }
0x67: {  	[tilespmem:$0x1F8] =	vst v0  }
0x68: {  	[tilespmem:$0x208] =	vst v0  }
0x69: {  	[tilespmem:$0x218] =	vst v0  }
0x6a: {  	[tilespmem:$0x228] =	vst v0  }
0x6b: {  	[tilespmem:$0x238] =	vst v0  }
0x6c: {  	[tilespmem:$0x248] =	vst v0  }
0x6d: {  	[tilespmem:$0x258] =	vst v0  }
0x6e: {  	[tilespmem:$0x268] =	vst v0  }
0x6f: {  	[tilespmem:$0x278] =	vst v0  }
0x70: {  	[tilespmem:$0x288] =	vst v0  }
0x71: {  	[tilespmem:$0x298] =	vst v0  }
0x72: {  	[tilespmem:$0x2A8] =	vst v0  }
0x73: {  	[tilespmem:$0x2B8] =	vst v0  }
0x74: {  	[tilespmem:$0x2C8] =	vst v0  }
0x75: {  	[tilespmem:$0x2D8] =	vst v0  }
0x76: {  	[tilespmem:$0x2E8] =	vst v0  }
0x77: {  	[tilespmem:$0x2F8] =	vst v0  }
0x78: {  	[tilespmem:$0x308] =	vst v0  }
0x79: {  	[tilespmem:$0x318] =	vst v0  }
0x7a: {  	[tilespmem:$0x328] =	vst v0  }
0x7b: {  	[tilespmem:$0x338] =	vst v0  }
0x7c: {  	[tilespmem:$0x348] =	vst v0  }
0x7d: {  	[tilespmem:$0x358] =	vst v0  }
0x7e: {  	[tilespmem:$0x368] =	vst v0  }
0x7f: {  	[tilespmem:$0x378] =	vst v0  }
0x80: {  	[tilespmem:$0x388] =	vst v0  }
0x81: {  	[tilespmem:$0x398] =	vst v0  }
0x82: {  	[tilespmem:$0x3A8] =	vst v0  }
0x83: {  	[tilespmem:$0x3B8] =	vst v0  }
0x84: {  	[tilespmem:$0x3C8] =	vst v0  }
0x85: {  	[tilespmem:$0x3D8] =	vst v0  }
0x86: {  	[tilespmem:$0x3E8] =	vst v0  }
0x87: {  	[tilespmem:$0x3F8] =	vst v0  }
0x88: {  	[tilespmem:$0x408] =	vst v0  }
0x89: {  	[tilespmem:$0x418] =	vst v0  }
0x8a: {  	[tilespmem:$0x428] =	vst v0  }
0x8b: {  	[tilespmem:$0x438] =	vst v0  }
0x8c: {  	[tilespmem:$0x448] =	vst v0  }
0x8d: {  	[tilespmem:$0x458] =	vst v0  }
0x8e: {  	[tilespmem:$0x468] =	vst v0  }
0x8f: {  	[tilespmem:$0x478] =	vst v0  }
0x90: {  	[tilespmem:$0x488] =	vst v0  }
0x91: {  	[tilespmem:$0x498] =	vst v0  }
0x92: {  	[tilespmem:$0x4A8] =	vst v0  }
0x93: {  	[tilespmem:$0x4B8] =	vst v0  }
0x94: {  	[tilespmem:$0x4C8] =	vst v0  }
0x95: {  	[tilespmem:$0x4D8] =	vst v0  }
0x96: {  	[tilespmem:$0x4E8] =	vst v0  }
0x97: {  	[tilespmem:$0x4F8] =	vst v0  }
0x98: {  	[tilespmem:$0x508] =	vst v0  }
0x99: {  	[tilespmem:$0x518] =	vst v0  }
0x9a: {  	[tilespmem:$0x528] =	vst v0  }
0x9b: {  	[tilespmem:$0x538] =	vst v0  }
0x9c: {  	[tilespmem:$0x548] =	vst v0  }
0x9d: {  	[tilespmem:$0x558] =	vst v0  }
0x9e: {  	[tilespmem:$0x568] =	vst v0  }
0x9f: {  	[tilespmem:$0x578] =	vst v0  }
0xa0: {  	[tilespmem:$0x588] =	vst v0  }
0xa1: {  	[tilespmem:$0x598] =	vst v0  }
0xa2: {  	[tilespmem:$0x5A8] =	vst v0  }
0xa3: {  	[tilespmem:$0x5B8] =	vst v0  }
0xa4: {  	[tilespmem:$0x5C8] =	vst v0  }
0xa5: {  	[tilespmem:$0x5D8] =	vst v0  }
0xa6: {  	[tilespmem:$0x5E8] =	vst v0  }
0xa7: {  	[tilespmem:$0x5F8] =	vst v0  }
0xa8: {  	[tilespmem:$0x608] =	vst v0  }
0xa9: {  	[tilespmem:$0x618] =	vst v0  }
0xaa: {  	[tilespmem:$0x628] =	vst v0  }
0xab: {  	[tilespmem:$0x638] =	vst v0  }
0xac: {  	[tilespmem:$0x648] =	vst v0  }
0xad: {  	[tilespmem:$0x658] =	vst v0  }
0xae: {  	[tilespmem:$0x668] =	vst v0  }
0xaf: {  	[tilespmem:$0x678] =	vst v0  }
0xb0: {  	[tilespmem:$0x688] =	vst v0  }
0xb1: {  	[tilespmem:$0x698] =	vst v0  }
0xb2: {  	[tilespmem:$0x6A8] =	vst v0  }
0xb3: {  	[tilespmem:$0x6B8] =	vst v0  }
0xb4: {  	[tilespmem:$0x6C8] =	vst v0  }
0xb5: {  	[tilespmem:$0x6D8] =	vst v0  }
0xb6: {  	[tilespmem:$0x6E8] =	vst v0  }
0xb7: {  	[tilespmem:$0x6F8] =	vst v0  }
0xb8: {  	[tilespmem:$0x708] =	vst v0  }
0xb9: {  	[tilespmem:$0x718] =	vst v0  }
0xba: {  	[tilespmem:$0x728] =	vst v0  }
0xbb: {  	[tilespmem:$0x738] =	vst v0  }
0xbc: {  	[tilespmem:$0x748] =	vst v0  }
0xbd: {  	[tilespmem:$0x758] =	vst v0  }
0xbe: {  	[tilespmem:$0x768] =	vst v0  }
0xbf: {  	[tilespmem:$0x778] =	vst v0  }
0xc0: {  	[tilespmem:$0x788] =	vst v0  }
0xc1: {  	[tilespmem:$0x798] =	vst v0  }
0xc2: {  	[tilespmem:$0x7A8] =	vst v0  }
0xc3: {  	[tilespmem:$0x7B8] =	vst v0  }
0xc4: {  	[tilespmem:$0x7C8] =	vst v0  }
0xc5: {  	[tilespmem:$0x7D8] =	vst v0  }
0xc6: {  	[tilespmem:$0x7E8] =	vst v0  }
0xc7: {  	[tilespmem:$0x7F8] =	vst v0  }
0xc8: {  	[tilespmem:$0x808] =	vst v0  }
0xc9: {  	[tilespmem:$0x818] =	vst v0  }
0xca: {  	[tilespmem:$0x828] =	vst v0  }
0xcb: {  	[tilespmem:$0x838] =	vst v0  }
0xcc: {  	[tilespmem:$0x848] =	vst v0  }
0xcd: {  	[tilespmem:$0x858] =	vst v0  }
0xce: {  	[tilespmem:$0x868] =	vst v0  }
0xcf: {  	[tilespmem:$0x878] =	vst v0  }
0xd0: {  	[tilespmem:$0x888] =	vst v0  }
0xd1: {  	[tilespmem:$0x898] =	vst v0  }
0xd2: {  	[tilespmem:$0x8A8] =	vst v0  }
0xd3: {  	[tilespmem:$0x8B8] =	vst v0  }
0xd4: {  	[tilespmem:$0x8C8] =	vst v0  }
0xd5: {  	[tilespmem:$0x8D8] =	vst v0  }
0xd6: {  	[tilespmem:$0x8E8] =	vst v0  }
0xd7: {  	[tilespmem:$0x8F8] =	vst v0  }
0xd8: {  	[tilespmem:$0x908] =	vst v0  }
0xd9: {  	[tilespmem:$0x918] =	vst v0  }
0xda: {  	[tilespmem:$0x928] =	vst v0  }
0xdb: {  	[tilespmem:$0x938] =	vst v0  }
0xdc: {  	[tilespmem:$0x948] =	vst v0  }
0xdd: {  	[tilespmem:$0x958] =	vst v0  }
0xde: {  	[tilespmem:$0x968] =	vst v0  }
0xdf: {  	[tilespmem:$0x978] =	vst v0  }
0xe0: {  	[tilespmem:$0x988] =	vst v0  }
0xe1: {  	[tilespmem:$0x998] =	vst v0  }
0xe2: {  	[tilespmem:$0x9A8] =	vst v0  }
0xe3: {  	[tilespmem:$0x9B8] =	vst v0  }
0xe4: {  	[tilespmem:$0x9C8] =	vst v0  }
0xe5: {  	[tilespmem:$0x9D8] =	vst v0  }
0xe6: {  	[tilespmem:$0x9E8] =	vst v0  }
0xe7: {  	[tilespmem:$0x9F8] =	vst v0  }
0xe8: {  	[tilespmem:$0xA08] =	vst v0  }
0xe9: {  	[tilespmem:$0xA18] =	vst v0  }
0xea: {  	[tilespmem:$0xA28] =	vst v0  }
0xeb: {  	[tilespmem:$0xA38] =	vst v0  }
0xec: {  	[tilespmem:$0xA48] =	vst v0  }
0xed: {  	[tilespmem:$0xA58] =	vst v0  }
0xee: {  	[tilespmem:$0xA68] =	vst v0  }
0xef: {  	[tilespmem:$0xA78] =	vst v0  }
0xf0: {  	[tilespmem:$0xA88] =	vst v0  }
0xf1: {  	[tilespmem:$0xA98] =	vst v0  }
0xf2: {  	[tilespmem:$0xAA8] =	vst v0  }
0xf3: {  	[tilespmem:$0xAB8] =	vst v0  }
0xf4: {  	[tilespmem:$0xAC8] =	vst v0  }
0xf5: {  	[tilespmem:$0xAD8] =	vst v0  }
0xf6: {  	[tilespmem:$0xAE8] =	vst v0  }
0xf7: {  	[tilespmem:$0xAF8] =	vst v0  }
0xf8: {  	[tilespmem:$0xB08] =	vst v0  }
0xf9: {  	[tilespmem:$0xB18] =	vst v0  }
0xfa: {  	[tilespmem:$0xB28] =	vst v0  }
0xfb: {  	[tilespmem:$0xB38] =	vst v0  }
0xfc: {  	[tilespmem:$0xB48] =	vst v0  }
0xfd: {  	[tilespmem:$0xB58] =	vst v0  }
0xfe: {  	[tilespmem:$0xB68] =	vst v0  }
0xff: {  	[tilespmem:$0xB78] =	vst v0  }
0x100: {  	[tilespmem:$0xB88] =	vst v0  }
0x101: {  	[tilespmem:$0xB98] =	vst v0  }
0x102: {  	[tilespmem:$0xBA8] =	vst v0  }
0x103: {  	[tilespmem:$0xBB8] =	vst v0  }
0x104: {  	[tilespmem:$0xBC8] =	vst v0  }
0x105: {  	[tilespmem:$0xBD8] =	vst v0  }
0x106: {  	[tilespmem:$0xBE8] =	vst v0  }
0x107: {  	[tilespmem:$0xBF8] =	vst v0  }
0x108: {  	[tilespmem:$0xC08] =	vst v0  }
0x109: {  	[tilespmem:$0xC18] =	vst v0  }
0x10a: {  	[tilespmem:$0xC28] =	vst v0  }
0x10b: {  	[tilespmem:$0xC38] =	vst v0  }
0x10c: {  	[tilespmem:$0xC48] =	vst v0  }
0x10d: {  	[tilespmem:$0xC58] =	vst v0  }
0x10e: {  	[tilespmem:$0xC68] =	vst v0  }
0x10f: {  	[tilespmem:$0xC78] =	vst v0  }
0x110: {  	[tilespmem:$0xC88] =	vst v0  }
0x111: {  	[tilespmem:$0xC98] =	vst v0  }
0x112: {  	[tilespmem:$0xCA8] =	vst v0  }
0x113: {  	[tilespmem:$0xCB8] =	vst v0  }
0x114: {  	[tilespmem:$0xCC8] =	vst v0  }
0x115: {  	[tilespmem:$0xCD8] =	vst v0  }
0x116: {  	[tilespmem:$0xCE8] =	vst v0  }
0x117: {  	[tilespmem:$0xCF8] =	vst v0  }
0x118: {  	[tilespmem:$0xD08] =	vst v0  }
0x119: {  	[tilespmem:$0xD18] =	vst v0  }
0x11a: {  	[tilespmem:$0xD28] =	vst v0  }
0x11b: {  	[tilespmem:$0xD38] =	vst v0  }
0x11c: {  	[tilespmem:$0xD48] =	vst v0  }
0x11d: {  	[tilespmem:$0xD58] =	vst v0  }
0x11e: {  	[tilespmem:$0xD68] =	vst v0  }
0x11f: {  	[tilespmem:$0xD78] =	vst v0  }
0x120: {  	[tilespmem:$0xD88] =	vst v0  }
0x121: {  	[tilespmem:$0xD98] =	vst v0  }
0x122: {  	[tilespmem:$0xDA8] =	vst v0  }
0x123: {  	[tilespmem:$0xDB8] =	vst v0  }
0x124: {  	[tilespmem:$0xDC8] =	vst v0  }
0x125: {  	[tilespmem:$0xDD8] =	vst v0  }
0x126: {  	[tilespmem:$0xDE8] =	vst v0  }
0x127: {  	[tilespmem:$0xDF8] =	vst v0  }
0x128: {  	[tilespmem:$0xE08] =	vst v0  }
0x129: {  	[tilespmem:$0xE18] =	vst v0  }
0x12a: {  	[tilespmem:$0xE28] =	vst v0  }
0x12b: {  	[tilespmem:$0xE38] =	vst v0  }
0x12c: {  	[tilespmem:$0xE48] =	vst v0  }
0x12d: {  	[tilespmem:$0xE58] =	vst v0  }
0x12e: {  	[tilespmem:$0xE68] =	vst v0  }
0x12f: {  	[tilespmem:$0xE78] =	vst v0  }
0x130: {  	[tilespmem:$0xE88] =	vst v0  }
0x131: {  	[tilespmem:$0xE98] =	vst v0  }
0x132: {  	[tilespmem:$0xEA8] =	vst v0  }
0x133: {  	[tilespmem:$0xEB8] =	vst v0  }
0x134: {  	[tilespmem:$0xEC8] =	vst v0  }
0x135: {  	[tilespmem:$0xED8] =	vst v0  }
0x136: {  	[tilespmem:$0xEE8] =	vst v0  }
0x137: {  	[tilespmem:$0xEF8] =	vst v0  }
0x138: {  	[tilespmem:$0xF08] =	vst v0  }
0x139: {  	[tilespmem:$0xF18] =	vst v0  }
0x13a: {  	[tilespmem:$0xF28] =	vst v0  }
0x13b: {  	[tilespmem:$0xF38] =	vst v0  }
0x13c: {  	[tilespmem:$0xF48] =	vst v0  }
0x13d: {  	[tilespmem:$0xF58] =	vst v0  }
0x13e: {  	[tilespmem:$0xF68] =	vst v0  }
0x13f: {  	[tilespmem:$0xF78] =	vst v0  }
0x140: {  	[tilespmem:$0xF88] =	vst v0  }
0x141: {  	[tilespmem:$0xF98] =	vst v0  }
0x142: {  	[tilespmem:$0xFA8] =	vst v0  }
0x143: {  	[tilespmem:$0xFB8] =	vst v0  }
0x144: {  	[tilespmem:$0xFC8] =	vst v0  }
0x145: {  	[tilespmem:$0xFD8] =	vst v0  }
0x146: {  	[tilespmem:$0xFE8] =	vst v0  }
0x147: {  	[tilespmem:$0xFF8] =	vst v0  }
0x148: {  	[tilespmem:$0x1018] =	vst v0  }
0x149: {  	[tilespmem:$0x10D8] =	vst v0  }
0x14a: {  	[tilespmem:$0x1B28] =	vst v0  }
0x14b: {  	[tilespmem:$0x1B18] =	vst v0  }
0x14c: {  	[tilespmem:$0x1B08] =	vst v0  }
0x14d: {  	[tilespmem:$0x1AF8] =	vst v0  }
0x14e: {  	[tilespmem:$0x1AE8] =	vst v0  }
0x14f: {  	[tilespmem:$0x1AD8] =	vst v0  }
0x150: {  	[tilespmem:$0x1AC8] =	vst v0  }
0x151: {  	[tilespmem:$0x1AB8] =	vst v0  }
0x152: {  	[tilespmem:$0x1AA8] =	vst v0  }
0x153: {  	[tilespmem:$0x1A98] =	vst v0  }
0x154: {  	[tilespmem:$0x1A88] =	vst v0  }
0x155: {  	[tilespmem:$0x1A78] =	vst v0  }
0x156: {  	[tilespmem:$0x1A68] =	vst v0  }
0x157: {  	[tilespmem:$0x1A58] =	vst v0  }
0x158: {  	[tilespmem:$0x1A48] =	vst v0  }
0x159: {  	[tilespmem:$0x1A38] =	vst v0  }
0x15a: {  	[tilespmem:$0x1A28] =	vst v0  }
0x15b: {  	[tilespmem:$0x1A18] =	vst v0  }
0x15c: {  	[tilespmem:$0x1A08] =	vst v0  }
0x15d: {  	[tilespmem:$0x19F8] =	vst v0  }
0x15e: {  	[tilespmem:$0x19E8] =	vst v0  }
0x15f: {  	[tilespmem:$0x19D8] =	vst v0  }
0x160: {  	[tilespmem:$0x19C8] =	vst v0  }
0x161: {  	[tilespmem:$0x19B8] =	vst v0  }
0x162: {  	[tilespmem:$0x19A8] =	vst v0  }
0x163: {  	[tilespmem:$0x1998] =	vst v0  }
0x164: {  	[tilespmem:$0x1988] =	vst v0  }
0x165: {  	[tilespmem:$0x1978] =	vst v0  }
0x166: {  	[tilespmem:$0x1968] =	vst v0  }
0x167: {  	[tilespmem:$0x1958] =	vst v0  }
0x168: {  	[tilespmem:$0x1948] =	vst v0  }
0x169: {  	[tilespmem:$0x1938] =	vst v0  }
0x16a: {  	[tilespmem:$0x1928] =	vst v0  }
0x16b: {  	[tilespmem:$0x1918] =	vst v0  }
0x16c: {  	[tilespmem:$0x1908] =	vst v0  }
0x16d: {  	[tilespmem:$0x18F8] =	vst v0  }
0x16e: {  	[tilespmem:$0x18E8] =	vst v0  }
0x16f: {  	[tilespmem:$0x18D8] =	vst v0  }
0x170: {  	[tilespmem:$0x18C8] =	vst v0  }
0x171: {  	[tilespmem:$0x18B8] =	vst v0  }
0x172: {  	[tilespmem:$0x18A8] =	vst v0  }
0x173: {  	[tilespmem:$0x1898] =	vst v0  }
0x174: {  	[tilespmem:$0x1888] =	vst v0  }
0x175: {  	[tilespmem:$0x1878] =	vst v0  }
0x176: {  	[tilespmem:$0x1868] =	vst v0  }
0x177: {  	[tilespmem:$0x1858] =	vst v0  }
0x178: {  	[tilespmem:$0x1848] =	vst v0  }
0x179: {  	[tilespmem:$0x1838] =	vst v0  }
0x17a: {  	[tilespmem:$0x1828] =	vst v0  }
0x17b: {  	[tilespmem:$0x1818] =	vst v0  }
0x17c: {  	[tilespmem:$0x1808] =	vst v0  }
0x17d: {  	[tilespmem:$0x17F8] =	vst v0  }
0x17e: {  	[tilespmem:$0x17E8] =	vst v0  }
0x17f: {  	[tilespmem:$0x17D8] =	vst v0  }
0x180: {  	[tilespmem:$0x17C8] =	vst v0  }
0x181: {  	[tilespmem:$0x17B8] =	vst v0  }
0x182: {  	[tilespmem:$0x17A8] =	vst v0  }
0x183: {  	[tilespmem:$0x1798] =	vst v0  }
0x184: {  	[tilespmem:$0x1788] =	vst v0  }
0x185: {  	[tilespmem:$0x1778] =	vst v0  }
0x186: {  	[tilespmem:$0x1768] =	vst v0  }
0x187: {  	[tilespmem:$0x1758] =	vst v0  }
0x188: {  	[tilespmem:$0x1748] =	vst v0  }
0x189: {  	[tilespmem:$0x1738] =	vst v0  }
0x18a: {  	[tilespmem:$0x1728] =	vst v0  }
0x18b: {  	[tilespmem:$0x1718] =	vst v0  }
0x18c: {  	[tilespmem:$0x1708] =	vst v0  }
0x18d: {  	[tilespmem:$0x16F8] =	vst v0  }
0x18e: {  	[tilespmem:$0x16E8] =	vst v0  }
0x18f: {  	[tilespmem:$0x16D8] =	vst v0  }
0x190: {  	[tilespmem:$0x16C8] =	vst v0  }
0x191: {  	[tilespmem:$0x16B8] =	vst v0  }
0x192: {  	[tilespmem:$0x16A8] =	vst v0  }
0x193: {  	[tilespmem:$0x1698] =	vst v0  }
0x194: {  	[tilespmem:$0x1688] =	vst v0  }
0x195: {  	[tilespmem:$0x1678] =	vst v0  }
0x196: {  	[tilespmem:$0x1668] =	vst v0  }
0x197: {  	[tilespmem:$0x1658] =	vst v0  }
0x198: {  	[tilespmem:$0x1648] =	vst v0  }
0x199: {  	[tilespmem:$0x1638] =	vst v0  }
0x19a: {  	[tilespmem:$0x1628] =	vst v0  }
0x19b: {  	[tilespmem:$0x1618] =	vst v0  }
0x19c: {  	[tilespmem:$0x1608] =	vst v0  }
0x19d: {  	[tilespmem:$0x15F8] =	vst v0  }
0x19e: {  	[tilespmem:$0x15E8] =	vst v0  }
0x19f: {  	[tilespmem:$0x15D8] =	vst v0  }
0x1a0: {  	[tilespmem:$0x15C8] =	vst v0  }
0x1a1: {  	[tilespmem:$0x15B8] =	vst v0  }
0x1a2: {  	[tilespmem:$0x15A8] =	vst v0  }
0x1a3: {  	[tilespmem:$0x1598] =	vst v0  }
0x1a4: {  	[tilespmem:$0x1588] =	vst v0  }
0x1a5: {  	[tilespmem:$0x1578] =	vst v0  }
0x1a6: {  	[tilespmem:$0x1568] =	vst v0  }
0x1a7: {  	[tilespmem:$0x1558] =	vst v0  }
0x1a8: {  	[tilespmem:$0x1548] =	vst v0  }
0x1a9: {  	[tilespmem:$0x1538] =	vst v0  }
0x1aa: {  	[tilespmem:$0x1528] =	vst v0  }
0x1ab: {  	[tilespmem:$0x1518] =	vst v0  }
0x1ac: {  	[tilespmem:$0x1508] =	vst v0  }
0x1ad: {  	[tilespmem:$0x14F8] =	vst v0  }
0x1ae: {  	[tilespmem:$0x14E8] =	vst v0  }
0x1af: {  	[tilespmem:$0x14D8] =	vst v0  }
0x1b0: {  	[tilespmem:$0x14C8] =	vst v0  }
0x1b1: {  	[tilespmem:$0x14B8] =	vst v0  }
0x1b2: {  	[tilespmem:$0x14A8] =	vst v0  }
0x1b3: {  	[tilespmem:$0x1498] =	vst v0  }
0x1b4: {  	[tilespmem:$0x1488] =	vst v0  }
0x1b5: {  	[tilespmem:$0x1478] =	vst v0  }
0x1b6: {  	[tilespmem:$0x1468] =	vst v0  }
0x1b7: {  	[tilespmem:$0x1458] =	vst v0  }
0x1b8: {  	[tilespmem:$0x1448] =	vst v0  }
0x1b9: {  	[tilespmem:$0x1438] =	vst v0  }
0x1ba: {  	[tilespmem:$0x1428] =	vst v0  }
0x1bb: {  	[tilespmem:$0x1418] =	vst v0  }
0x1bc: {  	[tilespmem:$0x1408] =	vst v0  }
0x1bd: {  	[tilespmem:$0x13F8] =	vst v0  }
0x1be: {  	[tilespmem:$0x13E8] =	vst v0  }
0x1bf: {  	[tilespmem:$0x13D8] =	vst v0  }
0x1c0: {  	[tilespmem:$0x13C8] =	vst v0  }
0x1c1: {  	[tilespmem:$0x13B8] =	vst v0  }
0x1c2: {  	[tilespmem:$0x13A8] =	vst v0  }
0x1c3: {  	[tilespmem:$0x1398] =	vst v0  }
0x1c4: {  	[tilespmem:$0x1388] =	vst v0  }
0x1c5: {  	[tilespmem:$0x1378] =	vst v0  }
0x1c6: {  	[tilespmem:$0x1368] =	vst v0  }
0x1c7: {  	[tilespmem:$0x1358] =	vst v0  }
0x1c8: {  	[tilespmem:$0x1348] =	vst v0  }
0x1c9: {  	[tilespmem:$0x1338] =	vst v0  }
0x1ca: {  	[tilespmem:$0x1328] =	vst v0  }
0x1cb: {  	[tilespmem:$0x1318] =	vst v0  }
0x1cc: {  	[tilespmem:$0x1308] =	vst v0  }
0x1cd: {  	[tilespmem:$0x12F8] =	vst v0  }
0x1ce: {  	[tilespmem:$0x12E8] =	vst v0  }
0x1cf: {  	[tilespmem:$0x12D8] =	vst v0  }
0x1d0: {  	[tilespmem:$0x12C8] =	vst v0  }
0x1d1: {  	[tilespmem:$0x12B8] =	vst v0  }
0x1d2: {  	[tilespmem:$0x12A8] =	vst v0  }
0x1d3: {  	[tilespmem:$0x1298] =	vst v0  }
0x1d4: {  	[tilespmem:$0x1288] =	vst v0  }
0x1d5: {  	[tilespmem:$0x1278] =	vst v0  }
0x1d6: {  	[tilespmem:$0x1268] =	vst v0  }
0x1d7: {  	[tilespmem:$0x1258] =	vst v0  }
0x1d8: {  	[tilespmem:$0x1248] =	vst v0  }
0x1d9: {  	[tilespmem:$0x1238] =	vst v0  }
0x1da: {  	[tilespmem:$0x1228] =	vst v0  }
0x1db: {  	[tilespmem:$0x1218] =	vst v0  }
0x1dc: {  	[tilespmem:$0x1208] =	vst v0  }
0x1dd: {  	[tilespmem:$0x11F8] =	vst v0  }
0x1de: {  	[tilespmem:$0x11E8] =	vst v0  }
0x1df: {  	[tilespmem:$0x11D8] =	vst v0  }
0x1e0: {  	[tilespmem:$0x11C8] =	vst v0  }
0x1e1: {  	[tilespmem:$0x11B8] =	vst v0  }
0x1e2: {  	[tilespmem:$0x11A8] =	vst v0  }
0x1e3: {  	[tilespmem:$0x1198] =	vst v0  }
0x1e4: {  	[tilespmem:$0x1188] =	vst v0  }
0x1e5: {  	[tilespmem:$0x1178] =	vst v0  }
0x1e6: {  	[tilespmem:$0x1168] =	vst v0  }
0x1e7: {  	[tilespmem:$0x1158] =	vst v0  }
0x1e8: {  	[tilespmem:$0x1148] =	vst v0  }
0x1e9: {  	[tilespmem:$0x1138] =	vst v0  }
0x1ea: {  	[tilespmem:$0x1128] =	vst v0  }
0x1eb: {  	[tilespmem:$0x1118] =	vst v0  }
0x1ec: {  	s2 =	stileid.u32;
	[tilespmem:$0x1108] =	vst v0  }
0x1ed: {  	s0 =	smul.u32 $0x2F, s2;
	[tilespmem:$0x10F8] =	vst v0  }
0x1ee: {  	s1 =	smin.u32 s2, $0xC;
	[tilespmem:$0x10E8] =	vst v0  }
0x1ef: {  	[tilespmem:$0x10B8] =	vst v0;
	s0 =	sadd.s32 s1, s0  }
0x1f0: {  	p0 =	slt.u32 s2, $0xC;
	[tilespmem:$0x10C8] =	vst v0;
	s1 =	simm.s32 $0x5100;
	s3 =	smul.u32 $0x1B0, s0  }
0x1f1: {  	s1 =	simm.s32 @!p0 $0x4F50;
	[tilespmem:$0x10A8] =	vst v0  }
0x1f2: {  	[tilespmem:$0x1038] =	vst v0;
	s0 =	sadd.s32 s1, s3  }
0x1f3: {  	[tilespmem:$0x1098] =	vst v0;
	s4 =	smin.u32 s0, $0x50910  }
0x1f4: {  	[tilespmem:$0x1088] =	vst v0;
	s0 =	ssub.s32 s4, s3  }
0x1f5: {  	s5 =	simm.s32 $0x2;
	s29 =	simm.s32 $0x7;
	[tilespmem:$0x1078] =	vst v0;
	p0 =	sgt.s32 s0, $0x0  }
0x1f6: {  	s13 =	simm.s32 $0x8;
	s30 =	simm.s32 $0x9;
	[tilespmem:$0x1068] =	vst v0;
	s0 =	simm.s32 @!p0 $0x0  }
0x1f7: {  	p4 =	por $0x0, $0x0;
	s14 =	simm.s32 $0xA;
	[tilespmem:$0x1058] =	vst v0;
	s6 =	smulhi.u32 $0x4BDA12F7, s0  }
0x1f8: {  	s18 =	simm.s32 $0x0;
	s15 =	simm.s32 $0x0;
	s17 =	simm.s32 $0x0;
	[tilespmem:$0x1048] =	vst v0  }
0x1f9: {  	s7 =	sadd.s32 $0xBE200, s8;
	s31 =	sshll.u32 s2, $0x5;
	[tilespmem:$0x1028] =	vst v0;
	s12 =	sshrl.u32 s6, $0x7  }
0x1fa: {  	[tilespmem:$0x1008] =	vst v0;
	[sflag:s5] =	ssyncpa.u1 $0x0;
	v0 =	vimm.s32 $0xFFFFFFFF;
	s5 =	sadd.s32 $0xAA600, s8;
	s10 =	smul.u32 $0x1B0, s12  }
.Ltmp5:
0x1fb: {  	[dreg:$0x2] =	wrdreg s31;
	[tilespmem:$0x3648] =	vst v0;
	[sflag:s29] =	ssyncpa.u1 $0x0;
	(pc) =	sbr.rel .LBB3_1-.Ltmp5, $4  }
0x1fc: {  	[sflag:s13] =	ssyncpa.u1 $0x0;
	s13 =	simm.s32 $0x0;
	p0 =	sne.s32 s0, s10  }
0x1fd: {  	[sflag:s30] =	ssyncpa.u1 $0x0;
	s1 =	sadd.s32 $0x5EF400, s8;
	s11 =	simm.s32 @!p0 $0x0  }
0x1fe: {  	s16 =	smov.u32 s3;
	[dreg:$0x3] =	wrdreg s3;
	s11 =	sadd.s32 s11, s12  }
0x1ff: {  	v0 =	vlaneseq.u32;
	s6 =	sadd.s32 $0xA0400, s8;
	p0 =	por $0x1, $0x1;
	s8 =	sadd.s32 $0x1, s11  }
.LBB3_18:
0x200: {  	s0 =	simm.s32 $0x2  }
0x201: {  	_ =	swait.ge [sflag:s0], $0x0  }
0x202: {  	[sflag:s0] =	ssyncset.done $0x0;
	s0 =	simm.s32 $0x0  }
.LBB3_19:
0x203: {  	_ =	swait.ge [sflag:s14], s0  }
0x204: {  	s31 =	ssub.s32 $0x0, s0;
	v1 =	vmov s20;
	vm0 =	veq.s32 v0, $0x0;
	[sflag:s14] =	ssyncset.done $0x0  }
0x205: {  	vm15 =	veq.s32 v0, $0x2;
	v1 =	vsel vm0, s24, v1;
	[sflag:s14] =	ssyncadd.s32 s31  }
0x206: {  	v1 =	vsel vm15, s18, v1;
	[sflag:s14] =	ssyncpa.u1 $0x1  }
0x207: {  	[tilespmem:$0x3648] =	vst v1  }
.LBB3_20:
0x208: {  	s0 =	sadd.s32 $0x1B0, s16  }
0x209: {  	s2 =	smov.u32 s3;
	p1 =	slt.s32 s0, s4  }
0x20a: {  	s2 =	smov.u32 @p1 s0;
	p1 =	sne.s32 s17, s8  }
.Ltmp6:
0x20b: {  	_ = 	snop;
	(pc) =	sbr.rel @!p1 .LBB3_21-.Ltmp6, $4  }
0x20c: {  	_ = 	snop  }
0x20d: {  	s18 =	smov.u32 s15  }
0x20e: {  	s31 =	sadd.s32 $0x1, s17;
	s15 =	smov.u32 s16;
	p0 =	por !p0, !p0  }
0x20f: {  	p4 =	por !p4, !p4;
	s17 =	smov.u32 s31;
	s16 =	smov.u32 s2  }
.LBB3_1:
0x210: {  	p2 =	sge.u32 s17, s11  }
0x211: {  	s0 =	smulhi.u32 @!p2 $0xAAAAAAAB, s17  }
0x212: {  	s19 =	smov.u32 s16;
	p3 =	sgt.s32 @!p2 s16, $0x50760  }
0x213: {  	s20 =	sshra.s32 @!p2 s16, $0x1F;
	p3 =	por !p3, p2;
	s0 =	sshrl.u32 @!p2 s0, $0x1  }
0x214: {  	s20 =	sand.u32 @!p2 s20, s16;
	s19 =	simm.s32 @p3 $0x50760;
	s0 =	smul.u32 @!p2 $0x3, s0  }
0x215: {  	s19 =	ssub.s32 @!p2 s19, s20  }
0x216: {  	s19 =	sadd.s32 @!p2 $0xFFFAF8A0, s19;
	s0 =	ssub.s32 @!p2 s17, s0  }
0x217: {  	s20 =	sshll.u32 @!p2 s19, $0x2;
	p3 =	sgt.s32 @!p2 s19, $0x1AF;
	s0 =	smul.u32 @!p2 $0x6C0, s0  }
0x218: {  	s21 =	sand.u32 @!p2 $0x7, s16;
	s19 =	ssub.s32 @!p2 $0x6C0, s20;
	p3 =	por !p3, p2  }
0x219: {  	s20 =	sshrl.u32 @!p2 s16, $0x3;
	s19 =	sshrl.u32 @!p2 s19, $0x2;
	s0 =	sshrl.u32 @!p2 s0, $0x2  }
0x21a: {  	s20 =	sadd.s32 @!p2 s5, s20;
	s19 =	simm.s32 @!p3 $0x0;
	s0 =	sadd.s32 @!p2 $0x3878, s0  }
0x21b: {  	[tilespmem:s0], [sflag:$0x8] =	stream.linear.gather @!p2 [hbm4b:s20+s21], s19, $0x38;
	[tilespmem:$0x1F0E8] =	vst v63  }
0x21c: {  	s20 =	sadd.s32 $0xFFFFFFFF, s17  }
0x21d: {  	p2 =	sge.u32 s20, s11  }
0x21e: {  	p3 =	sgt.s32 @!p2 s15, $0x50760  }
0x21f: {  	s0 =	smov.u32 s15;
	s19 =	sshra.s32 @!p2 s15, $0x1F;
	p3 =	por !p3, p2  }
0x220: {  	s19 =	sand.u32 @!p2 s19, s15;
	s0 =	simm.s32 @p3 $0x50760  }
0x221: {  	s0 =	ssub.s32 @!p2 s0, s19  }
0x222: {  	s0 =	sadd.s32 @!p2 $0xFFFAF8A0, s0  }
0x223: {  	s19 =	sshll.u32 @!p2 s0, $0x2  }
0x224: {  	p3 =	sgt.s32 @!p2 s0, $0x1AF;
	s0 =	ssub.s32 @!p2 $0x6C0, s19  }
0x225: {  	p3 =	por !p3, p2;
	s0 =	sshrl.u32 @!p2 s0, $0x2  }
0x226: {  	s21 =	simm.s32 @!p2 $0x8;
	s19 =	sand.u32 @!p2 $0x1, s20;
	s0 =	simm.s32 @!p3 $0x0  }
0x227: {  	s19 =	smul.u32 @!p2 $0x6C0, s19;
	_ =	swait.ge @!p2 [sflag:s21], s0  }
0x228: {  	s22 =	ssub.s32 @!p2 $0x0, s0;
	[sflag:s21] =	ssyncset.done @!p2 $0x0  }
0x229: {  	s19 =	sshrl.u32 @!p2 s19, $0x2;
	[sflag:s21] =	ssyncadd.s32 @!p2 s22;
	s21 =	sshrl.u32 @!p2 s15, $0x3  }
0x22a: {  	s19 =	sadd.s32 @!p2 $0x3D88, s19;
	s22 =	sand.u32 @!p2 $0x7, s15;
	s21 =	sadd.s32 @!p2 s6, s21  }
0x22b: {  	[tilespmem:s19], [sflag:$0x9] =	stream.linear.gather @!p2 [hbm4b:s21+s22], s0, $0x38;
	[tilespmem:$0x1F0E8] =	vst v63  }
0x22c: {  	s19 =	ssub.s32 @!p2 $0x50910, s15  }
0x22d: {  	p3 =	slt.s32 @!p2 s19, $0x1  }
0x22e: {  	p3 =	por p2, p3  }
.Ltmp7:
0x22f: {  	_ = 	snop;
	(pc) =	sbr.rel @p3 .LBB3_7-.Ltmp7, $1  }
0x230: {  	_ =	sdelay $0x3  }
0x231: {  	s0 =	smulhi.u32 $0xAAAAAAAB, s20;
	_ =	sdelay $0x1  }
0x232: {  	s0 =	sshrl.u32 s0, $0x1  }
0x233: {  	s0 =	smul.u32 $0x3, s0;
	_ =	sdelay $0x1  }
0x234: {  	s0 =	ssub.s32 s20, s0  }
0x235: {  	s21 =	simm.s32 $0x1;
	s0 =	smul.u32 $0x6C0, s0  }
.Ltmp8:
0x236: {  	s21 =	simm.s32 @!p0 $0x0;
	(pc) =	sbr.rel .LBB3_4-.Ltmp8, $4  }
0x237: {  	s31 =	smul.u32 $0x36000, s21  }
0x238: {  	p3 =	slt.s32 @!p2 s19, $0x1B0;
	s0 =	sshrl.u32 s0, $0x2  }
0x239: {  	p2 =	por !p3, p2;
	s20 =	sshrl.u32 s31, $0x2;
	s0 =	sadd.s32 $0x3878, s0  }
0x23a: {  	s19 =	simm.s32 @p2 $0x1B0;
	s21 =	simm.s32 $0x0;
	s20 =	sadd.s32 $0x40E8, s20;
	v1 =	vmov s0  }
.LBB3_3:
0x23b: {  	p2 =	sge.s32 s21, s19  }
.Ltmp9:
0x23c: {  	_ = 	snop;
	(pc) =	sbr.rel @p2 .LBB3_7-.Ltmp9, $2  }
0x23d: {  	_ =	sdelay $0x2  }
0x23e: {  	s20 =	sadd.s32 $0x800, s20  }
.LBB3_4:
0x23f: {  	p2 =	sle.s32 s19, s21  }
.Ltmp10:
0x240: {  	_ = 	snop;
	(pc) =	sbr.rel @p2 .LBB3_3-.Ltmp10, $2  }
0x241: {  	_ =	sdelay $0x2  }
0x242: {  	s22 =	smov.u32 s21;
	s21 =	sadd.s32 $0x10, s21  }
0x243: {  	s0 =	ssub.s32 s19, s22  }
0x244: {  	p2 =	slt.s32 s0, $0x10  }
0x245: {  	s0 =	simm.s32 @!p2 $0x10  }
0x246: {  	v2 =	vmov s0  }
0x247: {  	vm0 =	vgt.s32 v2, v0;
	_ =	sdelay $0x5  }
0x248: {  	v2 =	vld.idx.msk [tilespmem:v1+s22+$0x0 ss:$0x1], vm0;
	_ =	sdelay $0x2  }
0x249: {  	s23 =	smov.u32 s19;
	p2 =	slt.s32 s21, s19  }
0x24a: {  	s24 =	smov.u32 s20;
	s25 =	simm.s32 $0x0;
	s23 =	smov.u32 @p2 s21  }
.LBB3_6:
0x24b: {  	(v2sf) =	vpush v2, s25;
	_ =	sdelay $0xc  }
0x24c: {  	s25 =	sadd.s32 $0x1, s25  }
0x24d: {  	s31 =	sadd.s32 s25, s22  }
0x24e: {  	p2 =	slt.s32 s31, s23;
	s0 =	spop (v2sf)  }
.Ltmp11:
0x24f: {  	s0 =	sshll.u32 s0, $0x4;
	(pc) =	sbr.rel @p2 .LBB3_6-.Ltmp11, $4  }
0x250: {  	s0 =	sand.u32 $0x1FFFFFF0, s0  }
0x251: {  	s0 =	sadd.s32 s7, s0  }
0x252: {  	[tilespmem:s24], [sflag:$0x7] =	stream.linear.gather [hbm4b:s0+s13], $0x5, $0x38;
	[tilespmem:$0x1F0E8] =	vst v63  }
0x253: {  	s24 =	sadd.s32 $0x80, s24  }
.Ltmp12:
0x254: {  	_ = 	snop;
	(pc) =	sbr.rel .LBB3_3-.Ltmp12, $1  }
0x255: {  	_ =	sdelay $0x3  }
.LBB3_7:
0x256: {  	p2 =	slt.u32 s17, $0x2  }
.Ltmp13:
0x257: {  	_ = 	snop;
	(pc) =	sbr.rel @p2 .LBB3_20-.Ltmp13, $1  }
0x258: {  	_ =	sdelay $0x3  }
0x259: {  	s0 =	ssub.s32 $0x50910, s18;
	p2 =	sgt.s32 s18, $0x50760;
	s19 =	smov.u32 s18  }
0x25a: {  	s20 =	sshra.s32 s18, $0x1F;
	p3 =	slt.s32 s0, $0x1B0;
	s21 =	smov.u32 s0  }
0x25b: {  	s19 =	simm.s32 @!p2 $0x50760;
	s20 =	sand.u32 s20, s18;
	s21 =	simm.s32 @!p3 $0x1B0  }
0x25c: {  	s19 =	ssub.s32 s19, s20;
	s25 =	smul.u32 $0x14, s21  }
0x25d: {  	s19 =	sadd.s32 $0xFFFAF8A0, s19  }
0x25e: {  	s2 =	simm.s32 $0x7;
	s26 =	sshll.u32 s19, $0x2;
	s20 =	sshrl.u32 s25, $0x2  }
0x25f: {  	p2 =	sgt.s32 s19, $0x1AF;
	s28 =	ssub.s32 $0x6C0, s26;
	_ =	swait.ge [sflag:s2], s20  }
0x260: {  	s20 =	ssub.s32 $0x0, s20;
	s19 =	sshrl.u32 s28, $0x2;
	[sflag:s2] =	ssyncset.done $0x0  }
0x261: {  	s29 =	simm.s32 $0x9;
	s19 =	simm.s32 @p2 $0x0;
	[sflag:s2] =	ssyncadd.s32 s20  }
0x262: {  	_ =	swait.ge [sflag:s29], s19  }
0x263: {  	s19 =	ssub.s32 $0x0, s19;
	[sflag:s29] =	ssyncset.done $0x0  }
0x264: {  	[sflag:s29] =	ssyncadd.s32 s19  }
0x265: {  	v1 =	vld [tilespmem:$0x3648];
	_ =	sdelay $0x4  }
0x266: {  	(v2sf) =	vpush v1, $0x0  }
0x267: {  	(v2sf) =	vpush v1, $0x1  }
0x268: {  	(v2sf) =	vpush v1, $0x2;
	_ =	sdelay $0x3  }
0x269: {  	s19 =	sadd.s32 $0x1B0, s18  }
0x26a: {  	p2 =	slt.s32 s4, s19  }
0x26b: {  	s19 =	smov.u32 @p2 s4;
	p2 =	sgt.s32 s0, $0x0  }
0x26c: {  	s22 =	ssub.s32 s19, s18;
	s0 =	simm.s32 @!p2 $0x0  }
0x26d: {  	p2 =	slt.s32 s0, s22  }
0x26e: {  	s22 =	smov.u32 @p2 s0  }
0x26f: {  	s21 =	simm.s32 $0x1;
	p2 =	slt.s32 s22, $0x1  }
.Ltmp14:
0x270: {  	s21 =	simm.s32 @!p4 $0x0;
	(pc) =	sbr.rel @p2 .LBB3_12-.Ltmp14, $4  }
0x271: {  	s30 =	smul.u32 $0x6C0, s21  }
0x272: {  	s23 =	spop (v2sf)  }
0x273: {  	s31 =	sshrl.u32 s30, $0x2;
	s25 =	spop (v2sf)  }
0x274: {  	s19 =	sadd.s32 $0x3D88, s31;
	s18 =	spop (v2sf)  }
0x275: {  	s0 =	smin.u32 s22, $0x10  }
0x276: {  	v1 =	vmov s0  }
0x277: {  	p3 =	sgt.s32 s22, $0x10;
	vm1 =	vgt.u32 v1, v0  }
.Ltmp15:
0x278: {  	_ = 	snop;
	(pc) =	sbr.rel @!p3 .LBB3_11-.Ltmp15, $2  }
0x279: {  	_ =	sdelay $0x2  }
0x27a: {  	s24 =	simm.s32 $0x10;
	s26 =	sadd.s32 $0xFFFFFFF0, s22;
	s20 =	smov.u32 s19;
	vm0 =	vmmov vm1  }
.LBB3_10:
0x27b: {  	s0 =	smin.u32 s26, $0x10;
	s24 =	sadd.s32 $0x10, s24;
	v1 =	vld.msk [tilespmem:s20+$0x0 ss:$0x1], vm1  }
0x27c: {  	v2 =	vmov s0;
	p3 =	slt.s32 s24, s22  }
0x27d: {  	vm1 =	vgt.u32 v2, v0  }
.Ltmp16:
0x27e: {  	(pc) =	sbr.rel @p3 .LBB3_10-.Ltmp16, $3  }
0x27f: {  	_ =	sdelay $0x1  }
0x280: {  	v1 =	vshll.u32 v1, $0x4  }
0x281: {  	s26 =	sadd.s32 $0xFFFFFFF0, s26;
	[tilespmem:s20+$0x0] =	vst.msk vm0, v1;
	s20 =	sadd.s32 $0x10, s20;
	vm0 =	vmmov vm1  }
.LBB3_11:
0x282: {  	_ =	sdelay $0x4  }
0x283: {  	v1 =	vld.msk [tilespmem:s20+$0x0 ss:$0x1], vm1;
	_ =	sdelay $0x4  }
0x284: {  	v1 =	vshll.u32 v1, $0x4  }
0x285: {  	[tilespmem:s20+$0x0] =	vst.msk vm0, v1  }
.LBB3_12:
0x286: {  	s0 =	sand.u32 $0x1, s17  }
0x287: {  	s0 =	smul.u32 $0x1B0, s0  }
0x288: {  	p3 =	sne.s32 s25, $0xFFFFFFFF  }
0x289: {  	v1 =	vld.msk @!p3 [tilespmem:s0+$0x3D88], $0x1;
	_ =	sdelay $0x4  }
0x28a: {  	(v2sf) =	vpush @!p3 v1, $0x0;
	_ =	sdelay $0xc  }
.Ltmp17:
0x28b: {  	_ = 	snop;
	(pc) =	sbr.rel @p2 .LBB3_18-.Ltmp17, $4  }
0x28c: {  	_ = 	snop  }
0x28d: {  	s24 =	spop @!p3 (v2sf)  }
0x28e: {  	s18 =	simm.s32 @!p3 $0x0;
	s20 =	smov.u32 s24  }
0x28f: {  	[sflag:s14] =	ssyncpa.u1 $0x0;
	s24 =	smov.u32 @p3 s23;
	s20 =	smov.u32 @p3 s25  }
0x290: {  	v1 =	vld.msk [tilespmem:s19+$0x0], $0x1;
	_ =	sdelay $0x4  }
0x291: {  	(v2sf) =	vpush v1, $0x0;
	_ =	sdelay $0xd  }
0x292: {  	s0 =	simm.s32 @!p4 $0x0  }
0x293: {  	s26 =	smul.u32 $0x36000, s21;
	s25 =	ssub.s32 $0x0, s22;
	s28 =	spop (v2sf)  }
0x294: {  	s0 =	simm.s32 @p4 $0x1;
	s23 =	sadd.s32 $0x1, s25;
	p2 =	seq.s32 s24, s28  }
0x295: {  	[smem:$0x7FD] =	sst s0;
	s0 =	sshrl.u32 s26, $0x2;
	p3 =	sgt.s32 @!p2 s24, $0x0  }
0x296: {  	s21 =	sadd.s32 $0x40E8, s0;
	s0 =	smov.u32 s24;
	p3 =	por !p3, p2  }
0x297: {  	s0 =	simm.s32 @p3 $0x0;
	p3 =	seq.s32 s23, $0x0  }
.Ltmp18:
0x298: {  	_ = 	snop;
	(pc) =	sbr.rel @p3 .LBB3_15-.Ltmp18, $4  }
0x299: {  	s3 =	smov.u32 s8;
	s12 =	smov.u32 s5;
	s8 =	smov.u32 s6  }
0x29a: {  	s22 =	simm.s32 $0x0;
	s29 =	simm.s32 @!p2 $0x1;
	s0 =	smin.u32 @!p2 s0, $0x27FFF  }
0x29b: {  	s30 =	simm.s32 @!p2 $0x1B38;
	s29 =	smov.u32 @p2 s22;
	s26 =	sand.u32 @!p2 $0x3FFF8, s0  }
0x29c: {  	s31 =	sand.u32 @!p2 $0x7, s0;
	s0 =	sadd.s32 @!p2 s1, s26;
	s26 =	sadd.s32 $0x1, s19  }
.LBB3_14:
0x29d: {  	s2 =	smov.u32 s29  }
0x29e: {  	[tilespmem:s30], [sflag:$0x2] =	stream.linear.gather @!p2 [hbm4b:s0+s31], $0x5, $0x38;
	[tilespmem:$0x1F0E8] =	vst v63  }
0x29f: {  	s23 =	sadd.s32 $0x1, s23;
	s0 =	smov.u32 s28;
	v1 =	vld.msk [tilespmem:s26+$0x0], $0x1  }
0x2a0: {  	p3 =	seq.s32 s23, $0x0;
	_ =	sdelay $0x3  }
0x2a1: {  	(v2sf) =	vpush v1, $0x0;
	_ =	sdelay $0xe  }
0x2a2: {  	s28 =	spop (v2sf)  }
0x2a3: {  	p2 =	seq.s32 s0, s28  }
0x2a4: {  	p4 =	sgt.s32 @!p2 s0, $0x0;
	s30 =	sshll.u32 @!p2 s29, $0x6;
	s29 =	sadd.s32 @!p2 $0x1, s29  }
.Ltmp19:
0x2a5: {  	p4 =	por !p4, p2;
	s30 =	sshra.s32 @!p2 s30, $0x2;
	(pc) =	sbr.rel @!p3 .LBB3_14-.Ltmp19, $4  }
0x2a6: {  	s29 =	smov.u32 @p2 s2;
	s0 =	simm.s32 @p4 $0x0;
	s30 =	sadd.s32 @!p2 $0x1B38, s30  }
0x2a7: {  	s0 =	smin.u32 @!p2 s0, $0x27FFF  }
0x2a8: {  	s2 =	sand.u32 @!p2 $0x3FFF8, s0;
	s31 =	sand.u32 @!p2 $0x7, s0  }
0x2a9: {  	s26 =	sadd.s32 $0x1, s26;
	s0 =	sadd.s32 @!p2 s1, s2  }
.LBB3_15:
0x2aa: {  	s2 =	smul.u32 $0x14, s29  }
0x2ab: {  	[tilespmem:s30], [sflag:$0x2] =	stream.linear.gather @!p2 [hbm4b:s0+s31], $0x5, $0x38;
	[tilespmem:$0x1F0E8] =	vst v63  }
0x2ac: {  	s31 =	simm.s32 $0x2;
	s30 =	sshrl.u32 s2, $0x2  }
0x2ad: {  	_ =	swait.ge [sflag:s31], s30  }
0x2ae: {  	s0 =	ssub.s32 $0x0, s30;
	[sflag:s31] =	ssyncset.done $0x0  }
0x2af: {  	[sflag:s31] =	ssyncadd.s32 s0  }
0x2b0: {  	v1 =	vld.msk [tilespmem:s19+$0x0], $0x1;
	_ =	sdelay $0x4  }
0x2b1: {  	(v2sf) =	vpush v1, $0x0;
	_ =	sdelay $0xe  }
0x2b2: {  	s23 =	spop (v2sf)  }
0x2b3: {  	p2 =	sne.s32 s24, s23  }
0x2b4: {  	p4 =	sne.s32 @p2 s24, s20  }
0x2b5: {  	p3 =	por !p4, !p2  }
0x2b6: {  	s0 =	simm.s32 @!p3 $0x0  }
0x2b7: {  	v1 =	vld.msk @!p3 [tilespmem:s0+$0x1B38], $0x1f  }
0x2b8: {  	p5 =	sgt.u32 @!p3 s24, $0x27FFF  }
0x2b9: {  	s2 =	sshll.u32 @!p3 s18, $0x6;
	p6 =	por @p2 p5, !p4  }
0x2ba: {  	s2 =	sshra.s32 @!p3 s2, $0x2;
	p1 =	por p6, !p2;
	p6 =	por p4, !p2  }
0x2bb: {  	s26 =	sadd.s32 @!p3 $0x28, s2;
	s28 =	sand.u32 @!p1 $0x3FFF8, s24;
	s29 =	sshll.u32 @!p6 s18, $0x6  }
0x2bc: {  	s24 =	sand.u32 @!p1 $0x7, s24;
	[tilespmem:s2+$0x28] =	vst.add.f32.msk @!p3 $0x1f, v1;
	s2 =	sadd.s32 @!p1 s1, s28;
	s28 =	sshra.s32 @!p6 s29, $0x2  }
0x2bd: {  	[hbm4b:s2+s24] =	stream.linear.scatter @!p1 [tilespmem:s26], [sflag:$0xA], $0x5, $0x38;
	[tilespmem:$0x1F0E8] =	vst v63  }
0x2be: {  	s0 =	rddreg [dreg:$0x2];
	s2 =	sadd.s32 @!p6 $0x28, s28;
	s24 =	simm.s32 @!p6 $0x1  }
0x2bf: {  	[spmem:s0] =	stream.linear.scatter @!p6 [tilespmem:s2], [sflag:$0x1], $0x5, $0x38;
	[tilespmem:$0x1F0E8] =	vst v63  }
0x2c0: {  	s0 =	sadd.s32 @p2 $0x1, s18;
	_ =	swait.ge @!p6 [sflag:s24], $0x5  }
0x2c1: {  	s2 =	sshrl.u32 @p2 s0, $0x4;
	[sflag:s24] =	ssyncset.done @!p6 $0x0  }
0x2c2: {  	s2 =	smulhi.u32 @p2 $0x97B425F, s2;
	[sflag:s24] =	ssyncadd.s32 @!p6 $0xFFFFFFFB  }
0x2c3: {  	s24 =	sadd.s32 $0x1, s25;
	v1 =	vld.msk @p2 [tilespmem:s21+$0x0], $0x1f  }
0x2c4: {  	p1 =	por @p2 !p5, !p4;
	s2 =	smul.u32 @p2 $0x1B0, s2;
	p4 =	seq.s32 s24, $0x0  }
.Ltmp20:
0x2c5: {  	p1 =	por !p1, !p2;
	s25 =	simm.s32 @!p3 $0x0;
	(pc) =	sbr.rel @p4 .LBB3_17-.Ltmp20, $4  }
0x2c6: {  	s26 =	sshll.u32 @!p2 s18, $0x6;
	s25 =	simm.s32 @!p1 $0x14;
	s0 =	ssub.s32 @p2 s0, s2  }
0x2c7: {  	s26 =	sshra.s32 @!p2 s26, $0x2;
	s28 =	sadd.s32 @!p3 $0x0, s25;
	s29 =	sshll.u32 @p2 s0, $0x4  }
0x2c8: {  	s25 =	simm.s32 $0x0;
	s2 =	simm.s32 @p2 $0x1;
	s28 =	smov.u32 @p3 s22;
	[tilespmem:s29+$0x28] =	vst.msk @p2 $0x1f, v1  }
0x2c9: {  	s18 =	smov.u32 @p2 s0;
	s25 =	smov.u32 @p2 s28;
	s22 =	smov.u32 @p2 s2;
	v1 =	vld.msk @!p2 [tilespmem:s21+$0x0], $0x1f  }
.LBB3_16:
0x2ca: {  	_ =	sdelay $0x3  }
0x2cb: {  	s19 =	sadd.s32 $0x1, s19;
	[tilespmem:s26+$0x28] =	vst.add.f32.msk @!p2 $0x1f, v1  }
0x2cc: {  	v1 =	vld.msk [tilespmem:s19+$0x0], $0x1;
	_ =	sdelay $0x4  }
0x2cd: {  	(v2sf) =	vpush v1, $0x0;
	_ =	sdelay $0xe  }
0x2ce: {  	s0 =	smov.u32 s23;
	s23 =	spop (v2sf)  }
0x2cf: {  	p2 =	sne.s32 s0, s23  }
0x2d0: {  	p5 =	sne.s32 @p2 s0, s20  }
0x2d1: {  	p4 =	por !p5, !p2  }
0x2d2: {  	s30 =	sshll.u32 @!p4 s22, $0x6  }
0x2d3: {  	s30 =	sshra.s32 @!p4 s30, $0x2  }
0x2d4: {  	p1 =	sgt.u32 @!p4 s0, $0x27FFF;
	v1 =	vld.msk @!p4 [tilespmem:s30+$0x1B38], $0x1f  }
0x2d5: {  	s31 =	sshll.u32 @!p4 s18, $0x6;
	p6 =	por @p2 p1, !p5;
	p1 =	por @p2 !p1, !p5  }
0x2d6: {  	s5 =	simm.s32 @!p4 $0x0;
	s31 =	sshra.s32 @!p4 s31, $0x2;
	p1 =	por !p1, !p2  }
0x2d7: {  	p5 =	por p5, !p2;
	s5 =	simm.s32 @!p1 $0x14;
	p1 =	por p6, !p2  }
0x2d8: {  	s30 =	sadd.s32 @!p4 $0x28, s31;
	s6 =	sshll.u32 @!p5 s18, $0x6;
	s10 =	sand.u32 @!p1 $0x3FFF8, s0  }
0x2d9: {  	s6 =	sshra.s32 @!p5 s6, $0x2;
	s0 =	sand.u32 @!p1 $0x7, s0;
	s10 =	sadd.s32 @!p1 s1, s10;
	[tilespmem:s31+$0x28] =	vst.add.f32.msk @!p4 $0x1f, v1  }
0x2da: {  	[hbm4b:s10+s0] =	stream.linear.scatter @!p1 [tilespmem:s30], [sflag:$0xA], $0x5, $0x38;
	[tilespmem:$0x1F0E8] =	vst v63  }
0x2db: {  	s2 =	rddreg [dreg:$0x2];
	s0 =	sadd.s32 @!p5 $0x28, s6;
	s6 =	simm.s32 @!p5 $0x1  }
0x2dc: {  	[spmem:s2] =	stream.linear.scatter @!p5 [tilespmem:s0], [sflag:$0x1], $0x5, $0x38;
	[tilespmem:$0x1F0E8] =	vst v63  }
0x2dd: {  	s28 =	sadd.s32 @p2 $0x1, s18;
	_ =	swait.ge @!p5 [sflag:s6], $0x5  }
0x2de: {  	s29 =	sshrl.u32 @p2 s28, $0x4;
	[sflag:s6] =	ssyncset.done @!p5 $0x0  }
0x2df: {  	s21 =	sadd.s32 $0x80, s21;
	s29 =	smulhi.u32 @p2 $0x97B425F, s29;
	[sflag:s6] =	ssyncadd.s32 @!p5 $0xFFFFFFFB  }
0x2e0: {  	s24 =	sadd.s32 $0x1, s24;
	v1 =	vld.msk @p2 [tilespmem:s21+$0x0], $0x1f  }
0x2e1: {  	p3 =	seq.s32 s24, $0x0;
	s29 =	smul.u32 @p2 $0x1B0, s29  }
.Ltmp21:
0x2e2: {  	_ = 	snop;
	(pc) =	sbr.rel @!p3 .LBB3_16-.Ltmp21, $4  }
0x2e3: {  	s28 =	ssub.s32 @p2 s28, s29  }
0x2e4: {  	s26 =	sshll.u32 @!p2 s18, $0x6;
	s5 =	sadd.s32 @!p4 s5, s25;
	s10 =	sshll.u32 @p2 s28, $0x4  }
0x2e5: {  	s9 =	sadd.s32 @p2 $0x1, s22;
	s26 =	sshra.s32 @!p2 s26, $0x2;
	s5 =	smov.u32 @p4 s25;
	[tilespmem:s10+$0x28] =	vst.msk @p2 $0x1f, v1  }
0x2e6: {  	s22 =	smov.u32 @p2 s9;
	s18 =	smov.u32 @p2 s28;
	s25 =	smov.u32 @p2 s5;
	v1 =	vld.msk @!p2 [tilespmem:s21+$0x0], $0x1f  }
.LBB3_17:
.Ltmp22:
0x2e7: {  	_ = 	snop;
	(pc) =	sbr.rel .LBB3_19-.Ltmp22, $4  }
0x2e8: {  	s2 =	sld [smem:$0x7FD]  }
0x2e9: {  	s0 =	sshrl.u32 s25, $0x2  }
0x2ea: {  	s24 =	smov.u32 s23;
	s6 =	smov.u32 s8;
	s5 =	smov.u32 s12  }
0x2eb: {  	s8 =	smov.u32 s3;
	s3 =	rddreg [dreg:$0x3];
	p4 =	seq.s32 s2, $0x1;
	[tilespmem:s26+$0x28] =	vst.add.f32.msk @!p2 $0x1f, v1  }
.LBB3_21:
0x2ec: {  	_ =	sfence.sel $0x180000  }
0x2ed: {  	s0 =	simm.s32 $0x7;
	[bflag:$0x0] =	sbarrier.arrive $0xFFFF  }
0x2ee: {  	s25 =	simm.s32 $0x8;
	[sflag:s0] =	ssyncpa.u1 $0x1  }
0x2ef: {  	s26 =	simm.s32 $0x9;
	[sflag:s25] =	ssyncpa.u1 $0x1  }
0x2f0: {  	s28 =	simm.s32 $0x2;
	[sflag:s26] =	ssyncpa.u1 $0x1  }
0x2f1: {  	[sflag:s28] =	ssyncpa.u1 $0x1  }
0x2f2: {  	v0 =	vld [tilespmem:$0x3648];
	_ =	sdelay $0x4  }
0x2f3: {  	(v2sf) =	vpush v0, $0x0  }
0x2f4: {  	(v2sf) =	vpush v0, $0x1;
	_ =	sdelay $0x1  }
0x2f5: {  	(v2sf) =	vpush v0, $0x2;
	_ =	sdelay $0xb  }
0x2f6: {  	s0 =	spop (v2sf)  }
0x2f7: {  	s2 =	spop (v2sf)  }
0x2f8: {  	s3 =	smov.u32 s0;
	p0 =	sne.s32 s0, s2  }
0x2f9: {  	s4 =	spop (v2sf);
	s3 =	simm.s32 @!p0 $0xFFFFFFFF  }
0x2fa: {  	v2 =	vimm.s32 $0x1;
	v3 =	vlaneseq.u32;
	p0 =	seq.s32 s4, $0xFFFFFFFF;
	v1 =	vmov s3  }
0x2fb: {  	s7 =	stileid.u32;
	v0 =	vperm.xlane v0, v2;
	p1 =	sne.s32 @!p0 s0, s2;
	v1 =	vperm.xlane v1, v3  }
0x2fc: {  	vm0 =	vcmask $0x3F04;
	s6 =	simm.s32 $0x3648;
	s0 =	simm.s32 @!p0 $0x1;
	p1 =	por !p1, p0  }
0x2fd: {  	s3 =	sshll.u32 s7, $0x1;
	s2 =	sshll.u32 @!p0 s4, $0x6;
	s0 =	simm.s32 @p1 $0x0;
	v0 =	vsel vm0, v1, v0  }
0x2fe: {  	s5 =	sor.u32 $0x200, s3;
	s2 =	sshra.s32 @!p0 s2, $0x2;
	s0 =	sor.u32 @!p0 s0, s3;
	[tilespmem:$0x3648] =	vst v0  }
0x2ff: {  	[spmem:s5] =	stream.linear.scatter [tilespmem:s6], [sflag:$0x1], $0x2, $0x38;
	[tilespmem:$0x1F0E8] =	vst v63  }
0x300: {  	s2 =	sadd.s32 @!p0 $0x28, s2;
	s0 =	sshll.u32 @!p0 s0, $0x4  }
0x301: {  	[spmem:s0] =	stream.linear.scatter @!p0 [tilespmem:s2], [sflag:$0x1], $0x10, $0x38;
	[tilespmem:$0x1F0E8] =	vst v63  }
0x302: {  	s0 =	simm.s32 @!p0 $0x12  }
0x303: {  	s3 =	simm.s32 $0x1;
	s0 =	simm.s32 @p0 $0x2  }
0x304: {  	_ =	swait.ge [sflag:s3], s0  }
0x305: {  	s0 =	ssub.s32 $0x0, s0;
	[sflag:s3] =	ssyncset.done $0x0  }
0x306: {  	[sflag:s3] =	ssyncadd.s32 s0  }
0x307: {  	_ =	sfence.stream.spmem  }
0x308: {  	s29 =	simm.s32 $0x3;
	[bflag:$0x0] =	sbarrier.arrive $0xFFFF  }
0x309: {  	s30 =	simm.s32 $0x4;
	[sflag:s29] =	ssyncpa.u1 $0x1  }
0x30a: {  	s31 =	simm.s32 $0x3C;
	[sflag:s30] =	ssyncpa.u1 $0x1  }
0x30b: {  	p0 =	sne.s32 s7, $0x0;
	[sflag:s31] =	ssyncpa.u1 $0x1  }
0x30c: {  	_ =	sfence @p0  }
0x30d: {  	[sflag:s3] =	ssyncpa.u1 @p0 $0x1  }
0x30e: {  	_ =	strace @p0 $0x9000004A  }
0x30f: {  	[bflag:$0x2] =	sbarrier.arrive @p0 $0xFFFF  }
0x310: {  	_ =	shalt @p0  }
.LBB3_22:
0x311: {  	_ =	sfence.stream.spmem;
	s0 =	simm.s32 $0x5  }
0x312: {  	s2 =	simm.s32 $0x200;
	s3 =	simm.s32 $0x3658;
	[sflag:s0] =	ssyncpa.u1 $0x0  }
0x313: {  	[tilespmem:s3], [sflag:$0x5] =	stream.linear.gather [spmem:s2], $0x20, $0x38;
	[tilespmem:$0x1F0E8] =	vst v63  }
0x314: {  	s30 =	simm.s32 $0x3678;
	s2 =	simm.s32 $0x0  }
0x315: {  	[tilespmem:s30], [sflag:$0x5] =	stream.linear.gather [spmem:s2], $0x200, $0x38;
	[tilespmem:$0x1F0E8] =	vst v63  }
.Ltmp23:
0x316: {  	_ = 	snop;
	(pc) =	sbr.rel .LBB3_23-.Ltmp23, $4  }
0x317: {  	_ =	swait.ge [sflag:s0], $0x220  }
0x318: {  	[sflag:s0] =	ssyncset.done $0x0  }
0x319: {  	s31 =	simm.s32 $0x6;
	[sflag:s0] =	ssyncadd.s32 $0xFFFFFDE0  }
0x31a: {  	s3 =	simm.s32 $0x0;
	[sflag:s31] =	ssyncpa.u1 $0x0  }
.LBB3_28:
0x31b: {  	p0 =	slt.u32 s4, $0x28000  }
0x31c: {  	s0 =	sand.u32 @p0 $0x3FFF8, s4  }
0x31d: {  	s4 =	sand.u32 @p0 $0x7, s4;
	s5 =	simm.s32 @p0 $0x3638;
	s0 =	sadd.s32 @p0 s1, s0  }
0x31e: {  	[tilespmem:s5], [sflag:$0x6] =	stream.linear.gather @p0 [hbm4b:s0+s4], $0x5, $0x38;
	[tilespmem:$0x1F0E8] =	vst v63  }
0x31f: {  	s0 =	simm.s32 @p0 $0x6  }
0x320: {  	_ =	swait.ge @p0 [sflag:s0], $0x5  }
0x321: {  	[sflag:s0] =	ssyncset.done @p0 $0x0  }
0x322: {  	[sflag:s0] =	ssyncadd.s32 @p0 $0xFFFFFFFB  }
0x323: {  	v1 =	vld @p0 [tilespmem:$0x3638];
	_ =	sdelay $0x2  }
0x324: {  	s0 =	sshll.u32 @p0 s3, $0x6  }
0x325: {  	s5 =	sshll.u32 @!p0 s3, $0x6;
	s4 =	sshrl.u32 @p0 s0, $0x2  }
0x326: {  	s5 =	smov.u32 @p0 s0;
	[tilespmem:s4+$0x3678] =	vst.add.f32.msk @p0 $0xffff, v1  }
0x327: {  	s0 =	sshrl.u32 s5, $0x2;
	[tilespmem:s2+$0x3658] =	vst.msk $0x1, v0  }
0x328: {  	v0 =	vld [tilespmem:s0+$0x3678];
	_ =	sdelay $0x2  }
0x329: {  	s31 =	sshll.u32 s2, $0x6  }
0x32a: {  	s0 =	sshra.s32 s31, $0x2  }
0x32b: {  	s2 =	sadd.s32 $0x1, s2;
	[tilespmem:s0+$0x3678] =	vst v0  }
.LBB3_30:
0x32c: {  	s3 =	sadd.s32 $0x1, s3  }
0x32d: {  	p0 =	sne.s32 s3, $0x20  }
.Ltmp24:
0x32e: {  	_ = 	snop;
	(pc) =	sbr.rel @!p0 .LBB3_31-.Ltmp24, $1  }
0x32f: {  	_ =	sdelay $0x3  }
.LBB3_23:
0x330: {  	v0 =	vld.msk [tilespmem:s3+$0x3658], $0x1;
	_ =	sdelay $0x4  }
0x331: {  	(v2sf) =	vpush v0, $0x0;
	_ =	sdelay $0xe  }
0x332: {  	s4 =	spop (v2sf)  }
0x333: {  	p0 =	seq.s32 s4, $0xFFFFFFFF  }
.Ltmp25:
0x334: {  	_ = 	snop;
	(pc) =	sbr.rel @p0 .LBB3_30-.Ltmp25, $1  }
0x335: {  	_ =	sdelay $0x3  }
0x336: {  	p0 =	slt.s32 s2, $0x1  }
.Ltmp26:
0x337: {  	_ = 	snop;
	(pc) =	sbr.rel @p0 .LBB3_28-.Ltmp26, $1  }
0x338: {  	_ =	sdelay $0x3  }
0x339: {  	s5 =	simm.s32 $0x3658;
	p0 =	por $0x0, $0x0  }
0x33a: {  	v1 =	vld.msk @!p0 [tilespmem:s5+$0x0], $0x1;
	_ =	sdelay $0x4  }
0x33b: {  	(v2sf) =	vpush @!p0 v1, $0x0;
	_ =	sdelay $0xd  }
0x33c: {  	p2 =	sne.s32 s2, $0x1  }
.Ltmp27:
0x33d: {  	s0 =	spop @!p0 (v2sf);
	(pc) =	sbr.rel @!p2 .LBB3_27-.Ltmp27, $4  }
0x33e: {  	p1 =	seq.s32 @!p0 s4, s0  }
0x33f: {  	s6 =	simm.s32 $0x0;
	p1 =	por !p1, p0  }
0x340: {  	s0 =	simm.s32 $0xFFFFFFFF;
	s6 =	simm.s32 @p1 $0xFFFFFFFF  }
0x341: {  	s7 =	simm.s32 $0x1;
	s6 =	smov.u32 @p0 s0  }
.LBB3_26:
0x342: {  	s0 =	smov.u32 s6;
	p0 =	sne.s32 s6, $0xFFFFFFFF  }
0x343: {  	s5 =	sadd.s32 $0x1, s5;
	s6 =	smov.u32 s7;
	s7 =	sadd.s32 $0x1, s7  }
0x344: {  	p1 =	sne.s32 s2, s7;
	v1 =	vld.msk @!p0 [tilespmem:s5+$0x0], $0x1;
	_ =	sdelay $0x4  }
0x345: {  	(v2sf) =	vpush @!p0 v1, $0x0;
	_ =	sdelay $0xe  }
.Ltmp28:
0x346: {  	s8 =	spop @!p0 (v2sf);
	(pc) =	sbr.rel @p1 .LBB3_26-.Ltmp28, $4  }
0x347: {  	p2 =	seq.s32 @!p0 s4, s8  }
0x348: {  	p2 =	por !p2, p0  }
0x349: {  	s6 =	simm.s32 @p2 $0xFFFFFFFF  }
0x34a: {  	s6 =	smov.u32 @p0 s0  }
.LBB3_27:
0x34b: {  	p0 =	sne.s32 s6, $0xFFFFFFFF  }
.Ltmp29:
0x34c: {  	_ = 	snop;
	(pc) =	sbr.rel @!p0 .LBB3_28-.Ltmp29, $1  }
0x34d: {  	_ =	sdelay $0x3  }
0x34e: {  	s0 =	sshll.u32 s3, $0x4  }
0x34f: {  	s0 =	sand.u32 $0x3FFFFFF0, s0  }
0x350: {  	v0 =	vld [tilespmem:s0+$0x3678]  }
.Ltmp30:
0x351: {  	_ = 	snop;
	(pc) =	sbr.rel .LBB3_30-.Ltmp30, $4  }
0x352: {  	_ = 	snop  }
0x353: {  	s31 =	sshll.u32 s6, $0x6  }
0x354: {  	s0 =	sshra.s32 s31, $0x2  }
0x355: {  	[tilespmem:s0+$0x3678] =	vst.add.f32.msk $0xffff, v0  }
.LBB3_31:
0x356: {  	p0 =	slt.s32 s2, $0x1  }
.Ltmp31:
0x357: {  	_ = 	snop;
	(pc) =	sbr.rel @p0 .LBB3_35-.Ltmp31, $3  }
0x358: {  	_ =	sdelay $0x1  }
0x359: {  	s0 =	simm.s32 $0x6  }
0x35a: {  	s3 =	simm.s32 $0x0;
	[sflag:s0] =	ssyncpa.u1 $0x1  }
0x35b: {  	s0 =	simm.s32 $0x3658  }
0x35c: {  	v0 =	vld.msk [tilespmem:s0+$0x0], $0x1;
	_ =	sdelay $0x4  }
0x35d: {  	(v2sf) =	vpush v0, $0x0;
	_ =	sdelay $0xd  }
0x35e: {  	s2 =	sadd.s32 $0xFFFFFFFF, s2  }
0x35f: {  	p1 =	sne.s32 s2, $0x0;
	s0 =	spop (v2sf)  }
.Ltmp32:
0x360: {  	p0 =	sgt.u32 s0, $0x27FFF;
	(pc) =	sbr.rel @!p1 .LBB3_34-.Ltmp32, $4  }
0x361: {  	s4 =	simm.s32 $0x3678;
	s5 =	sand.u32 @!p0 $0x3FFF8, s0  }
0x362: {  	s6 =	simm.s32 $0x0;
	s0 =	sand.u32 @!p0 $0x7, s0;
	s5 =	sadd.s32 @!p0 s1, s5  }
0x363: {  	[hbm4b:s5+s0] =	stream.linear.scatter @!p0 [tilespmem:s4], [sflag:$0x5], $0x5, $0x38;
	[tilespmem:$0x1F0E8] =	vst v63  }
0x364: {  	s6 =	simm.s32 @!p0 $0x14;
	s5 =	simm.s32 $0x3659  }
.LBB3_33:
0x365: {  	v0 =	vld.msk [tilespmem:s5+$0x0], $0x1;
	s2 =	sadd.s32 $0xFFFFFFFF, s2;
	s3 =	sadd.s32 s3, s6  }
0x366: {  	p0 =	sne.s32 s2, $0x0;
	_ =	sdelay $0x3  }
0x367: {  	(v2sf) =	vpush v0, $0x0;
	_ =	sdelay $0xe  }
.Ltmp33:
0x368: {  	s0 =	spop (v2sf);
	(pc) =	sbr.rel @p0 .LBB3_33-.Ltmp33, $4  }
0x369: {  	s6 =	simm.s32 $0x0;
	p1 =	sgt.u32 s0, $0x27FFF  }
0x36a: {  	s4 =	sadd.s32 $0x10, s4;
	s6 =	simm.s32 @!p1 $0x14;
	s7 =	sand.u32 @!p1 $0x3FFF8, s0  }
0x36b: {  	s5 =	sadd.s32 $0x1, s5;
	s0 =	sand.u32 @!p1 $0x7, s0;
	s7 =	sadd.s32 @!p1 s1, s7  }
0x36c: {  	[hbm4b:s7+s0] =	stream.linear.scatter @!p1 [tilespmem:s4], [sflag:$0x5], $0x5, $0x38;
	[tilespmem:$0x1F0E8] =	vst v63  }
.LBB3_34:
0x36d: {  	s0 =	sadd.s32 s3, s6  }
0x36e: {  	s3 =	sshrl.u32 s0, $0x2  }
.LBB3_35:
0x36f: {  	s0 =	simm.s32 $0x5  }
0x370: {  	_ =	swait.ge [sflag:s0], s3  }
0x371: {  	s1 =	ssub.s32 $0x0, s3;
	[sflag:s0] =	ssyncset.done $0x0  }
0x372: {  	[sflag:s0] =	ssyncadd.s32 s1  }
0x373: {  	[sflag:s0] =	ssyncpa.u1 $0x1  }
0x374: {  	s30 =	simm.s32 $0x1;
	_ =	sfence  }
0x375: {  	[sflag:s30] =	ssyncpa.u1 $0x1  }
0x376: {  	_ =	strace $0x9000004A  }
0x377: {  	[bflag:$0x2] =	sbarrier.arrive $0xFFFF  }
0x378: {  	s31 =	rddreg [dreg:$0x1]  }
0x379: {  	s0 =	sadd.s32 $0x100000, s31  }
0x37a: {  	[sflag:s0] =	ssyncadd.tile.s32 $0x1;
	_ =	shalt  }
.Lfunc_end3:
_tile_overlayer_lowered:
.L_overlay_start_3:
0x37b: {  	(tag) =	ssettag $0x3  }
0x37c: {  	s0 =	rddreg [dreg:$0x0];
	s2 =	stileid.u32  }
0x37d: {  	s1 =	rddreg [dreg:$0x1];
	p0 =	sne.s32 s2, $0x0  }
0x37e: {  	s3 =	rddreg [dreg:$0x2];
	[bflag:$0x3] =	sbarrier.arrive $0xFFFF;
	s2 =	simm.s32 @!p0 $0x1C01  }
0x37f: {  	[timem:s3], [sflag:s2] =	dma.local @!p0 [hbm:s0], s1  }
0x380: {  	s0 =	simm.s32 @!p0 $0x1  }
0x381: {  	_ =	swait.ge @!p0 [sflag:s0], s1  }
0x382: {  	s1 =	ssub.s32 @!p0 $0x0, s1;
	[sflag:s0] =	ssyncset.done @!p0 $0x0  }
0x383: {  	[sflag:s0] =	ssyncadd.s32 @!p0 s1  }
0x384: {  	[bflag:$0x3] =	sbarrier.arrive $0xFFFF  }
0x385: {  	_ =	shalt  }

</sc_bundles>
